<compile_context>
chip_gen: v7x
topology: tpu7x:2x2x1
jax: 0.10.2.dev20260603
libtpu: 0.0.44.dev20260713+nightly
codegen_flags: <defaults>
</compile_context>

<pallas_src>
import functools

import numpy as np
import jax
import jax.numpy as jnp
from jax import lax
from jax.experimental import pallas as pl
from jax.experimental.pallas import tpu as pltpu
from jax.experimental.pallas import tpu_sc as plsc

N = 10000
E = 320000
D = 128
HW = D // 2

NC = 2
NS = 16
NW = NC * NS
B = 128
K = 80
EP = NW * K * B
NP = 10240
R = 1024
GRID = NP // R
RPT = NP // NS
NBUF = 2
SB = 40

_PERM = np.empty((D,), dtype=np.int32)
for _j in range(D // 32):
    for _q in range(16):
        _PERM[32 * _j + _q] = 32 * _j + 2 * _q
        _PERM[32 * _j + 16 + _q] = 32 * _j + 2 * _q + 1
_PERM.setflags(write=False)


def _sc_aggregate(table, src_g, dst_g, zeros):
    mesh = plsc.VectorSubcoreMesh(
        core_axis_name="c", subcore_axis_name="s", num_cores=NC, num_subcores=NS
    )

    @functools.partial(
        pl.kernel,
        out_type=jax.ShapeDtypeStruct((NC, NP, D), jnp.float32),
        mesh=mesh,
        compiler_params=pltpu.CompilerParams(use_tc_tiling_on_sc=False),
        scratch_types=[
            pltpu.VMEM((SB, B), jnp.int32),
            pltpu.VMEM((SB, B), jnp.int32),
            pltpu.VMEM((B, HW), jnp.int32),
            pltpu.VMEM((B, HW), jnp.int32),
            pltpu.VMEM((B, D), jnp.float32),
            pltpu.SemaphoreType.DMA,
            pltpu.SemaphoreType.DMA,
            pltpu.VMEM_SHARED((NP, D), jnp.float32),
        ],
    )
    def k(table_hbm, src_hbm, dst_hbm, zeros_hbm, out_hbm, src_c, dst_c,
          rows0, rows1, fbuf, gsem0, gsem1, acc):
        rows = (rows0, rows1)
        gsem = (gsem0, gsem1)
        c = lax.axis_index("c")
        s = lax.axis_index("s")
        wid = s * NC + c
        pltpu.sync_copy(zeros_hbm.at[pl.ds(s * RPT, RPT)], acc.at[pl.ds(s * RPT, RPT)])
        plsc.subcore_barrier()

        def widen(buf):
            def row_(r, carry):
                for j in range(D // 32):
                    v = buf[r, pl.ds(16 * j, 16)]
                    sixteen = jnp.full((16,), 16, dtype=jnp.int32)
                    himask = jnp.full((16,), -65536, dtype=jnp.int32)
                    lo = lax.bitcast_convert_type(lax.shift_left(v, sixteen), jnp.float32)
                    hi = lax.bitcast_convert_type(lax.bitwise_and(v, himask), jnp.float32)
                    fbuf[r, pl.ds(32 * j, 16)] = lo
                    fbuf[r, pl.ds(32 * j + 16, 16)] = hi
                return carry

            lax.fori_loop(0, B, row_, 0)

        def super_(t, carry):
            pltpu.sync_copy(src_hbm.at[wid, pl.ds(t * SB, SB)], src_c)
            pltpu.sync_copy(dst_hbm.at[wid, pl.ds(t * SB, SB)], dst_c)
            for b in range(NBUF):
                pltpu.async_copy(table_hbm.at[src_c.at[b]], rows[b], gsem[b])

            def pair_(p, carry2):
                for b in range(NBUF):
                    i = p * NBUF + b
                    pltpu.make_async_copy(table_hbm.at[src_c.at[i]], rows[b], gsem[b]).wait()
                    widen(rows[b])
                    ni = i + NBUF

                    @pl.when(ni < SB)
                    def _():
                        pltpu.async_copy(table_hbm.at[src_c.at[ni]], rows[b], gsem[b])

                    pltpu.sync_copy(fbuf, acc.at[dst_c.at[i]], add=True)
                return carry2

            lax.fori_loop(0, SB // NBUF, pair_, 0)
            return carry

        lax.fori_loop(0, K // SB, super_, 0)
        plsc.subcore_barrier()
        pltpu.sync_copy(acc.at[pl.ds(s * RPT, RPT)], out_hbm.at[c, pl.ds(s * RPT, RPT)])

    return k(table, src_g, dst_g, zeros)


def _mlp_mid_body(x_ref, a0_ref, a1_ref, w1_ref, b1_ref, w2_ref, b2_ref,
                  w2p_ref, b2p_ref, h_ref, xp_ref):
    z = x_ref[...] + a0_ref[...] + a1_ref[...]
    y = jnp.dot(z, w1_ref[...], preferred_element_type=jnp.float32) + b1_ref[...]
    y = jnp.maximum(y, 0.0)
    rows = pl.program_id(0) * R + lax.broadcasted_iota(jnp.int32, (R, D), 0)
    mask = rows < N
    h = jnp.dot(y, w2_ref[...], preferred_element_type=jnp.float32) + b2_ref[...]
    h = jnp.where(mask, jnp.maximum(h, 0.0), 0.0)
    h_ref[...] = h.astype(jnp.bfloat16)
    hp = jnp.dot(y, w2p_ref[...], preferred_element_type=jnp.float32) + b2p_ref[...]
    xp_ref[...] = jnp.where(mask, jnp.maximum(hp, 0.0), 0.0)


def _mlp_last_body(x_ref, a0_ref, a1_ref, w1_ref, b1_ref, w2_ref, b2_ref, o_ref):
    z = x_ref[...] + a0_ref[...] + a1_ref[...]
    y = jnp.dot(z, w1_ref[...], preferred_element_type=jnp.float32) + b1_ref[...]
    y = jnp.maximum(y, 0.0)
    h = jnp.dot(y, w2_ref[...], preferred_element_type=jnp.float32) + b2_ref[...]
    rows = pl.program_id(0) * R + lax.broadcasted_iota(jnp.int32, (R, D), 0)
    o_ref[...] = jnp.where(rows < N, h, 0.0)


def _tc_mlp_mid(xp, acc, W1p, b1, W2, b2, W2p, b2p):
    row_spec = pl.BlockSpec((R, D), lambda i: (i, 0))
    full_spec = pl.BlockSpec((D, D), lambda i: (0, 0))
    bias_spec = pl.BlockSpec((1, D), lambda i: (0, 0))
    return pl.pallas_call(
        _mlp_mid_body,
        grid=(GRID,),
        in_specs=[row_spec, row_spec, row_spec, full_spec, bias_spec,
                  full_spec, bias_spec, full_spec, bias_spec],
        out_specs=[row_spec, row_spec],
        out_shape=[
            jax.ShapeDtypeStruct((NP, D), jnp.bfloat16),
            jax.ShapeDtypeStruct((NP, D), jnp.float32),
        ],
    )(xp, acc[0], acc[1], W1p, b1.reshape(1, D), W2, b2.reshape(1, D),
      W2p, b2p.reshape(1, D))


def _tc_mlp_last(xp, acc, W1p, b1, W2, b2):
    row_spec = pl.BlockSpec((R, D), lambda i: (i, 0))
    full_spec = pl.BlockSpec((D, D), lambda i: (0, 0))
    bias_spec = pl.BlockSpec((1, D), lambda i: (0, 0))
    return pl.pallas_call(
        _mlp_last_body,
        grid=(GRID,),
        in_specs=[row_spec, row_spec, row_spec, full_spec, bias_spec, full_spec, bias_spec],
        out_specs=row_spec,
        out_shape=jax.ShapeDtypeStruct((NP, D), jnp.float32),
    )(xp, acc[0], acc[1], W1p, b1.reshape(1, D), W2, b2.reshape(1, D))


def _pack_table(h_bf16):
    return lax.bitcast_convert_type(h_bf16.reshape(NP, HW, 2), jnp.int32)


def kernel(x, edge_index, W1_0, b1_0, W2_0, b2_0, W1_1, b1_1, W2_1, b2_1,
           W1_2, b1_2, W2_2, b2_2):
    perm = jnp.asarray(_PERM)
    src = edge_index[0]
    dst = edge_index[1]
    src_p = jnp.full((EP,), N, dtype=jnp.int32).at[:E].set(src)
    dst_p = jnp.zeros((EP,), dtype=jnp.int32).at[:E].set(dst)
    src_g = src_p.reshape(NW, K, B)
    dst_g = dst_p.reshape(NW, K, B)
    zeros = jnp.zeros((NP, D), dtype=jnp.float32)

    h = jnp.zeros((NP, D), dtype=jnp.float32).at[:N].set(x)
    table = _pack_table(h.astype(jnp.bfloat16))
    xp = jnp.take(h, perm, axis=1)

    weights = [(W1_0, b1_0, W2_0, b2_0), (W1_1, b1_1, W2_1, b2_1), (W1_2, b1_2, W2_2, b2_2)]
    out = None
    for l, (W1, b1, W2, b2) in enumerate(weights):
        acc = _sc_aggregate(table, src_g, dst_g, zeros)
        W1p = jnp.take(W1, perm, axis=0)
        if l < 2:
            W2p = jnp.take(W2, perm, axis=1)
            b2p = jnp.take(b2, perm, axis=0)
            h_bf, xp = _tc_mlp_mid(xp, acc, W1p, b1, W2, b2, W2p, b2p)
            table = _pack_table(h_bf)
        else:
            out = _tc_mlp_last(xp, acc, W1p, b1, W2, b2)
    return out[:N]

# --- scband reference (transcript-rebuilt; emitter-appended) ---
"""Pipeline reference for scband-gin-27221502722403 (READ-ONLY COPY).

The authoritative reference and input builder live on the scoring server;
editing this copy changes nothing except your own understanding.
"""

import jax, jax.numpy as jnp
import numpy as np

N = 10000
E = 320000
D = 128
HID = 128
OUT = 128


def _init_linear(key, fan_in, fan_out):
    k1, k2 = jax.random.split(key)
    bound = 1.0 / np.sqrt(fan_in)
    W = jax.random.uniform(k1, (fan_in, fan_out), minval=-bound, maxval=bound, dtype=jnp.float32)
    b = jax.random.uniform(k2, (fan_out,), minval=-bound, maxval=bound, dtype=jnp.float32)
    return W, b


def setup_inputs(seed: int = 0) -> dict:
    key = jax.random.key(seed)
    ks = jax.random.split(key, 8)
    x = jax.random.normal(ks[0], (N, D), dtype=jnp.float32)
    edge_index = jax.random.randint(ks[1], (2, E), 0, N, dtype=jnp.int32)
    dims = [(D, HID), (HID, HID), (HID, OUT)]
    inp = {"x": x, "edge_index": edge_index}
    for l, (fi, fo) in enumerate(dims):
        W1, b1 = _init_linear(ks[2 + 2 * l], fi, fo)
        W2, b2 = _init_linear(ks[3 + 2 * l], fo, fo)
        inp[f"W1_{l}"] = W1
        inp[f"b1_{l}"] = b1
        inp[f"W2_{l}"] = W2
        inp[f"b2_{l}"] = b2
    return inp


def _gin_conv(h, edge_index, W1, b1, W2, b2):
    # GINConv: mlp((1 + eps) * x + sum_{j in N(i)} x_j), eps = 0 (train_eps=False)
    src = edge_index[0]
    dst = edge_index[1]
    msg = jnp.take(h, src, axis=0)
    aggr = jax.ops.segment_sum(msg, dst, num_segments=h.shape[0])
    z = h + aggr
    z = z @ W1 + b1
    z = jax.nn.relu(z)
    z = z @ W2 + b2
    return z


def reference(x, edge_index, W1_0, b1_0, W2_0, b2_0, W1_1, b1_1, W2_1, b2_1, W1_2, b1_2, W2_2, b2_2):
    h = x
    # conv_layers[0:-1]: conv -> act (relu) -> dropout(p=0, no-op)
    h = _gin_conv(h, edge_index, W1_0, b1_0, W2_0, b2_0)
    h = jax.nn.relu(h)
    h = _gin_conv(h, edge_index, W1_1, b1_1, W2_1, b2_1)
    h = jax.nn.relu(h)
    # last conv, no activation; JK='last', batch=None -> return node_emb
    h = _gin_conv(h, edge_index, W1_2, b1_2, W2_2, b2_2)
    return h

if __name__ == "__main__":
    import jax
    _d = setup_inputs()
    print(jax.jit(kernel)(*tuple(_d.values())))

</pallas_src>

<mosaic_0001>
#map = affine_map<(d0, d1) -> (0, 0)>
#map1 = affine_map<(d0, d1) -> (0, 0, 0)>
module attributes {stable_mosaic.version = 14 : i64} {
  func.func @k(%arg0: i32, %arg1: i32, %arg2: memref<10240x64xi32, #tpu.memory_space<hbm>>, %arg3: memref<32x80x128xi32, #tpu.memory_space<hbm>>, %arg4: memref<32x80x128xi32, #tpu.memory_space<hbm>>, %arg5: memref<10240x128xf32, #tpu.memory_space<hbm>>, %arg6: memref<2x10240x128xf32, #tpu.memory_space<hbm>>, %arg7: memref<40x128xi32, #tpu.memory_space<vmem>>, %arg8: memref<40x128xi32, #tpu.memory_space<vmem>>, %arg9: memref<128x64xi32, #tpu.memory_space<vmem>>, %arg10: memref<128x64xi32, #tpu.memory_space<vmem>>, %arg11: memref<128x128xf32, #tpu.memory_space<vmem>>, %arg12: memref<!tpu.dma_semaphore, #tpu.memory_space<semaphore_mem>>, %arg13: memref<!tpu.dma_semaphore, #tpu.memory_space<semaphore_mem>>, %arg14: memref<10240x128xf32, #tpu.memory_space<vmem_shared>>) attributes {dimension_semantics = [#tpu.dimension_semantics<core_parallel>, #tpu.dimension_semantics<subcore_parallel>], iteration_bounds = array<i64: 2, 16>, scalar_prefetch = 0 : i64, scratch_operands = 8 : i64, tpu.core_type = #tpu.core_type<sc_vector_subcore>, window_params = [{transform_indices = #map}, {transform_indices = #map1}, {transform_indices = #map1}, {transform_indices = #map}, {transform_indices = #map1}]} {
    %mul3A = arith.constant 2 : i32
    %mul3A_0 = arith.muli %arg1, %mul3A : i32
    %add3A = arith.addi %mul3A_0, %arg0 : i32
    %mul3A_1 = arith.constant 640 : i32
    %mul3A_2 = arith.muli %arg1, %mul3A_1 : i32
    %mul3A_3 = arith.constant 640 : i32
    %mul3A_4 = arith.muli %arg1, %mul3A_3 : i32
    "tpu.region"() ({
      %run_scoped3A = tpu.sem_alloc : memref<!tpu.dma_semaphore, #tpu.memory_space<semaphore_mem>>
      %dma_start3A = arith.constant 0 : i32
      %dma_start3A_15 = tpu.memref_slice %arg14[%mul3A_4, %dma_start3A] : memref<10240x128xf32, #tpu.memory_space<vmem_shared>> -> memref<640x128xf32, #tpu.memory_space<vmem_shared>>
      %dma_start3A_16 = arith.constant 0 : i32
      %dma_start3A_17 = tpu.memref_slice %arg5[%mul3A_2, %dma_start3A_16] : memref<10240x128xf32, #tpu.memory_space<hbm>> -> memref<640x128xf32, #tpu.memory_space<hbm>>
      tpu.enqueue_dma source(%dma_start3A_17 : memref<640x128xf32, #tpu.memory_space<hbm>>) target(%dma_start3A_15 : memref<640x128xf32, #tpu.memory_space<vmem_shared>>) target_semaphore(%run_scoped3A : memref<!tpu.dma_semaphore, #tpu.memory_space<semaphore_mem>>)
      %dma_wait3A = arith.constant 0 : i32
      %dma_wait3A_18 = tpu.memref_slice %arg14[%mul3A_4, %dma_wait3A] : memref<10240x128xf32, #tpu.memory_space<vmem_shared>> -> memref<640x128xf32, #tpu.memory_space<vmem_shared>>
      %dma_wait3A_19 = arith.constant 0 : i32
      %dma_wait3A_20 = tpu.memref_slice %arg5[%mul3A_2, %dma_wait3A_19] : memref<10240x128xf32, #tpu.memory_space<hbm>> -> memref<640x128xf32, #tpu.memory_space<hbm>>
      tpu.wait_dma2 semaphore(%run_scoped3A : memref<!tpu.dma_semaphore, #tpu.memory_space<semaphore_mem>>) src(%dma_wait3A_20 : memref<640x128xf32, #tpu.memory_space<hbm>>) dst(%dma_wait3A_18 : memref<640x128xf32, #tpu.memory_space<vmem_shared>>)
      tpu.yield
    }) : () -> ()
    %barrier3A = arith.constant 0 : index
    tpu.barrier barrier_id(%barrier3A)
    %scan3A = arith.constant 0 : i32
    %scan3A_5 = arith.constant 0 : i32
    %scan3A_6 = arith.constant 2 : i32
    %scan3A_7 = arith.addi %scan3A_5, %scan3A_6 : i32
    %scan3A_8 = arith.constant 1 : i32
    scf.for %scan3A_15 = %scan3A_5 to %scan3A_7 step %scan3A_8  : i32 {
      %mul3A_16 = arith.constant 40 : i32
      %mul3A_17 = arith.muli %scan3A_15, %mul3A_16 : i32
      "tpu.region"() ({
        %run_scoped3A = tpu.sem_alloc : memref<!tpu.dma_semaphore, #tpu.memory_space<semaphore_mem>>
        %dma_start3A_39 = arith.constant 0 : i32
        %dma_start3A_40 = tpu.memref_slice %arg3[%add3A, %mul3A_17, %dma_start3A_39] : memref<32x80x128xi32, #tpu.memory_space<hbm>> -> memref<1x40x128xi32, #tpu.memory_space<hbm>>
        %dma_start3A_41 = tpu.memref_squeeze %dma_start3A_40 : memref<1x40x128xi32, #tpu.memory_space<hbm>> -> memref<40x128xi32, #tpu.memory_space<hbm>>
        %dma_start3A_42 = arith.constant 0 : i32
        %dma_start3A_43 = tpu.memref_slice %arg3[%add3A, %mul3A_17, %dma_start3A_42] : memref<32x80x128xi32, #tpu.memory_space<hbm>> -> memref<1x40x128xi32, #tpu.memory_space<hbm>>
        %dma_start3A_44 = tpu.memref_squeeze %dma_start3A_43 : memref<1x40x128xi32, #tpu.memory_space<hbm>> -> memref<40x128xi32, #tpu.memory_space<hbm>>
        tpu.enqueue_dma source(%dma_start3A_44 : memref<40x128xi32, #tpu.memory_space<hbm>>) target(%arg7 : memref<40x128xi32, #tpu.memory_space<vmem>>) target_semaphore(%run_scoped3A : memref<!tpu.dma_semaphore, #tpu.memory_space<semaphore_mem>>)
        %dma_wait3A = arith.constant 0 : i32
        %dma_wait3A_45 = tpu.memref_slice %arg3[%add3A, %mul3A_17, %dma_wait3A] : memref<32x80x128xi32, #tpu.memory_space<hbm>> -> memref<1x40x128xi32, #tpu.memory_space<hbm>>
        %dma_wait3A_46 = tpu.memref_squeeze %dma_wait3A_45 : memref<1x40x128xi32, #tpu.memory_space<hbm>> -> memref<40x128xi32, #tpu.memory_space<hbm>>
        %dma_wait3A_47 = arith.constant 0 : i32
        %dma_wait3A_48 = tpu.memref_slice %arg3[%add3A, %mul3A_17, %dma_wait3A_47] : memref<32x80x128xi32, #tpu.memory_space<hbm>> -> memref<1x40x128xi32, #tpu.memory_space<hbm>>
        %dma_wait3A_49 = tpu.memref_squeeze %dma_wait3A_48 : memref<1x40x128xi32, #tpu.memory_space<hbm>> -> memref<40x128xi32, #tpu.memory_space<hbm>>
        tpu.wait_dma2 semaphore(%run_scoped3A : memref<!tpu.dma_semaphore, #tpu.memory_space<semaphore_mem>>) src(%dma_wait3A_49 : memref<40x128xi32, #tpu.memory_space<hbm>>) dst(%arg7 : memref<40x128xi32, #tpu.memory_space<vmem>>)
        tpu.yield
      }) : () -> ()
      %mul3A_18 = arith.constant 40 : i32
      %mul3A_19 = arith.muli %scan3A_15, %mul3A_18 : i32
      "tpu.region"() ({
        %run_scoped3A = tpu.sem_alloc : memref<!tpu.dma_semaphore, #tpu.memory_space<semaphore_mem>>
        %dma_start3A_39 = arith.constant 0 : i32
        %dma_start3A_40 = tpu.memref_slice %arg4[%add3A, %mul3A_19, %dma_start3A_39] : memref<32x80x128xi32, #tpu.memory_space<hbm>> -> memref<1x40x128xi32, #tpu.memory_space<hbm>>
        %dma_start3A_41 = tpu.memref_squeeze %dma_start3A_40 : memref<1x40x128xi32, #tpu.memory_space<hbm>> -> memref<40x128xi32, #tpu.memory_space<hbm>>
        %dma_start3A_42 = arith.constant 0 : i32
        %dma_start3A_43 = tpu.memref_slice %arg4[%add3A, %mul3A_19, %dma_start3A_42] : memref<32x80x128xi32, #tpu.memory_space<hbm>> -> memref<1x40x128xi32, #tpu.memory_space<hbm>>
        %dma_start3A_44 = tpu.memref_squeeze %dma_start3A_43 : memref<1x40x128xi32, #tpu.memory_space<hbm>> -> memref<40x128xi32, #tpu.memory_space<hbm>>
        tpu.enqueue_dma source(%dma_start3A_44 : memref<40x128xi32, #tpu.memory_space<hbm>>) target(%arg8 : memref<40x128xi32, #tpu.memory_space<vmem>>) target_semaphore(%run_scoped3A : memref<!tpu.dma_semaphore, #tpu.memory_space<semaphore_mem>>)
        %dma_wait3A = arith.constant 0 : i32
        %dma_wait3A_45 = tpu.memref_slice %arg4[%add3A, %mul3A_19, %dma_wait3A] : memref<32x80x128xi32, #tpu.memory_space<hbm>> -> memref<1x40x128xi32, #tpu.memory_space<hbm>>
        %dma_wait3A_46 = tpu.memref_squeeze %dma_wait3A_45 : memref<1x40x128xi32, #tpu.memory_space<hbm>> -> memref<40x128xi32, #tpu.memory_space<hbm>>
        %dma_wait3A_47 = arith.constant 0 : i32
        %dma_wait3A_48 = tpu.memref_slice %arg4[%add3A, %mul3A_19, %dma_wait3A_47] : memref<32x80x128xi32, #tpu.memory_space<hbm>> -> memref<1x40x128xi32, #tpu.memory_space<hbm>>
        %dma_wait3A_49 = tpu.memref_squeeze %dma_wait3A_48 : memref<1x40x128xi32, #tpu.memory_space<hbm>> -> memref<40x128xi32, #tpu.memory_space<hbm>>
        tpu.wait_dma2 semaphore(%run_scoped3A : memref<!tpu.dma_semaphore, #tpu.memory_space<semaphore_mem>>) src(%dma_wait3A_49 : memref<40x128xi32, #tpu.memory_space<hbm>>) dst(%arg8 : memref<40x128xi32, #tpu.memory_space<vmem>>)
        tpu.yield
      }) : () -> ()
      %dma_start3A = arith.constant 0 : i32
      %dma_start3A_20 = arith.constant 0 : i32
      %dma_start3A_21 = tpu.memref_slice %arg7[%dma_start3A, %dma_start3A_20] : memref<40x128xi32, #tpu.memory_space<vmem>> -> memref<1x128xi32, #tpu.memory_space<vmem>>
      %dma_start3A_22 = tpu.memref_squeeze %dma_start3A_21 : memref<1x128xi32, #tpu.memory_space<vmem>> -> memref<128xi32, #tpu.memory_space<vmem>>
      %dma_start3A_23 = arith.constant 0 : i32
      %dma_start3A_24 = arith.constant 0 : i32
      %dma_start3A_25 = tpu.memref_slice %arg2[%dma_start3A_23, %dma_start3A_24] : memref<10240x64xi32, #tpu.memory_space<hbm>> -> memref<10240x64xi32, #tpu.memory_space<hbm>>
      tpu.enqueue_indirect_dma source(%dma_start3A_25 : memref<10240x64xi32, #tpu.memory_space<hbm>>) target(%arg9 : memref<128x64xi32, #tpu.memory_space<vmem>>) offsets(%dma_start3A_22 : memref<128xi32, #tpu.memory_space<vmem>>) semaphore(%arg12 : memref<!tpu.dma_semaphore, #tpu.memory_space<semaphore_mem>>)
      %dma_start3A_26 = arith.constant 1 : i32
      %dma_start3A_27 = arith.constant 0 : i32
      %dma_start3A_28 = tpu.memref_slice %arg7[%dma_start3A_26, %dma_start3A_27] : memref<40x128xi32, #tpu.memory_space<vmem>> -> memref<1x128xi32, #tpu.memory_space<vmem>>
      %dma_start3A_29 = tpu.memref_squeeze %dma_start3A_28 : memref<1x128xi32, #tpu.memory_space<vmem>> -> memref<128xi32, #tpu.memory_space<vmem>>
      %dma_start3A_30 = arith.constant 0 : i32
      %dma_start3A_31 = arith.constant 0 : i32
      %dma_start3A_32 = tpu.memref_slice %arg2[%dma_start3A_30, %dma_start3A_31] : memref<10240x64xi32, #tpu.memory_space<hbm>> -> memref<10240x64xi32, #tpu.memory_space<hbm>>
      tpu.enqueue_indirect_dma source(%dma_start3A_32 : memref<10240x64xi32, #tpu.memory_space<hbm>>) target(%arg10 : memref<128x64xi32, #tpu.memory_space<vmem>>) offsets(%dma_start3A_29 : memref<128xi32, #tpu.memory_space<vmem>>) semaphore(%arg13 : memref<!tpu.dma_semaphore, #tpu.memory_space<semaphore_mem>>)
      %scan3A_33 = arith.constant 0 : i32
      %scan3A_34 = arith.constant 0 : i32
      %scan3A_35 = arith.constant 20 : i32
      %scan3A_36 = arith.addi %scan3A_34, %scan3A_35 : i32
      %scan3A_37 = arith.constant 1 : i32
      scf.for %scan3A_39 = %scan3A_34 to %scan3A_36 step %scan3A_37  : i32 {
        %mul3A_40 = arith.constant 2 : i32
        %mul3A_41 = arith.muli %scan3A_39, %mul3A_40 : i32
        %add3A_42 = arith.constant 0 : i32
        %add3A_43 = arith.addi %mul3A_41, %add3A_42 : i32
        %dma_wait3A = arith.constant 0 : i32
        %dma_wait3A_44 = tpu.memref_slice %arg7[%add3A_43, %dma_wait3A] : memref<40x128xi32, #tpu.memory_space<vmem>> -> memref<1x128xi32, #tpu.memory_space<vmem>>
        %dma_wait3A_45 = tpu.memref_squeeze %dma_wait3A_44 : memref<1x128xi32, #tpu.memory_space<vmem>> -> memref<128xi32, #tpu.memory_space<vmem>>
        %dma_wait3A_46 = arith.constant 0 : i32
        %dma_wait3A_47 = arith.constant 0 : i32
        %dma_wait3A_48 = tpu.memref_slice %arg2[%dma_wait3A_46, %dma_wait3A_47] : memref<10240x64xi32, #tpu.memory_space<hbm>> -> memref<10240x64xi32, #tpu.memory_space<hbm>>
        tpu.wait_indirect_dma semaphore(%arg12 : memref<!tpu.dma_semaphore, #tpu.memory_space<semaphore_mem>>) src(%dma_wait3A_48 : memref<10240x64xi32, #tpu.memory_space<hbm>>) dst(%arg9 : memref<128x64xi32, #tpu.memory_space<vmem>>)
        %scan3A_49 = arith.constant 0 : i32
        %scan3A_50 = arith.constant 0 : i32
        %scan3A_51 = arith.constant 128 : i32
        %scan3A_52 = arith.addi %scan3A_50, %scan3A_51 : i32
        %scan3A_53 = arith.constant 1 : i32
        scf.for %scan3A_82 = %scan3A_50 to %scan3A_52 step %scan3A_53  : i32 {
          %get3A = arith.index_cast %scan3A_82 : i32 to index
          %get3A_83 = arith.constant 0 : index
          %get3A_84 = tpu.vector_load %arg9[%get3A, %get3A_83] {strides = array<i32>} : memref<128x64xi32, #tpu.memory_space<vmem>>, vector<1x16xi32>,
          %get3A_85 = vector.shape_cast %get3A_84 : vector<1x16xi32> to vector<16xi32>
          %broadcast_in_dim3A = arith.constant 16 : i32
          %broadcast_in_dim3A_86 = vector.broadcast %broadcast_in_dim3A : i32 to vector<16xi32>
          %broadcast_in_dim3A_87 = arith.constant -65536 : i32
          %broadcast_in_dim3A_88 = vector.broadcast %broadcast_in_dim3A_87 : i32 to vector<16xi32>
          %shift_left3A = arith.shli %get3A_85, %broadcast_in_dim3A_86 : vector<16xi32>
          %bitcast_convert_type3A = tpu.bitcast %shift_left3A : vector<16xi32> -> vector<16xf32>
          %and3A = arith.andi %get3A_85, %broadcast_in_dim3A_88 : vector<16xi32>
          %bitcast_convert_type3A_89 = tpu.bitcast %and3A : vector<16xi32> -> vector<16xf32>
          %swap3A = arith.index_cast %scan3A_82 : i32 to index
          %swap3A_90 = arith.constant 0 : index
          %swap3A_91 = tpu.vector_load %arg11[%swap3A, %swap3A_90] {strides = array<i32>} : memref<128x128xf32, #tpu.memory_space<vmem>>, vector<1x16xf32>,
          %swap3A_92 = vector.shape_cast %swap3A_91 : vector<1x16xf32> to vector<16xf32>
          %swap3A_93 = vector.shape_cast %bitcast_convert_type3A : vector<16xf32> to vector<1x16xf32>
          tpu.vector_store %arg11[%swap3A, %swap3A_90], %swap3A_93 {strides = array<i32>} : memref<128x128xf32, #tpu.memory_space<vmem>>, vector<1x16xf32>,
          %swap3A_94 = arith.index_cast %scan3A_82 : i32 to index
          %swap3A_95 = arith.constant 16 : index
          %swap3A_96 = tpu.vector_load %arg11[%swap3A_94, %swap3A_95] {strides = array<i32>} : memref<128x128xf32, #tpu.memory_space<vmem>>, vector<1x16xf32>,
          %swap3A_97 = vector.shape_cast %swap3A_96 : vector<1x16xf32> to vector<16xf32>
          %swap3A_98 = vector.shape_cast %bitcast_convert_type3A_89 : vector<16xf32> to vector<1x16xf32>
          tpu.vector_store %arg11[%swap3A_94, %swap3A_95], %swap3A_98 {strides = array<i32>} : memref<128x128xf32, #tpu.memory_space<vmem>>, vector<1x16xf32>,
          %get3A_99 = arith.index_cast %scan3A_82 : i32 to index
          %get3A_100 = arith.constant 16 : index
          %get3A_101 = tpu.vector_load %arg9[%get3A_99, %get3A_100] {strides = array<i32>} : memref<128x64xi32, #tpu.memory_space<vmem>>, vector<1x16xi32>,
          %get3A_102 = vector.shape_cast %get3A_101 : vector<1x16xi32> to vector<16xi32>
          %broadcast_in_dim3A_103 = arith.constant 16 : i32
          %broadcast_in_dim3A_104 = vector.broadcast %broadcast_in_dim3A_103 : i32 to vector<16xi32>
          %broadcast_in_dim3A_105 = arith.constant -65536 : i32
          %broadcast_in_dim3A_106 = vector.broadcast %broadcast_in_dim3A_105 : i32 to vector<16xi32>
          %shift_left3A_107 = arith.shli %get3A_102, %broadcast_in_dim3A_104 : vector<16xi32>
          %bitcast_convert_type3A_108 = tpu.bitcast %shift_left3A_107 : vector<16xi32> -> vector<16xf32>
          %and3A_109 = arith.andi %get3A_102, %broadcast_in_dim3A_106 : vector<16xi32>
          %bitcast_convert_type3A_110 = tpu.bitcast %and3A_109 : vector<16xi32> -> vector<16xf32>
          %swap3A_111 = arith.index_cast %scan3A_82 : i32 to index
          %swap3A_112 = arith.constant 32 : index
          %swap3A_113 = tpu.vector_load %arg11[%swap3A_111, %swap3A_112] {strides = array<i32>} : memref<128x128xf32, #tpu.memory_space<vmem>>, vector<1x16xf32>,
          %swap3A_114 = vector.shape_cast %swap3A_113 : vector<1x16xf32> to vector<16xf32>
          %swap3A_115 = vector.shape_cast %bitcast_convert_type3A_108 : vector<16xf32> to vector<1x16xf32>
          tpu.vector_store %arg11[%swap3A_111, %swap3A_112], %swap3A_115 {strides = array<i32>} : memref<128x128xf32, #tpu.memory_space<vmem>>, vector<1x16xf32>,
          %swap3A_116 = arith.index_cast %scan3A_82 : i32 to index
          %swap3A_117 = arith.constant 48 : index
          %swap3A_118 = tpu.vector_load %arg11[%swap3A_116, %swap3A_117] {strides = array<i32>} : memref<128x128xf32, #tpu.memory_space<vmem>>, vector<1x16xf32>,
          %swap3A_119 = vector.shape_cast %swap3A_118 : vector<1x16xf32> to vector<16xf32>
          %swap3A_120 = vector.shape_cast %bitcast_convert_type3A_110 : vector<16xf32> to vector<1x16xf32>
          tpu.vector_store %arg11[%swap3A_116, %swap3A_117], %swap3A_120 {strides = array<i32>} : memref<128x128xf32, #tpu.memory_space<vmem>>, vector<1x16xf32>,
          %get3A_121 = arith.index_cast %scan3A_82 : i32 to index
          %get3A_122 = arith.constant 32 : index
          %get3A_123 = tpu.vector_load %arg9[%get3A_121, %get3A_122] {strides = array<i32>} : memref<128x64xi32, #tpu.memory_space<vmem>>, vector<1x16xi32>,
          %get3A_124 = vector.shape_cast %get3A_123 : vector<1x16xi32> to vector<16xi32>
          %broadcast_in_dim3A_125 = arith.constant 16 : i32
          %broadcast_in_dim3A_126 = vector.broadcast %broadcast_in_dim3A_125 : i32 to vector<16xi32>
          %broadcast_in_dim3A_127 = arith.constant -65536 : i32
          %broadcast_in_dim3A_128 = vector.broadcast %broadcast_in_dim3A_127 : i32 to vector<16xi32>
          %shift_left3A_129 = arith.shli %get3A_124, %broadcast_in_dim3A_126 : vector<16xi32>
          %bitcast_convert_type3A_130 = tpu.bitcast %shift_left3A_129 : vector<16xi32> -> vector<16xf32>
          %and3A_131 = arith.andi %get3A_124, %broadcast_in_dim3A_128 : vector<16xi32>
          %bitcast_convert_type3A_132 = tpu.bitcast %and3A_131 : vector<16xi32> -> vector<16xf32>
          %swap3A_133 = arith.index_cast %scan3A_82 : i32 to index
          %swap3A_134 = arith.constant 64 : index
          %swap3A_135 = tpu.vector_load %arg11[%swap3A_133, %swap3A_134] {strides = array<i32>} : memref<128x128xf32, #tpu.memory_space<vmem>>, vector<1x16xf32>,
          %swap3A_136 = vector.shape_cast %swap3A_135 : vector<1x16xf32> to vector<16xf32>
          %swap3A_137 = vector.shape_cast %bitcast_convert_type3A_130 : vector<16xf32> to vector<1x16xf32>
          tpu.vector_store %arg11[%swap3A_133, %swap3A_134], %swap3A_137 {strides = array<i32>} : memref<128x128xf32, #tpu.memory_space<vmem>>, vector<1x16xf32>,
          %swap3A_138 = arith.index_cast %scan3A_82 : i32 to index
          %swap3A_139 = arith.constant 80 : index
          %swap3A_140 = tpu.vector_load %arg11[%swap3A_138, %swap3A_139] {strides = array<i32>} : memref<128x128xf32, #tpu.memory_space<vmem>>, vector<1x16xf32>,
          %swap3A_141 = vector.shape_cast %swap3A_140 : vector<1x16xf32> to vector<16xf32>
          %swap3A_142 = vector.shape_cast %bitcast_convert_type3A_132 : vector<16xf32> to vector<1x16xf32>
          tpu.vector_store %arg11[%swap3A_138, %swap3A_139], %swap3A_142 {strides = array<i32>} : memref<128x128xf32, #tpu.memory_space<vmem>>, vector<1x16xf32>,
          %get3A_143 = arith.index_cast %scan3A_82 : i32 to index
          %get3A_144 = arith.constant 48 : index
          %get3A_145 = tpu.vector_load %arg9[%get3A_143, %get3A_144] {strides = array<i32>} : memref<128x64xi32, #tpu.memory_space<vmem>>, vector<1x16xi32>,
          %get3A_146 = vector.shape_cast %get3A_145 : vector<1x16xi32> to vector<16xi32>
          %broadcast_in_dim3A_147 = arith.constant 16 : i32
          %broadcast_in_dim3A_148 = vector.broadcast %broadcast_in_dim3A_147 : i32 to vector<16xi32>
          %broadcast_in_dim3A_149 = arith.constant -65536 : i32
          %broadcast_in_dim3A_150 = vector.broadcast %broadcast_in_dim3A_149 : i32 to vector<16xi32>
          %shift_left3A_151 = arith.shli %get3A_146, %broadcast_in_dim3A_148 : vector<16xi32>
          %bitcast_convert_type3A_152 = tpu.bitcast %shift_left3A_151 : vector<16xi32> -> vector<16xf32>
          %and3A_153 = arith.andi %get3A_146, %broadcast_in_dim3A_150 : vector<16xi32>
          %bitcast_convert_type3A_154 = tpu.bitcast %and3A_153 : vector<16xi32> -> vector<16xf32>
          %swap3A_155 = arith.index_cast %scan3A_82 : i32 to index
          %swap3A_156 = arith.constant 96 : index
          %swap3A_157 = tpu.vector_load %arg11[%swap3A_155, %swap3A_156] {strides = array<i32>} : memref<128x128xf32, #tpu.memory_space<vmem>>, vector<1x16xf32>,
          %swap3A_158 = vector.shape_cast %swap3A_157 : vector<1x16xf32> to vector<16xf32>
          %swap3A_159 = vector.shape_cast %bitcast_convert_type3A_152 : vector<16xf32> to vector<1x16xf32>
          tpu.vector_store %arg11[%swap3A_155, %swap3A_156], %swap3A_159 {strides = array<i32>} : memref<128x128xf32, #tpu.memory_space<vmem>>, vector<1x16xf32>,
          %swap3A_160 = arith.index_cast %scan3A_82 : i32 to index
          %swap3A_161 = arith.constant 112 : index
          %swap3A_162 = tpu.vector_load %arg11[%swap3A_160, %swap3A_161] {strides = array<i32>} : memref<128x128xf32, #tpu.memory_space<vmem>>, vector<1x16xf32>,
          %swap3A_163 = vector.shape_cast %swap3A_162 : vector<1x16xf32> to vector<16xf32>
          %swap3A_164 = vector.shape_cast %bitcast_convert_type3A_154 : vector<16xf32> to vector<1x16xf32>
          tpu.vector_store %arg11[%swap3A_160, %swap3A_161], %swap3A_164 {strides = array<i32>} : memref<128x128xf32, #tpu.memory_space<vmem>>, vector<1x16xf32>,
        }
        %scan3A_54 = arith.constant 128 : i32
        %add3A_55 = arith.constant 2 : i32
        %add3A_56 = arith.addi %add3A_43, %add3A_55 : i32
        %lt3A = arith.constant 40 : i32
        %lt3A_57 = arith.cmpi slt, %add3A_56, %lt3A : i32
        %convert_element_type3A = arith.extui %lt3A_57 : i1 to i32
        %cond3A = arith.constant 0 : i32
        %cond3A_58 = arith.cmpi ne, %convert_element_type3A, %cond3A : i32
        scf.if %cond3A_58 {
          %dma_start3A_82 = arith.constant 0 : i32
          %dma_start3A_83 = tpu.memref_slice %arg7[%add3A_56, %dma_start3A_82] : memref<40x128xi32, #tpu.memory_space<vmem>> -> memref<1x128xi32, #tpu.memory_space<vmem>>
          %dma_start3A_84 = tpu.memref_squeeze %dma_start3A_83 : memref<1x128xi32, #tpu.memory_space<vmem>> -> memref<128xi32, #tpu.memory_space<vmem>>
          %dma_start3A_85 = arith.constant 0 : i32
          %dma_start3A_86 = arith.constant 0 : i32
          %dma_start3A_87 = tpu.memref_slice %arg2[%dma_start3A_85, %dma_start3A_86] : memref<10240x64xi32, #tpu.memory_space<hbm>> -> memref<10240x64xi32, #tpu.memory_space<hbm>>
          tpu.enqueue_indirect_dma source(%dma_start3A_87 : memref<10240x64xi32, #tpu.memory_space<hbm>>) target(%arg9 : memref<128x64xi32, #tpu.memory_space<vmem>>) offsets(%dma_start3A_84 : memref<128xi32, #tpu.memory_space<vmem>>) semaphore(%arg12 : memref<!tpu.dma_semaphore, #tpu.memory_space<semaphore_mem>>)
        } else {
        }
        "tpu.region"() ({
          %run_scoped3A = tpu.sem_alloc : memref<!tpu.dma_semaphore, #tpu.memory_space<semaphore_mem>>
          %dma_start3A_82 = arith.constant 0 : i32
          %dma_start3A_83 = tpu.memref_slice %arg8[%add3A_43, %dma_start3A_82] : memref<40x128xi32, #tpu.memory_space<vmem>> -> memref<1x128xi32, #tpu.memory_space<vmem>>
          %dma_start3A_84 = tpu.memref_squeeze %dma_start3A_83 : memref<1x128xi32, #tpu.memory_space<vmem>> -> memref<128xi32, #tpu.memory_space<vmem>>
          %dma_start3A_85 = arith.constant 0 : i32
          %dma_start3A_86 = arith.constant 0 : i32
          %dma_start3A_87 = tpu.memref_slice %arg14[%dma_start3A_85, %dma_start3A_86] : memref<10240x128xf32, #tpu.memory_space<vmem_shared>> -> memref<10240x128xf32, #tpu.memory_space<vmem_shared>>
          tpu.enqueue_indirect_dma source(%arg11 : memref<128x128xf32, #tpu.memory_space<vmem>>) target(%dma_start3A_87 : memref<10240x128xf32, #tpu.memory_space<vmem_shared>>) offsets(%dma_start3A_84 : memref<128xi32, #tpu.memory_space<vmem>>) semaphore(%run_scoped3A : memref<!tpu.dma_semaphore, #tpu.memory_space<semaphore_mem>>) {add = true}
          %dma_wait3A_88 = arith.constant 0 : i32
          %dma_wait3A_89 = tpu.memref_slice %arg8[%add3A_43, %dma_wait3A_88] : memref<40x128xi32, #tpu.memory_space<vmem>> -> memref<1x128xi32, #tpu.memory_space<vmem>>
          %dma_wait3A_90 = tpu.memref_squeeze %dma_wait3A_89 : memref<1x128xi32, #tpu.memory_space<vmem>> -> memref<128xi32, #tpu.memory_space<vmem>>
          %dma_wait3A_91 = arith.constant 0 : i32
          %dma_wait3A_92 = arith.constant 0 : i32
          %dma_wait3A_93 = tpu.memref_slice %arg14[%dma_wait3A_91, %dma_wait3A_92] : memref<10240x128xf32, #tpu.memory_space<vmem_shared>> -> memref<10240x128xf32, #tpu.memory_space<vmem_shared>>
          tpu.wait_indirect_dma semaphore(%run_scoped3A : memref<!tpu.dma_semaphore, #tpu.memory_space<semaphore_mem>>) src(%arg11 : memref<128x128xf32, #tpu.memory_space<vmem>>) dst(%dma_wait3A_93 : memref<10240x128xf32, #tpu.memory_space<vmem_shared>>)
          tpu.yield
        }) : () -> ()
        %mul3A_59 = arith.constant 2 : i32
        %mul3A_60 = arith.muli %scan3A_39, %mul3A_59 : i32
        %add3A_61 = arith.constant 1 : i32
        %add3A_62 = arith.addi %mul3A_60, %add3A_61 : i32
        %dma_wait3A_63 = arith.constant 0 : i32
        %dma_wait3A_64 = tpu.memref_slice %arg7[%add3A_62, %dma_wait3A_63] : memref<40x128xi32, #tpu.memory_space<vmem>> -> memref<1x128xi32, #tpu.memory_space<vmem>>
        %dma_wait3A_65 = tpu.memref_squeeze %dma_wait3A_64 : memref<1x128xi32, #tpu.memory_space<vmem>> -> memref<128xi32, #tpu.memory_space<vmem>>
        %dma_wait3A_66 = arith.constant 0 : i32
        %dma_wait3A_67 = arith.constant 0 : i32
        %dma_wait3A_68 = tpu.memref_slice %arg2[%dma_wait3A_66, %dma_wait3A_67] : memref<10240x64xi32, #tpu.memory_space<hbm>> -> memref<10240x64xi32, #tpu.memory_space<hbm>>
        tpu.wait_indirect_dma semaphore(%arg13 : memref<!tpu.dma_semaphore, #tpu.memory_space<semaphore_mem>>) src(%dma_wait3A_68 : memref<10240x64xi32, #tpu.memory_space<hbm>>) dst(%arg10 : memref<128x64xi32, #tpu.memory_space<vmem>>)
        %scan3A_69 = arith.constant 0 : i32
        %scan3A_70 = arith.constant 0 : i32
        %scan3A_71 = arith.constant 128 : i32
        %scan3A_72 = arith.addi %scan3A_70, %scan3A_71 : i32
        %scan3A_73 = arith.constant 1 : i32
        scf.for %scan3A_82 = %scan3A_70 to %scan3A_72 step %scan3A_73  : i32 {
          %get3A = arith.index_cast %scan3A_82 : i32 to index
          %get3A_83 = arith.constant 0 : index
          %get3A_84 = tpu.vector_load %arg10[%get3A, %get3A_83] {strides = array<i32>} : memref<128x64xi32, #tpu.memory_space<vmem>>, vector<1x16xi32>,
          %get3A_85 = vector.shape_cast %get3A_84 : vector<1x16xi32> to vector<16xi32>
          %broadcast_in_dim3A = arith.constant 16 : i32
          %broadcast_in_dim3A_86 = vector.broadcast %broadcast_in_dim3A : i32 to vector<16xi32>
          %broadcast_in_dim3A_87 = arith.constant -65536 : i32
          %broadcast_in_dim3A_88 = vector.broadcast %broadcast_in_dim3A_87 : i32 to vector<16xi32>
          %shift_left3A = arith.shli %get3A_85, %broadcast_in_dim3A_86 : vector<16xi32>
          %bitcast_convert_type3A = tpu.bitcast %shift_left3A : vector<16xi32> -> vector<16xf32>
          %and3A = arith.andi %get3A_85, %broadcast_in_dim3A_88 : vector<16xi32>
          %bitcast_convert_type3A_89 = tpu.bitcast %and3A : vector<16xi32> -> vector<16xf32>
          %swap3A = arith.index_cast %scan3A_82 : i32 to index
          %swap3A_90 = arith.constant 0 : index
          %swap3A_91 = tpu.vector_load %arg11[%swap3A, %swap3A_90] {strides = array<i32>} : memref<128x128xf32, #tpu.memory_space<vmem>>, vector<1x16xf32>,
          %swap3A_92 = vector.shape_cast %swap3A_91 : vector<1x16xf32> to vector<16xf32>
          %swap3A_93 = vector.shape_cast %bitcast_convert_type3A : vector<16xf32> to vector<1x16xf32>
          tpu.vector_store %arg11[%swap3A, %swap3A_90], %swap3A_93 {strides = array<i32>} : memref<128x128xf32, #tpu.memory_space<vmem>>, vector<1x16xf32>,
          %swap3A_94 = arith.index_cast %scan3A_82 : i32 to index
          %swap3A_95 = arith.constant 16 : index
          %swap3A_96 = tpu.vector_load %arg11[%swap3A_94, %swap3A_95] {strides = array<i32>} : memref<128x128xf32, #tpu.memory_space<vmem>>, vector<1x16xf32>,
          %swap3A_97 = vector.shape_cast %swap3A_96 : vector<1x16xf32> to vector<16xf32>
          %swap3A_98 = vector.shape_cast %bitcast_convert_type3A_89 : vector<16xf32> to vector<1x16xf32>
          tpu.vector_store %arg11[%swap3A_94, %swap3A_95], %swap3A_98 {strides = array<i32>} : memref<128x128xf32, #tpu.memory_space<vmem>>, vector<1x16xf32>,
          %get3A_99 = arith.index_cast %scan3A_82 : i32 to index
          %get3A_100 = arith.constant 16 : index
          %get3A_101 = tpu.vector_load %arg10[%get3A_99, %get3A_100] {strides = array<i32>} : memref<128x64xi32, #tpu.memory_space<vmem>>, vector<1x16xi32>,
          %get3A_102 = vector.shape_cast %get3A_101 : vector<1x16xi32> to vector<16xi32>
          %broadcast_in_dim3A_103 = arith.constant 16 : i32
          %broadcast_in_dim3A_104 = vector.broadcast %broadcast_in_dim3A_103 : i32 to vector<16xi32>
          %broadcast_in_dim3A_105 = arith.constant -65536 : i32
          %broadcast_in_dim3A_106 = vector.broadcast %broadcast_in_dim3A_105 : i32 to vector<16xi32>
          %shift_left3A_107 = arith.shli %get3A_102, %broadcast_in_dim3A_104 : vector<16xi32>
          %bitcast_convert_type3A_108 = tpu.bitcast %shift_left3A_107 : vector<16xi32> -> vector<16xf32>
          %and3A_109 = arith.andi %get3A_102, %broadcast_in_dim3A_106 : vector<16xi32>
          %bitcast_convert_type3A_110 = tpu.bitcast %and3A_109 : vector<16xi32> -> vector<16xf32>
          %swap3A_111 = arith.index_cast %scan3A_82 : i32 to index
          %swap3A_112 = arith.constant 32 : index
          %swap3A_113 = tpu.vector_load %arg11[%swap3A_111, %swap3A_112] {strides = array<i32>} : memref<128x128xf32, #tpu.memory_space<vmem>>, vector<1x16xf32>,
          %swap3A_114 = vector.shape_cast %swap3A_113 : vector<1x16xf32> to vector<16xf32>
          %swap3A_115 = vector.shape_cast %bitcast_convert_type3A_108 : vector<16xf32> to vector<1x16xf32>
          tpu.vector_store %arg11[%swap3A_111, %swap3A_112], %swap3A_115 {strides = array<i32>} : memref<128x128xf32, #tpu.memory_space<vmem>>, vector<1x16xf32>,
          %swap3A_116 = arith.index_cast %scan3A_82 : i32 to index
          %swap3A_117 = arith.constant 48 : index
          %swap3A_118 = tpu.vector_load %arg11[%swap3A_116, %swap3A_117] {strides = array<i32>} : memref<128x128xf32, #tpu.memory_space<vmem>>, vector<1x16xf32>,
          %swap3A_119 = vector.shape_cast %swap3A_118 : vector<1x16xf32> to vector<16xf32>
          %swap3A_120 = vector.shape_cast %bitcast_convert_type3A_110 : vector<16xf32> to vector<1x16xf32>
          tpu.vector_store %arg11[%swap3A_116, %swap3A_117], %swap3A_120 {strides = array<i32>} : memref<128x128xf32, #tpu.memory_space<vmem>>, vector<1x16xf32>,
          %get3A_121 = arith.index_cast %scan3A_82 : i32 to index
          %get3A_122 = arith.constant 32 : index
          %get3A_123 = tpu.vector_load %arg10[%get3A_121, %get3A_122] {strides = array<i32>} : memref<128x64xi32, #tpu.memory_space<vmem>>, vector<1x16xi32>,
          %get3A_124 = vector.shape_cast %get3A_123 : vector<1x16xi32> to vector<16xi32>
          %broadcast_in_dim3A_125 = arith.constant 16 : i32
          %broadcast_in_dim3A_126 = vector.broadcast %broadcast_in_dim3A_125 : i32 to vector<16xi32>
          %broadcast_in_dim3A_127 = arith.constant -65536 : i32
          %broadcast_in_dim3A_128 = vector.broadcast %broadcast_in_dim3A_127 : i32 to vector<16xi32>
          %shift_left3A_129 = arith.shli %get3A_124, %broadcast_in_dim3A_126 : vector<16xi32>
          %bitcast_convert_type3A_130 = tpu.bitcast %shift_left3A_129 : vector<16xi32> -> vector<16xf32>
          %and3A_131 = arith.andi %get3A_124, %broadcast_in_dim3A_128 : vector<16xi32>
          %bitcast_convert_type3A_132 = tpu.bitcast %and3A_131 : vector<16xi32> -> vector<16xf32>
          %swap3A_133 = arith.index_cast %scan3A_82 : i32 to index
          %swap3A_134 = arith.constant 64 : index
          %swap3A_135 = tpu.vector_load %arg11[%swap3A_133, %swap3A_134] {strides = array<i32>} : memref<128x128xf32, #tpu.memory_space<vmem>>, vector<1x16xf32>,
          %swap3A_136 = vector.shape_cast %swap3A_135 : vector<1x16xf32> to vector<16xf32>
          %swap3A_137 = vector.shape_cast %bitcast_convert_type3A_130 : vector<16xf32> to vector<1x16xf32>
          tpu.vector_store %arg11[%swap3A_133, %swap3A_134], %swap3A_137 {strides = array<i32>} : memref<128x128xf32, #tpu.memory_space<vmem>>, vector<1x16xf32>,
          %swap3A_138 = arith.index_cast %scan3A_82 : i32 to index
          %swap3A_139 = arith.constant 80 : index
          %swap3A_140 = tpu.vector_load %arg11[%swap3A_138, %swap3A_139] {strides = array<i32>} : memref<128x128xf32, #tpu.memory_space<vmem>>, vector<1x16xf32>,
          %swap3A_141 = vector.shape_cast %swap3A_140 : vector<1x16xf32> to vector<16xf32>
          %swap3A_142 = vector.shape_cast %bitcast_convert_type3A_132 : vector<16xf32> to vector<1x16xf32>
          tpu.vector_store %arg11[%swap3A_138, %swap3A_139], %swap3A_142 {strides = array<i32>} : memref<128x128xf32, #tpu.memory_space<vmem>>, vector<1x16xf32>,
          %get3A_143 = arith.index_cast %scan3A_82 : i32 to index
          %get3A_144 = arith.constant 48 : index
          %get3A_145 = tpu.vector_load %arg10[%get3A_143, %get3A_144] {strides = array<i32>} : memref<128x64xi32, #tpu.memory_space<vmem>>, vector<1x16xi32>,
          %get3A_146 = vector.shape_cast %get3A_145 : vector<1x16xi32> to vector<16xi32>
          %broadcast_in_dim3A_147 = arith.constant 16 : i32
          %broadcast_in_dim3A_148 = vector.broadcast %broadcast_in_dim3A_147 : i32 to vector<16xi32>
          %broadcast_in_dim3A_149 = arith.constant -65536 : i32
          %broadcast_in_dim3A_150 = vector.broadcast %broadcast_in_dim3A_149 : i32 to vector<16xi32>
          %shift_left3A_151 = arith.shli %get3A_146, %broadcast_in_dim3A_148 : vector<16xi32>
          %bitcast_convert_type3A_152 = tpu.bitcast %shift_left3A_151 : vector<16xi32> -> vector<16xf32>
          %and3A_153 = arith.andi %get3A_146, %broadcast_in_dim3A_150 : vector<16xi32>
          %bitcast_convert_type3A_154 = tpu.bitcast %and3A_153 : vector<16xi32> -> vector<16xf32>
          %swap3A_155 = arith.index_cast %scan3A_82 : i32 to index
          %swap3A_156 = arith.constant 96 : index
          %swap3A_157 = tpu.vector_load %arg11[%swap3A_155, %swap3A_156] {strides = array<i32>} : memref<128x128xf32, #tpu.memory_space<vmem>>, vector<1x16xf32>,
          %swap3A_158 = vector.shape_cast %swap3A_157 : vector<1x16xf32> to vector<16xf32>
          %swap3A_159 = vector.shape_cast %bitcast_convert_type3A_152 : vector<16xf32> to vector<1x16xf32>
          tpu.vector_store %arg11[%swap3A_155, %swap3A_156], %swap3A_159 {strides = array<i32>} : memref<128x128xf32, #tpu.memory_space<vmem>>, vector<1x16xf32>,
          %swap3A_160 = arith.index_cast %scan3A_82 : i32 to index
          %swap3A_161 = arith.constant 112 : index
          %swap3A_162 = tpu.vector_load %arg11[%swap3A_160, %swap3A_161] {strides = array<i32>} : memref<128x128xf32, #tpu.memory_space<vmem>>, vector<1x16xf32>,
          %swap3A_163 = vector.shape_cast %swap3A_162 : vector<1x16xf32> to vector<16xf32>
          %swap3A_164 = vector.shape_cast %bitcast_convert_type3A_154 : vector<16xf32> to vector<1x16xf32>
          tpu.vector_store %arg11[%swap3A_160, %swap3A_161], %swap3A_164 {strides = array<i32>} : memref<128x128xf32, #tpu.memory_space<vmem>>, vector<1x16xf32>,
        }
        %scan3A_74 = arith.constant 128 : i32
        %add3A_75 = arith.constant 2 : i32
        %add3A_76 = arith.addi %add3A_62, %add3A_75 : i32
        %lt3A_77 = arith.constant 40 : i32
        %lt3A_78 = arith.cmpi slt, %add3A_76, %lt3A_77 : i32
        %convert_element_type3A_79 = arith.extui %lt3A_78 : i1 to i32
        %cond3A_80 = arith.constant 0 : i32
        %cond3A_81 = arith.cmpi ne, %convert_element_type3A_79, %cond3A_80 : i32
        scf.if %cond3A_81 {
          %dma_start3A_82 = arith.constant 0 : i32
          %dma_start3A_83 = tpu.memref_slice %arg7[%add3A_76, %dma_start3A_82] : memref<40x128xi32, #tpu.memory_space<vmem>> -> memref<1x128xi32, #tpu.memory_space<vmem>>
          %dma_start3A_84 = tpu.memref_squeeze %dma_start3A_83 : memref<1x128xi32, #tpu.memory_space<vmem>> -> memref<128xi32, #tpu.memory_space<vmem>>
          %dma_start3A_85 = arith.constant 0 : i32
          %dma_start3A_86 = arith.constant 0 : i32
          %dma_start3A_87 = tpu.memref_slice %arg2[%dma_start3A_85, %dma_start3A_86] : memref<10240x64xi32, #tpu.memory_space<hbm>> -> memref<10240x64xi32, #tpu.memory_space<hbm>>
          tpu.enqueue_indirect_dma source(%dma_start3A_87 : memref<10240x64xi32, #tpu.memory_space<hbm>>) target(%arg10 : memref<128x64xi32, #tpu.memory_space<vmem>>) offsets(%dma_start3A_84 : memref<128xi32, #tpu.memory_space<vmem>>) semaphore(%arg13 : memref<!tpu.dma_semaphore, #tpu.memory_space<semaphore_mem>>)
        } else {
        }
        "tpu.region"() ({
          %run_scoped3A = tpu.sem_alloc : memref<!tpu.dma_semaphore, #tpu.memory_space<semaphore_mem>>
          %dma_start3A_82 = arith.constant 0 : i32
          %dma_start3A_83 = tpu.memref_slice %arg8[%add3A_62, %dma_start3A_82] : memref<40x128xi32, #tpu.memory_space<vmem>> -> memref<1x128xi32, #tpu.memory_space<vmem>>
          %dma_start3A_84 = tpu.memref_squeeze %dma_start3A_83 : memref<1x128xi32, #tpu.memory_space<vmem>> -> memref<128xi32, #tpu.memory_space<vmem>>
          %dma_start3A_85 = arith.constant 0 : i32
          %dma_start3A_86 = arith.constant 0 : i32
          %dma_start3A_87 = tpu.memref_slice %arg14[%dma_start3A_85, %dma_start3A_86] : memref<10240x128xf32, #tpu.memory_space<vmem_shared>> -> memref<10240x128xf32, #tpu.memory_space<vmem_shared>>
          tpu.enqueue_indirect_dma source(%arg11 : memref<128x128xf32, #tpu.memory_space<vmem>>) target(%dma_start3A_87 : memref<10240x128xf32, #tpu.memory_space<vmem_shared>>) offsets(%dma_start3A_84 : memref<128xi32, #tpu.memory_space<vmem>>) semaphore(%run_scoped3A : memref<!tpu.dma_semaphore, #tpu.memory_space<semaphore_mem>>) {add = true}
          %dma_wait3A_88 = arith.constant 0 : i32
          %dma_wait3A_89 = tpu.memref_slice %arg8[%add3A_62, %dma_wait3A_88] : memref<40x128xi32, #tpu.memory_space<vmem>> -> memref<1x128xi32, #tpu.memory_space<vmem>>
          %dma_wait3A_90 = tpu.memref_squeeze %dma_wait3A_89 : memref<1x128xi32, #tpu.memory_space<vmem>> -> memref<128xi32, #tpu.memory_space<vmem>>
          %dma_wait3A_91 = arith.constant 0 : i32
          %dma_wait3A_92 = arith.constant 0 : i32
          %dma_wait3A_93 = tpu.memref_slice %arg14[%dma_wait3A_91, %dma_wait3A_92] : memref<10240x128xf32, #tpu.memory_space<vmem_shared>> -> memref<10240x128xf32, #tpu.memory_space<vmem_shared>>
          tpu.wait_indirect_dma semaphore(%run_scoped3A : memref<!tpu.dma_semaphore, #tpu.memory_space<semaphore_mem>>) src(%arg11 : memref<128x128xf32, #tpu.memory_space<vmem>>) dst(%dma_wait3A_93 : memref<10240x128xf32, #tpu.memory_space<vmem_shared>>)
          tpu.yield
        }) : () -> ()
      }
      %scan3A_38 = arith.constant 20 : i32
    }
    %scan3A_9 = arith.constant 2 : i32
    %barrier3A_10 = arith.constant 0 : index
    tpu.barrier barrier_id(%barrier3A_10)
    %mul3A_11 = arith.constant 640 : i32
    %mul3A_12 = arith.muli %arg1, %mul3A_11 : i32
    %mul3A_13 = arith.constant 640 : i32
    %mul3A_14 = arith.muli %arg1, %mul3A_13 : i32
    "tpu.region"() ({
      %run_scoped3A = tpu.sem_alloc : memref<!tpu.dma_semaphore, #tpu.memory_space<semaphore_mem>>
      %dma_start3A = arith.constant 0 : i32
      %dma_start3A_15 = tpu.memref_slice %arg6[%arg0, %mul3A_14, %dma_start3A] : memref<2x10240x128xf32, #tpu.memory_space<hbm>> -> memref<1x640x128xf32, #tpu.memory_space<hbm>>
      %dma_start3A_16 = tpu.memref_squeeze %dma_start3A_15 : memref<1x640x128xf32, #tpu.memory_space<hbm>> -> memref<640x128xf32, #tpu.memory_space<hbm>>
      %dma_start3A_17 = arith.constant 0 : i32
      %dma_start3A_18 = tpu.memref_slice %arg14[%mul3A_12, %dma_start3A_17] : memref<10240x128xf32, #tpu.memory_space<vmem_shared>> -> memref<640x128xf32, #tpu.memory_space<vmem_shared>>
      tpu.enqueue_dma source(%dma_start3A_18 : memref<640x128xf32, #tpu.memory_space<vmem_shared>>) target(%dma_start3A_16 : memref<640x128xf32, #tpu.memory_space<hbm>>) target_semaphore(%run_scoped3A : memref<!tpu.dma_semaphore, #tpu.memory_space<semaphore_mem>>)
      %dma_wait3A = arith.constant 0 : i32
      %dma_wait3A_19 = tpu.memref_slice %arg6[%arg0, %mul3A_14, %dma_wait3A] : memref<2x10240x128xf32, #tpu.memory_space<hbm>> -> memref<1x640x128xf32, #tpu.memory_space<hbm>>
      %dma_wait3A_20 = tpu.memref_squeeze %dma_wait3A_19 : memref<1x640x128xf32, #tpu.memory_space<hbm>> -> memref<640x128xf32, #tpu.memory_space<hbm>>
      %dma_wait3A_21 = arith.constant 0 : i32
      %dma_wait3A_22 = tpu.memref_slice %arg14[%mul3A_12, %dma_wait3A_21] : memref<10240x128xf32, #tpu.memory_space<vmem_shared>> -> memref<640x128xf32, #tpu.memory_space<vmem_shared>>
      tpu.wait_dma2 semaphore(%run_scoped3A : memref<!tpu.dma_semaphore, #tpu.memory_space<semaphore_mem>>) src(%dma_wait3A_22 : memref<640x128xf32, #tpu.memory_space<vmem_shared>>) dst(%dma_wait3A_20 : memref<640x128xf32, #tpu.memory_space<hbm>>)
      tpu.yield
    }) : () -> ()
    return
  }
}

#map = affine_map<(d0, d1) -> (0, 0)>
#map1 = affine_map<(d0, d1) -> (0, 0, 0)>
module attributes {stable_mosaic.version = 14 : i64} {
  func.func @k(%arg0: i32, %arg1: i32, %arg2: memref<10240x64xi32, #tpu.memory_space<hbm>>, %arg3: memref<32x80x128xi32, #tpu.memory_space<hbm>>, %arg4: memref<32x80x128xi32, #tpu.memory_space<hbm>>, %arg5: memref<10240x128xf32, #tpu.memory_space<hbm>>, %arg6: memref<2x10240x128xf32, #tpu.memory_space<hbm>>, %arg7: memref<40x128xi32, #tpu.memory_space<vmem>>, %arg8: memref<40x128xi32, #tpu.memory_space<vmem>>, %arg9: memref<128x64xi32, #tpu.memory_space<vmem>>, %arg10: memref<128x64xi32, #tpu.memory_space<vmem>>, %arg11: memref<128x128xf32, #tpu.memory_space<vmem>>, %arg12: memref<!tpu.dma_semaphore, #tpu.memory_space<semaphore_mem>>, %arg13: memref<!tpu.dma_semaphore, #tpu.memory_space<semaphore_mem>>, %arg14: memref<10240x128xf32, #tpu.memory_space<vmem_shared>>) attributes {dimension_semantics = [#tpu.dimension_semantics<core_parallel>, #tpu.dimension_semantics<subcore_parallel>], iteration_bounds = array<i64: 2, 16>, scalar_prefetch = 0 : i64, scratch_operands = 8 : i64, tpu.core_type = #tpu.core_type<sc_vector_subcore>, window_params = [{transform_indices = #map}, {transform_indices = #map1}, {transform_indices = #map1}, {transform_indices = #map}, {transform_indices = #map1}]} {
    %mul3A = arith.constant 2 : i32
    %mul3A_0 = arith.muli %arg1, %mul3A : i32
    %add3A = arith.addi %mul3A_0, %arg0 : i32
    %mul3A_1 = arith.constant 640 : i32
    %mul3A_2 = arith.muli %arg1, %mul3A_1 : i32
    %mul3A_3 = arith.constant 640 : i32
    %mul3A_4 = arith.muli %arg1, %mul3A_3 : i32
    "tpu.region"() ({
      %run_scoped3A = tpu.sem_alloc : memref<!tpu.dma_semaphore, #tpu.memory_space<semaphore_mem>>
      %dma_start3A = arith.constant 0 : i32
      %dma_start3A_15 = tpu.memref_slice %arg14[%mul3A_4, %dma_start3A] : memref<10240x128xf32, #tpu.memory_space<vmem_shared>> -> memref<640x128xf32, #tpu.memory_space<vmem_shared>>
      %dma_start3A_16 = arith.constant 0 : i32
      %dma_start3A_17 = tpu.memref_slice %arg5[%mul3A_2, %dma_start3A_16] : memref<10240x128xf32, #tpu.memory_space<hbm>> -> memref<640x128xf32, #tpu.memory_space<hbm>>
      tpu.enqueue_dma source(%dma_start3A_17 : memref<640x128xf32, #tpu.memory_space<hbm>>) target(%dma_start3A_15 : memref<640x128xf32, #tpu.memory_space<vmem_shared>>) target_semaphore(%run_scoped3A : memref<!tpu.dma_semaphore, #tpu.memory_space<semaphore_mem>>)
      %dma_wait3A = arith.constant 0 : i32
      %dma_wait3A_18 = tpu.memref_slice %arg14[%mul3A_4, %dma_wait3A] : memref<10240x128xf32, #tpu.memory_space<vmem_shared>> -> memref<640x128xf32, #tpu.memory_space<vmem_shared>>
      %dma_wait3A_19 = arith.constant 0 : i32
      %dma_wait3A_20 = tpu.memref_slice %arg5[%mul3A_2, %dma_wait3A_19] : memref<10240x128xf32, #tpu.memory_space<hbm>> -> memref<640x128xf32, #tpu.memory_space<hbm>>
      tpu.wait_dma2 semaphore(%run_scoped3A : memref<!tpu.dma_semaphore, #tpu.memory_space<semaphore_mem>>) src(%dma_wait3A_20 : memref<640x128xf32, #tpu.memory_space<hbm>>) dst(%dma_wait3A_18 : memref<640x128xf32, #tpu.memory_space<vmem_shared>>)
      tpu.yield
    }) : () -> ()
    %barrier3A = arith.constant 0 : index
    tpu.barrier barrier_id(%barrier3A)
    %scan3A = arith.constant 0 : i32
    %scan3A_5 = arith.constant 0 : i32
    %scan3A_6 = arith.constant 2 : i32
    %scan3A_7 = arith.addi %scan3A_5, %scan3A_6 : i32
    %scan3A_8 = arith.constant 1 : i32
    scf.for %scan3A_15 = %scan3A_5 to %scan3A_7 step %scan3A_8  : i32 {
      %mul3A_16 = arith.constant 40 : i32
      %mul3A_17 = arith.muli %scan3A_15, %mul3A_16 : i32
      "tpu.region"() ({
        %run_scoped3A = tpu.sem_alloc : memref<!tpu.dma_semaphore, #tpu.memory_space<semaphore_mem>>
        %dma_start3A_39 = arith.constant 0 : i32
        %dma_start3A_40 = tpu.memref_slice %arg3[%add3A, %mul3A_17, %dma_start3A_39] : memref<32x80x128xi32, #tpu.memory_space<hbm>> -> memref<1x40x128xi32, #tpu.memory_space<hbm>>
        %dma_start3A_41 = tpu.memref_squeeze %dma_start3A_40 : memref<1x40x128xi32, #tpu.memory_space<hbm>> -> memref<40x128xi32, #tpu.memory_space<hbm>>
        %dma_start3A_42 = arith.constant 0 : i32
        %dma_start3A_43 = tpu.memref_slice %arg3[%add3A, %mul3A_17, %dma_start3A_42] : memref<32x80x128xi32, #tpu.memory_space<hbm>> -> memref<1x40x128xi32, #tpu.memory_space<hbm>>
        %dma_start3A_44 = tpu.memref_squeeze %dma_start3A_43 : memref<1x40x128xi32, #tpu.memory_space<hbm>> -> memref<40x128xi32, #tpu.memory_space<hbm>>
        tpu.enqueue_dma source(%dma_start3A_44 : memref<40x128xi32, #tpu.memory_space<hbm>>) target(%arg7 : memref<40x128xi32, #tpu.memory_space<vmem>>) target_semaphore(%run_scoped3A : memref<!tpu.dma_semaphore, #tpu.memory_space<semaphore_mem>>)
        %dma_wait3A = arith.constant 0 : i32
        %dma_wait3A_45 = tpu.memref_slice %arg3[%add3A, %mul3A_17, %dma_wait3A] : memref<32x80x128xi32, #tpu.memory_space<hbm>> -> memref<1x40x128xi32, #tpu.memory_space<hbm>>
        %dma_wait3A_46 = tpu.memref_squeeze %dma_wait3A_45 : memref<1x40x128xi32, #tpu.memory_space<hbm>> -> memref<40x128xi32, #tpu.memory_space<hbm>>
        %dma_wait3A_47 = arith.constant 0 : i32
        %dma_wait3A_48 = tpu.memref_slice %arg3[%add3A, %mul3A_17, %dma_wait3A_47] : memref<32x80x128xi32, #tpu.memory_space<hbm>> -> memref<1x40x128xi32, #tpu.memory_space<hbm>>
        %dma_wait3A_49 = tpu.memref_squeeze %dma_wait3A_48 : memref<1x40x128xi32, #tpu.memory_space<hbm>> -> memref<40x128xi32, #tpu.memory_space<hbm>>
        tpu.wait_dma2 semaphore(%run_scoped3A : memref<!tpu.dma_semaphore, #tpu.memory_space<semaphore_mem>>) src(%dma_wait3A_49 : memref<40x128xi32, #tpu.memory_space<hbm>>) dst(%arg7 : memref<40x128xi32, #tpu.memory_space<vmem>>)
        tpu.yield
      }) : () -> ()
      %mul3A_18 = arith.constant 40 : i32
      %mul3A_19 = arith.muli %scan3A_15, %mul3A_18 : i32
      "tpu.region"() ({
        %run_scoped3A = tpu.sem_alloc : memref<!tpu.dma_semaphore, #tpu.memory_space<semaphore_mem>>
        %dma_start3A_39 = arith.constant 0 : i32
        %dma_start3A_40 = tpu.memref_slice %arg4[%add3A, %mul3A_19, %dma_start3A_39] : memref<32x80x128xi32, #tpu.memory_space<hbm>> -> memref<1x40x128xi32, #tpu.memory_space<hbm>>
        %dma_start3A_41 = tpu.memref_squeeze %dma_start3A_40 : memref<1x40x128xi32, #tpu.memory_space<hbm>> -> memref<40x128xi32, #tpu.memory_space<hbm>>
        %dma_start3A_42 = arith.constant 0 : i32
        %dma_start3A_43 = tpu.memref_slice %arg4[%add3A, %mul3A_19, %dma_start3A_42] : memref<32x80x128xi32, #tpu.memory_space<hbm>> -> memref<1x40x128xi32, #tpu.memory_space<hbm>>
        %dma_start3A_44 = tpu.memref_squeeze %dma_start3A_43 : memref<1x40x128xi32, #tpu.memory_space<hbm>> -> memref<40x128xi32, #tpu.memory_space<hbm>>
        tpu.enqueue_dma source(%dma_start3A_44 : memref<40x128xi32, #tpu.memory_space<hbm>>) target(%arg8 : memref<40x128xi32, #tpu.memory_space<vmem>>) target_semaphore(%run_scoped3A : memref<!tpu.dma_semaphore, #tpu.memory_space<semaphore_mem>>)
        %dma_wait3A = arith.constant 0 : i32
        %dma_wait3A_45 = tpu.memref_slice %arg4[%add3A, %mul3A_19, %dma_wait3A] : memref<32x80x128xi32, #tpu.memory_space<hbm>> -> memref<1x40x128xi32, #tpu.memory_space<hbm>>
        %dma_wait3A_46 = tpu.memref_squeeze %dma_wait3A_45 : memref<1x40x128xi32, #tpu.memory_space<hbm>> -> memref<40x128xi32, #tpu.memory_space<hbm>>
        %dma_wait3A_47 = arith.constant 0 : i32
        %dma_wait3A_48 = tpu.memref_slice %arg4[%add3A, %mul3A_19, %dma_wait3A_47] : memref<32x80x128xi32, #tpu.memory_space<hbm>> -> memref<1x40x128xi32, #tpu.memory_space<hbm>>
        %dma_wait3A_49 = tpu.memref_squeeze %dma_wait3A_48 : memref<1x40x128xi32, #tpu.memory_space<hbm>> -> memref<40x128xi32, #tpu.memory_space<hbm>>
        tpu.wait_dma2 semaphore(%run_scoped3A : memref<!tpu.dma_semaphore, #tpu.memory_space<semaphore_mem>>) src(%dma_wait3A_49 : memref<40x128xi32, #tpu.memory_space<hbm>>) dst(%arg8 : memref<40x128xi32, #tpu.memory_space<vmem>>)
        tpu.yield
      }) : () -> ()
      %dma_start3A = arith.constant 0 : i32
      %dma_start3A_20 = arith.constant 0 : i32
      %dma_start3A_21 = tpu.memref_slice %arg7[%dma_start3A, %dma_start3A_20] : memref<40x128xi32, #tpu.memory_space<vmem>> -> memref<1x128xi32, #tpu.memory_space<vmem>>
      %dma_start3A_22 = tpu.memref_squeeze %dma_start3A_21 : memref<1x128xi32, #tpu.memory_space<vmem>> -> memref<128xi32, #tpu.memory_space<vmem>>
      %dma_start3A_23 = arith.constant 0 : i32
      %dma_start3A_24 = arith.constant 0 : i32
      %dma_start3A_25 = tpu.memref_slice %arg2[%dma_start3A_23, %dma_start3A_24] : memref<10240x64xi32, #tpu.memory_space<hbm>> -> memref<10240x64xi32, #tpu.memory_space<hbm>>
      tpu.enqueue_indirect_dma source(%dma_start3A_25 : memref<10240x64xi32, #tpu.memory_space<hbm>>) target(%arg9 : memref<128x64xi32, #tpu.memory_space<vmem>>) offsets(%dma_start3A_22 : memref<128xi32, #tpu.memory_space<vmem>>) semaphore(%arg12 : memref<!tpu.dma_semaphore, #tpu.memory_space<semaphore_mem>>)
      %dma_start3A_26 = arith.constant 1 : i32
      %dma_start3A_27 = arith.constant 0 : i32
      %dma_start3A_28 = tpu.memref_slice %arg7[%dma_start3A_26, %dma_start3A_27] : memref<40x128xi32, #tpu.memory_space<vmem>> -> memref<1x128xi32, #tpu.memory_space<vmem>>
      %dma_start3A_29 = tpu.memref_squeeze %dma_start3A_28 : memref<1x128xi32, #tpu.memory_space<vmem>> -> memref<128xi32, #tpu.memory_space<vmem>>
      %dma_start3A_30 = arith.constant 0 : i32
      %dma_start3A_31 = arith.constant 0 : i32
      %dma_start3A_32 = tpu.memref_slice %arg2[%dma_start3A_30, %dma_start3A_31] : memref<10240x64xi32, #tpu.memory_space<hbm>> -> memref<10240x64xi32, #tpu.memory_space<hbm>>
      tpu.enqueue_indirect_dma source(%dma_start3A_32 : memref<10240x64xi32, #tpu.memory_space<hbm>>) target(%arg10 : memref<128x64xi32, #tpu.memory_space<vmem>>) offsets(%dma_start3A_29 : memref<128xi32, #tpu.memory_space<vmem>>) semaphore(%arg13 : memref<!tpu.dma_semaphore, #tpu.memory_space<semaphore_mem>>)
      %scan3A_33 = arith.constant 0 : i32
      %scan3A_34 = arith.constant 0 : i32
      %scan3A_35 = arith.constant 20 : i32
      %scan3A_36 = arith.addi %scan3A_34, %scan3A_35 : i32
      %scan3A_37 = arith.constant 1 : i32
      scf.for %scan3A_39 = %scan3A_34 to %scan3A_36 step %scan3A_37  : i32 {
        %mul3A_40 = arith.constant 2 : i32
        %mul3A_41 = arith.muli %scan3A_39, %mul3A_40 : i32
        %add3A_42 = arith.constant 0 : i32
        %add3A_43 = arith.addi %mul3A_41, %add3A_42 : i32
        %dma_wait3A = arith.constant 0 : i32
        %dma_wait3A_44 = tpu.memref_slice %arg7[%add3A_43, %dma_wait3A] : memref<40x128xi32, #tpu.memory_space<vmem>> -> memref<1x128xi32, #tpu.memory_space<vmem>>
        %dma_wait3A_45 = tpu.memref_squeeze %dma_wait3A_44 : memref<1x128xi32, #tpu.memory_space<vmem>> -> memref<128xi32, #tpu.memory_space<vmem>>
        %dma_wait3A_46 = arith.constant 0 : i32
        %dma_wait3A_47 = arith.constant 0 : i32
        %dma_wait3A_48 = tpu.memref_slice %arg2[%dma_wait3A_46, %dma_wait3A_47] : memref<10240x64xi32, #tpu.memory_space<hbm>> -> memref<10240x64xi32, #tpu.memory_space<hbm>>
        tpu.wait_indirect_dma semaphore(%arg12 : memref<!tpu.dma_semaphore, #tpu.memory_space<semaphore_mem>>) src(%dma_wait3A_48 : memref<10240x64xi32, #tpu.memory_space<hbm>>) dst(%arg9 : memref<128x64xi32, #tpu.memory_space<vmem>>)
        %scan3A_49 = arith.constant 0 : i32
        %scan3A_50 = arith.constant 0 : i32
        %scan3A_51 = arith.constant 128 : i32
        %scan3A_52 = arith.addi %scan3A_50, %scan3A_51 : i32
        %scan3A_53 = arith.constant 1 : i32
        scf.for %scan3A_82 = %scan3A_50 to %scan3A_52 step %scan3A_53  : i32 {
          %get3A = arith.index_cast %scan3A_82 : i32 to index
          %get3A_83 = arith.constant 0 : index
          %get3A_84 = tpu.vector_load %arg9[%get3A, %get3A_83] {strides = array<i32>} : memref<128x64xi32, #tpu.memory_space<vmem>>, vector<1x16xi32>,
          %get3A_85 = vector.shape_cast %get3A_84 : vector<1x16xi32> to vector<16xi32>
          %broadcast_in_dim3A = arith.constant 16 : i32
          %broadcast_in_dim3A_86 = vector.broadcast %broadcast_in_dim3A : i32 to vector<16xi32>
          %broadcast_in_dim3A_87 = arith.constant -65536 : i32
          %broadcast_in_dim3A_88 = vector.broadcast %broadcast_in_dim3A_87 : i32 to vector<16xi32>
          %shift_left3A = arith.shli %get3A_85, %broadcast_in_dim3A_86 : vector<16xi32>
          %bitcast_convert_type3A = tpu.bitcast %shift_left3A : vector<16xi32> -> vector<16xf32>
          %and3A = arith.andi %get3A_85, %broadcast_in_dim3A_88 : vector<16xi32>
          %bitcast_convert_type3A_89 = tpu.bitcast %and3A : vector<16xi32> -> vector<16xf32>
          %swap3A = arith.index_cast %scan3A_82 : i32 to index
          %swap3A_90 = arith.constant 0 : index
          %swap3A_91 = tpu.vector_load %arg11[%swap3A, %swap3A_90] {strides = array<i32>} : memref<128x128xf32, #tpu.memory_space<vmem>>, vector<1x16xf32>,
          %swap3A_92 = vector.shape_cast %swap3A_91 : vector<1x16xf32> to vector<16xf32>
          %swap3A_93 = vector.shape_cast %bitcast_convert_type3A : vector<16xf32> to vector<1x16xf32>
          tpu.vector_store %arg11[%swap3A, %swap3A_90], %swap3A_93 {strides = array<i32>} : memref<128x128xf32, #tpu.memory_space<vmem>>, vector<1x16xf32>,
          %swap3A_94 = arith.index_cast %scan3A_82 : i32 to index
          %swap3A_95 = arith.constant 16 : index
          %swap3A_96 = tpu.vector_load %arg11[%swap3A_94, %swap3A_95] {strides = array<i32>} : memref<128x128xf32, #tpu.memory_space<vmem>>, vector<1x16xf32>,
          %swap3A_97 = vector.shape_cast %swap3A_96 : vector<1x16xf32> to vector<16xf32>
          %swap3A_98 = vector.shape_cast %bitcast_convert_type3A_89 : vector<16xf32> to vector<1x16xf32>
          tpu.vector_store %arg11[%swap3A_94, %swap3A_95], %swap3A_98 {strides = array<i32>} : memref<128x128xf32, #tpu.memory_space<vmem>>, vector<1x16xf32>,
          %get3A_99 = arith.index_cast %scan3A_82 : i32 to index
          %get3A_100 = arith.constant 16 : index
          %get3A_101 = tpu.vector_load %arg9[%get3A_99, %get3A_100] {strides = array<i32>} : memref<128x64xi32, #tpu.memory_space<vmem>>, vector<1x16xi32>,
          %get3A_102 = vector.shape_cast %get3A_101 : vector<1x16xi32> to vector<16xi32>
          %broadcast_in_dim3A_103 = arith.constant 16 : i32
          %broadcast_in_dim3A_104 = vector.broadcast %broadcast_in_dim3A_103 : i32 to vector<16xi32>
          %broadcast_in_dim3A_105 = arith.constant -65536 : i32
          %broadcast_in_dim3A_106 = vector.broadcast %broadcast_in_dim3A_105 : i32 to vector<16xi32>
          %shift_left3A_107 = arith.shli %get3A_102, %broadcast_in_dim3A_104 : vector<16xi32>
          %bitcast_convert_type3A_108 = tpu.bitcast %shift_left3A_107 : vector<16xi32> -> vector<16xf32>
          %and3A_109 = arith.andi %get3A_102, %broadcast_in_dim3A_106 : vector<16xi32>
          %bitcast_convert_type3A_110 = tpu.bitcast %and3A_109 : vector<16xi32> -> vector<16xf32>
          %swap3A_111 = arith.index_cast %scan3A_82 : i32 to index
          %swap3A_112 = arith.constant 32 : index
          %swap3A_113 = tpu.vector_load %arg11[%swap3A_111, %swap3A_112] {strides = array<i32>} : memref<128x128xf32, #tpu.memory_space<vmem>>, vector<1x16xf32>,
          %swap3A_114 = vector.shape_cast %swap3A_113 : vector<1x16xf32> to vector<16xf32>
          %swap3A_115 = vector.shape_cast %bitcast_convert_type3A_108 : vector<16xf32> to vector<1x16xf32>
          tpu.vector_store %arg11[%swap3A_111, %swap3A_112], %swap3A_115 {strides = array<i32>} : memref<128x128xf32, #tpu.memory_space<vmem>>, vector<1x16xf32>,
          %swap3A_116 = arith.index_cast %scan3A_82 : i32 to index
          %swap3A_117 = arith.constant 48 : index
          %swap3A_118 = tpu.vector_load %arg11[%swap3A_116, %swap3A_117] {strides = array<i32>} : memref<128x128xf32, #tpu.memory_space<vmem>>, vector<1x16xf32>,
          %swap3A_119 = vector.shape_cast %swap3A_118 : vector<1x16xf32> to vector<16xf32>
          %swap3A_120 = vector.shape_cast %bitcast_convert_type3A_110 : vector<16xf32> to vector<1x16xf32>
          tpu.vector_store %arg11[%swap3A_116, %swap3A_117], %swap3A_120 {strides = array<i32>} : memref<128x128xf32, #tpu.memory_space<vmem>>, vector<1x16xf32>,
          %get3A_121 = arith.index_cast %scan3A_82 : i32 to index
          %get3A_122 = arith.constant 32 : index
          %get3A_123 = tpu.vector_load %arg9[%get3A_121, %get3A_122] {strides = array<i32>} : memref<128x64xi32, #tpu.memory_space<vmem>>, vector<1x16xi32>,
          %get3A_124 = vector.shape_cast %get3A_123 : vector<1x16xi32> to vector<16xi32>
          %broadcast_in_dim3A_125 = arith.constant 16 : i32
          %broadcast_in_dim3A_126 = vector.broadcast %broadcast_in_dim3A_125 : i32 to vector<16xi32>
          %broadcast_in_dim3A_127 = arith.constant -65536 : i32
          %broadcast_in_dim3A_128 = vector.broadcast %broadcast_in_dim3A_127 : i32 to vector<16xi32>
          %shift_left3A_129 = arith.shli %get3A_124, %broadcast_in_dim3A_126 : vector<16xi32>
          %bitcast_convert_type3A_130 = tpu.bitcast %shift_left3A_129 : vector<16xi32> -> vector<16xf32>
          %and3A_131 = arith.andi %get3A_124, %broadcast_in_dim3A_128 : vector<16xi32>
          %bitcast_convert_type3A_132 = tpu.bitcast %and3A_131 : vector<16xi32> -> vector<16xf32>
          %swap3A_133 = arith.index_cast %scan3A_82 : i32 to index
          %swap3A_134 = arith.constant 64 : index
          %swap3A_135 = tpu.vector_load %arg11[%swap3A_133, %swap3A_134] {strides = array<i32>} : memref<128x128xf32, #tpu.memory_space<vmem>>, vector<1x16xf32>,
          %swap3A_136 = vector.shape_cast %swap3A_135 : vector<1x16xf32> to vector<16xf32>
          %swap3A_137 = vector.shape_cast %bitcast_convert_type3A_130 : vector<16xf32> to vector<1x16xf32>
          tpu.vector_store %arg11[%swap3A_133, %swap3A_134], %swap3A_137 {strides = array<i32>} : memref<128x128xf32, #tpu.memory_space<vmem>>, vector<1x16xf32>,
          %swap3A_138 = arith.index_cast %scan3A_82 : i32 to index
          %swap3A_139 = arith.constant 80 : index
          %swap3A_140 = tpu.vector_load %arg11[%swap3A_138, %swap3A_139] {strides = array<i32>} : memref<128x128xf32, #tpu.memory_space<vmem>>, vector<1x16xf32>,
          %swap3A_141 = vector.shape_cast %swap3A_140 : vector<1x16xf32> to vector<16xf32>
          %swap3A_142 = vector.shape_cast %bitcast_convert_type3A_132 : vector<16xf32> to vector<1x16xf32>
          tpu.vector_store %arg11[%swap3A_138, %swap3A_139], %swap3A_142 {strides = array<i32>} : memref<128x128xf32, #tpu.memory_space<vmem>>, vector<1x16xf32>,
          %get3A_143 = arith.index_cast %scan3A_82 : i32 to index
          %get3A_144 = arith.constant 48 : index
          %get3A_145 = tpu.vector_load %arg9[%get3A_143, %get3A_144] {strides = array<i32>} : memref<128x64xi32, #tpu.memory_space<vmem>>, vector<1x16xi32>,
          %get3A_146 = vector.shape_cast %get3A_145 : vector<1x16xi32> to vector<16xi32>
          %broadcast_in_dim3A_147 = arith.constant 16 : i32
          %broadcast_in_dim3A_148 = vector.broadcast %broadcast_in_dim3A_147 : i32 to vector<16xi32>
          %broadcast_in_dim3A_149 = arith.constant -65536 : i32
          %broadcast_in_dim3A_150 = vector.broadcast %broadcast_in_dim3A_149 : i32 to vector<16xi32>
          %shift_left3A_151 = arith.shli %get3A_146, %broadcast_in_dim3A_148 : vector<16xi32>
          %bitcast_convert_type3A_152 = tpu.bitcast %shift_left3A_151 : vector<16xi32> -> vector<16xf32>
          %and3A_153 = arith.andi %get3A_146, %broadcast_in_dim3A_150 : vector<16xi32>
          %bitcast_convert_type3A_154 = tpu.bitcast %and3A_153 : vector<16xi32> -> vector<16xf32>
          %swap3A_155 = arith.index_cast %scan3A_82 : i32 to index
          %swap3A_156 = arith.constant 96 : index
          %swap3A_157 = tpu.vector_load %arg11[%swap3A_155, %swap3A_156] {strides = array<i32>} : memref<128x128xf32, #tpu.memory_space<vmem>>, vector<1x16xf32>,
          %swap3A_158 = vector.shape_cast %swap3A_157 : vector<1x16xf32> to vector<16xf32>
          %swap3A_159 = vector.shape_cast %bitcast_convert_type3A_152 : vector<16xf32> to vector<1x16xf32>
          tpu.vector_store %arg11[%swap3A_155, %swap3A_156], %swap3A_159 {strides = array<i32>} : memref<128x128xf32, #tpu.memory_space<vmem>>, vector<1x16xf32>,
          %swap3A_160 = arith.index_cast %scan3A_82 : i32 to index
          %swap3A_161 = arith.constant 112 : index
          %swap3A_162 = tpu.vector_load %arg11[%swap3A_160, %swap3A_161] {strides = array<i32>} : memref<128x128xf32, #tpu.memory_space<vmem>>, vector<1x16xf32>,
          %swap3A_163 = vector.shape_cast %swap3A_162 : vector<1x16xf32> to vector<16xf32>
          %swap3A_164 = vector.shape_cast %bitcast_convert_type3A_154 : vector<16xf32> to vector<1x16xf32>
          tpu.vector_store %arg11[%swap3A_160, %swap3A_161], %swap3A_164 {strides = array<i32>} : memref<128x128xf32, #tpu.memory_space<vmem>>, vector<1x16xf32>,
        }
        %scan3A_54 = arith.constant 128 : i32
        %add3A_55 = arith.constant 2 : i32
        %add3A_56 = arith.addi %add3A_43, %add3A_55 : i32
        %lt3A = arith.constant 40 : i32
        %lt3A_57 = arith.cmpi slt, %add3A_56, %lt3A : i32
        %convert_element_type3A = arith.extui %lt3A_57 : i1 to i32
        %cond3A = arith.constant 0 : i32
        %cond3A_58 = arith.cmpi ne, %convert_element_type3A, %cond3A : i32
        scf.if %cond3A_58 {
          %dma_start3A_82 = arith.constant 0 : i32
          %dma_start3A_83 = tpu.memref_slice %arg7[%add3A_56, %dma_start3A_82] : memref<40x128xi32, #tpu.memory_space<vmem>> -> memref<1x128xi32, #tpu.memory_space<vmem>>
          %dma_start3A_84 = tpu.memref_squeeze %dma_start3A_83 : memref<1x128xi32, #tpu.memory_space<vmem>> -> memref<128xi32, #tpu.memory_space<vmem>>
          %dma_start3A_85 = arith.constant 0 : i32
          %dma_start3A_86 = arith.constant 0 : i32
          %dma_start3A_87 = tpu.memref_slice %arg2[%dma_start3A_85, %dma_start3A_86] : memref<10240x64xi32, #tpu.memory_space<hbm>> -> memref<10240x64xi32, #tpu.memory_space<hbm>>
          tpu.enqueue_indirect_dma source(%dma_start3A_87 : memref<10240x64xi32, #tpu.memory_space<hbm>>) target(%arg9 : memref<128x64xi32, #tpu.memory_space<vmem>>) offsets(%dma_start3A_84 : memref<128xi32, #tpu.memory_space<vmem>>) semaphore(%arg12 : memref<!tpu.dma_semaphore, #tpu.memory_space<semaphore_mem>>)
        } else {
        }
        "tpu.region"() ({
          %run_scoped3A = tpu.sem_alloc : memref<!tpu.dma_semaphore, #tpu.memory_space<semaphore_mem>>
          %dma_start3A_82 = arith.constant 0 : i32
          %dma_start3A_83 = tpu.memref_slice %arg8[%add3A_43, %dma_start3A_82] : memref<40x128xi32, #tpu.memory_space<vmem>> -> memref<1x128xi32, #tpu.memory_space<vmem>>
          %dma_start3A_84 = tpu.memref_squeeze %dma_start3A_83 : memref<1x128xi32, #tpu.memory_space<vmem>> -> memref<128xi32, #tpu.memory_space<vmem>>
          %dma_start3A_85 = arith.constant 0 : i32
          %dma_start3A_86 = arith.constant 0 : i32
          %dma_start3A_87 = tpu.memref_slice %arg14[%dma_start3A_85, %dma_start3A_86] : memref<10240x128xf32, #tpu.memory_space<vmem_shared>> -> memref<10240x128xf32, #tpu.memory_space<vmem_shared>>
          tpu.enqueue_indirect_dma source(%arg11 : memref<128x128xf32, #tpu.memory_space<vmem>>) target(%dma_start3A_87 : memref<10240x128xf32, #tpu.memory_space<vmem_shared>>) offsets(%dma_start3A_84 : memref<128xi32, #tpu.memory_space<vmem>>) semaphore(%run_scoped3A : memref<!tpu.dma_semaphore, #tpu.memory_space<semaphore_mem>>) {add = true}
          %dma_wait3A_88 = arith.constant 0 : i32
          %dma_wait3A_89 = tpu.memref_slice %arg8[%add3A_43, %dma_wait3A_88] : memref<40x128xi32, #tpu.memory_space<vmem>> -> memref<1x128xi32, #tpu.memory_space<vmem>>
          %dma_wait3A_90 = tpu.memref_squeeze %dma_wait3A_89 : memref<1x128xi32, #tpu.memory_space<vmem>> -> memref<128xi32, #tpu.memory_space<vmem>>
          %dma_wait3A_91 = arith.constant 0 : i32
          %dma_wait3A_92 = arith.constant 0 : i32
          %dma_wait3A_93 = tpu.memref_slice %arg14[%dma_wait3A_91, %dma_wait3A_92] : memref<10240x128xf32, #tpu.memory_space<vmem_shared>> -> memref<10240x128xf32, #tpu.memory_space<vmem_shared>>
          tpu.wait_indirect_dma semaphore(%run_scoped3A : memref<!tpu.dma_semaphore, #tpu.memory_space<semaphore_mem>>) src(%arg11 : memref<128x128xf32, #tpu.memory_space<vmem>>) dst(%dma_wait3A_93 : memref<10240x128xf32, #tpu.memory_space<vmem_shared>>)
          tpu.yield
        }) : () -> ()
        %mul3A_59 = arith.constant 2 : i32
        %mul3A_60 = arith.muli %scan3A_39, %mul3A_59 : i32
        %add3A_61 = arith.constant 1 : i32
        %add3A_62 = arith.addi %mul3A_60, %add3A_61 : i32
        %dma_wait3A_63 = arith.constant 0 : i32
        %dma_wait3A_64 = tpu.memref_slice %arg7[%add3A_62, %dma_wait3A_63] : memref<40x128xi32, #tpu.memory_space<vmem>> -> memref<1x128xi32, #tpu.memory_space<vmem>>
        %dma_wait3A_65 = tpu.memref_squeeze %dma_wait3A_64 : memref<1x128xi32, #tpu.memory_space<vmem>> -> memref<128xi32, #tpu.memory_space<vmem>>
        %dma_wait3A_66 = arith.constant 0 : i32
        %dma_wait3A_67 = arith.constant 0 : i32
        %dma_wait3A_68 = tpu.memref_slice %arg2[%dma_wait3A_66, %dma_wait3A_67] : memref<10240x64xi32, #tpu.memory_space<hbm>> -> memref<10240x64xi32, #tpu.memory_space<hbm>>
        tpu.wait_indirect_dma semaphore(%arg13 : memref<!tpu.dma_semaphore, #tpu.memory_space<semaphore_mem>>) src(%dma_wait3A_68 : memref<10240x64xi32, #tpu.memory_space<hbm>>) dst(%arg10 : memref<128x64xi32, #tpu.memory_space<vmem>>)
        %scan3A_69 = arith.constant 0 : i32
        %scan3A_70 = arith.constant 0 : i32
        %scan3A_71 = arith.constant 128 : i32
        %scan3A_72 = arith.addi %scan3A_70, %scan3A_71 : i32
        %scan3A_73 = arith.constant 1 : i32
        scf.for %scan3A_82 = %scan3A_70 to %scan3A_72 step %scan3A_73  : i32 {
          %get3A = arith.index_cast %scan3A_82 : i32 to index
          %get3A_83 = arith.constant 0 : index
          %get3A_84 = tpu.vector_load %arg10[%get3A, %get3A_83] {strides = array<i32>} : memref<128x64xi32, #tpu.memory_space<vmem>>, vector<1x16xi32>,
          %get3A_85 = vector.shape_cast %get3A_84 : vector<1x16xi32> to vector<16xi32>
          %broadcast_in_dim3A = arith.constant 16 : i32
          %broadcast_in_dim3A_86 = vector.broadcast %broadcast_in_dim3A : i32 to vector<16xi32>
          %broadcast_in_dim3A_87 = arith.constant -65536 : i32
          %broadcast_in_dim3A_88 = vector.broadcast %broadcast_in_dim3A_87 : i32 to vector<16xi32>
          %shift_left3A = arith.shli %get3A_85, %broadcast_in_dim3A_86 : vector<16xi32>
          %bitcast_convert_type3A = tpu.bitcast %shift_left3A : vector<16xi32> -> vector<16xf32>
          %and3A = arith.andi %get3A_85, %broadcast_in_dim3A_88 : vector<16xi32>
          %bitcast_convert_type3A_89 = tpu.bitcast %and3A : vector<16xi32> -> vector<16xf32>
          %swap3A = arith.index_cast %scan3A_82 : i32 to index
          %swap3A_90 = arith.constant 0 : index
          %swap3A_91 = tpu.vector_load %arg11[%swap3A, %swap3A_90] {strides = array<i32>} : memref<128x128xf32, #tpu.memory_space<vmem>>, vector<1x16xf32>,
          %swap3A_92 = vector.shape_cast %swap3A_91 : vector<1x16xf32> to vector<16xf32>
          %swap3A_93 = vector.shape_cast %bitcast_convert_type3A : vector<16xf32> to vector<1x16xf32>
          tpu.vector_store %arg11[%swap3A, %swap3A_90], %swap3A_93 {strides = array<i32>} : memref<128x128xf32, #tpu.memory_space<vmem>>, vector<1x16xf32>,
          %swap3A_94 = arith.index_cast %scan3A_82 : i32 to index
          %swap3A_95 = arith.constant 16 : index
          %swap3A_96 = tpu.vector_load %arg11[%swap3A_94, %swap3A_95] {strides = array<i32>} : memref<128x128xf32, #tpu.memory_space<vmem>>, vector<1x16xf32>,
          %swap3A_97 = vector.shape_cast %swap3A_96 : vector<1x16xf32> to vector<16xf32>
          %swap3A_98 = vector.shape_cast %bitcast_convert_type3A_89 : vector<16xf32> to vector<1x16xf32>
          tpu.vector_store %arg11[%swap3A_94, %swap3A_95], %swap3A_98 {strides = array<i32>} : memref<128x128xf32, #tpu.memory_space<vmem>>, vector<1x16xf32>,
          %get3A_99 = arith.index_cast %scan3A_82 : i32 to index
          %get3A_100 = arith.constant 16 : index
          %get3A_101 = tpu.vector_load %arg10[%get3A_99, %get3A_100] {strides = array<i32>} : memref<128x64xi32, #tpu.memory_space<vmem>>, vector<1x16xi32>,
          %get3A_102 = vector.shape_cast %get3A_101 : vector<1x16xi32> to vector<16xi32>
          %broadcast_in_dim3A_103 = arith.constant 16 : i32
          %broadcast_in_dim3A_104 = vector.broadcast %broadcast_in_dim3A_103 : i32 to vector<16xi32>
          %broadcast_in_dim3A_105 = arith.constant -65536 : i32
          %broadcast_in_dim3A_106 = vector.broadcast %broadcast_in_dim3A_105 : i32 to vector<16xi32>
          %shift_left3A_107 = arith.shli %get3A_102, %broadcast_in_dim3A_104 : vector<16xi32>
          %bitcast_convert_type3A_108 = tpu.bitcast %shift_left3A_107 : vector<16xi32> -> vector<16xf32>
          %and3A_109 = arith.andi %get3A_102, %broadcast_in_dim3A_106 : vector<16xi32>
          %bitcast_convert_type3A_110 = tpu.bitcast %and3A_109 : vector<16xi32> -> vector<16xf32>
          %swap3A_111 = arith.index_cast %scan3A_82 : i32 to index
          %swap3A_112 = arith.constant 32 : index
          %swap3A_113 = tpu.vector_load %arg11[%swap3A_111, %swap3A_112] {strides = array<i32>} : memref<128x128xf32, #tpu.memory_space<vmem>>, vector<1x16xf32>,
          %swap3A_114 = vector.shape_cast %swap3A_113 : vector<1x16xf32> to vector<16xf32>
          %swap3A_115 = vector.shape_cast %bitcast_convert_type3A_108 : vector<16xf32> to vector<1x16xf32>
          tpu.vector_store %arg11[%swap3A_111, %swap3A_112], %swap3A_115 {strides = array<i32>} : memref<128x128xf32, #tpu.memory_space<vmem>>, vector<1x16xf32>,
          %swap3A_116 = arith.index_cast %scan3A_82 : i32 to index
          %swap3A_117 = arith.constant 48 : index
          %swap3A_118 = tpu.vector_load %arg11[%swap3A_116, %swap3A_117] {strides = array<i32>} : memref<128x128xf32, #tpu.memory_space<vmem>>, vector<1x16xf32>,
          %swap3A_119 = vector.shape_cast %swap3A_118 : vector<1x16xf32> to vector<16xf32>
          %swap3A_120 = vector.shape_cast %bitcast_convert_type3A_110 : vector<16xf32> to vector<1x16xf32>
          tpu.vector_store %arg11[%swap3A_116, %swap3A_117], %swap3A_120 {strides = array<i32>} : memref<128x128xf32, #tpu.memory_space<vmem>>, vector<1x16xf32>,
          %get3A_121 = arith.index_cast %scan3A_82 : i32 to index
          %get3A_122 = arith.constant 32 : index
          %get3A_123 = tpu.vector_load %arg10[%get3A_121, %get3A_122] {strides = array<i32>} : memref<128x64xi32, #tpu.memory_space<vmem>>, vector<1x16xi32>,
          %get3A_124 = vector.shape_cast %get3A_123 : vector<1x16xi32> to vector<16xi32>
          %broadcast_in_dim3A_125 = arith.constant 16 : i32
          %broadcast_in_dim3A_126 = vector.broadcast %broadcast_in_dim3A_125 : i32 to vector<16xi32>
          %broadcast_in_dim3A_127 = arith.constant -65536 : i32
          %broadcast_in_dim3A_128 = vector.broadcast %broadcast_in_dim3A_127 : i32 to vector<16xi32>
          %shift_left3A_129 = arith.shli %get3A_124, %broadcast_in_dim3A_126 : vector<16xi32>
          %bitcast_convert_type3A_130 = tpu.bitcast %shift_left3A_129 : vector<16xi32> -> vector<16xf32>
          %and3A_131 = arith.andi %get3A_124, %broadcast_in_dim3A_128 : vector<16xi32>
          %bitcast_convert_type3A_132 = tpu.bitcast %and3A_131 : vector<16xi32> -> vector<16xf32>
          %swap3A_133 = arith.index_cast %scan3A_82 : i32 to index
          %swap3A_134 = arith.constant 64 : index
          %swap3A_135 = tpu.vector_load %arg11[%swap3A_133, %swap3A_134] {strides = array<i32>} : memref<128x128xf32, #tpu.memory_space<vmem>>, vector<1x16xf32>,
          %swap3A_136 = vector.shape_cast %swap3A_135 : vector<1x16xf32> to vector<16xf32>
          %swap3A_137 = vector.shape_cast %bitcast_convert_type3A_130 : vector<16xf32> to vector<1x16xf32>
          tpu.vector_store %arg11[%swap3A_133, %swap3A_134], %swap3A_137 {strides = array<i32>} : memref<128x128xf32, #tpu.memory_space<vmem>>, vector<1x16xf32>,
          %swap3A_138 = arith.index_cast %scan3A_82 : i32 to index
          %swap3A_139 = arith.constant 80 : index
          %swap3A_140 = tpu.vector_load %arg11[%swap3A_138, %swap3A_139] {strides = array<i32>} : memref<128x128xf32, #tpu.memory_space<vmem>>, vector<1x16xf32>,
          %swap3A_141 = vector.shape_cast %swap3A_140 : vector<1x16xf32> to vector<16xf32>
          %swap3A_142 = vector.shape_cast %bitcast_convert_type3A_132 : vector<16xf32> to vector<1x16xf32>
          tpu.vector_store %arg11[%swap3A_138, %swap3A_139], %swap3A_142 {strides = array<i32>} : memref<128x128xf32, #tpu.memory_space<vmem>>, vector<1x16xf32>,
          %get3A_143 = arith.index_cast %scan3A_82 : i32 to index
          %get3A_144 = arith.constant 48 : index
          %get3A_145 = tpu.vector_load %arg10[%get3A_143, %get3A_144] {strides = array<i32>} : memref<128x64xi32, #tpu.memory_space<vmem>>, vector<1x16xi32>,
          %get3A_146 = vector.shape_cast %get3A_145 : vector<1x16xi32> to vector<16xi32>
          %broadcast_in_dim3A_147 = arith.constant 16 : i32
          %broadcast_in_dim3A_148 = vector.broadcast %broadcast_in_dim3A_147 : i32 to vector<16xi32>
          %broadcast_in_dim3A_149 = arith.constant -65536 : i32
          %broadcast_in_dim3A_150 = vector.broadcast %broadcast_in_dim3A_149 : i32 to vector<16xi32>
          %shift_left3A_151 = arith.shli %get3A_146, %broadcast_in_dim3A_148 : vector<16xi32>
          %bitcast_convert_type3A_152 = tpu.bitcast %shift_left3A_151 : vector<16xi32> -> vector<16xf32>
          %and3A_153 = arith.andi %get3A_146, %broadcast_in_dim3A_150 : vector<16xi32>
          %bitcast_convert_type3A_154 = tpu.bitcast %and3A_153 : vector<16xi32> -> vector<16xf32>
          %swap3A_155 = arith.index_cast %scan3A_82 : i32 to index
          %swap3A_156 = arith.constant 96 : index
          %swap3A_157 = tpu.vector_load %arg11[%swap3A_155, %swap3A_156] {strides = array<i32>} : memref<128x128xf32, #tpu.memory_space<vmem>>, vector<1x16xf32>,
          %swap3A_158 = vector.shape_cast %swap3A_157 : vector<1x16xf32> to vector<16xf32>
          %swap3A_159 = vector.shape_cast %bitcast_convert_type3A_152 : vector<16xf32> to vector<1x16xf32>
          tpu.vector_store %arg11[%swap3A_155, %swap3A_156], %swap3A_159 {strides = array<i32>} : memref<128x128xf32, #tpu.memory_space<vmem>>, vector<1x16xf32>,
          %swap3A_160 = arith.index_cast %scan3A_82 : i32 to index
          %swap3A_161 = arith.constant 112 : index
          %swap3A_162 = tpu.vector_load %arg11[%swap3A_160, %swap3A_161] {strides = array<i32>} : memref<128x128xf32, #tpu.memory_space<vmem>>, vector<1x16xf32>,
          %swap3A_163 = vector.shape_cast %swap3A_162 : vector<1x16xf32> to vector<16xf32>
          %swap3A_164 = vector.shape_cast %bitcast_convert_type3A_154 : vector<16xf32> to vector<1x16xf32>
          tpu.vector_store %arg11[%swap3A_160, %swap3A_161], %swap3A_164 {strides = array<i32>} : memref<128x128xf32, #tpu.memory_space<vmem>>, vector<1x16xf32>,
        }
        %scan3A_74 = arith.constant 128 : i32
        %add3A_75 = arith.constant 2 : i32
        %add3A_76 = arith.addi %add3A_62, %add3A_75 : i32
        %lt3A_77 = arith.constant 40 : i32
        %lt3A_78 = arith.cmpi slt, %add3A_76, %lt3A_77 : i32
        %convert_element_type3A_79 = arith.extui %lt3A_78 : i1 to i32
        %cond3A_80 = arith.constant 0 : i32
        %cond3A_81 = arith.cmpi ne, %convert_element_type3A_79, %cond3A_80 : i32
        scf.if %cond3A_81 {
          %dma_start3A_82 = arith.constant 0 : i32
          %dma_start3A_83 = tpu.memref_slice %arg7[%add3A_76, %dma_start3A_82] : memref<40x128xi32, #tpu.memory_space<vmem>> -> memref<1x128xi32, #tpu.memory_space<vmem>>
          %dma_start3A_84 = tpu.memref_squeeze %dma_start3A_83 : memref<1x128xi32, #tpu.memory_space<vmem>> -> memref<128xi32, #tpu.memory_space<vmem>>
          %dma_start3A_85 = arith.constant 0 : i32
          %dma_start3A_86 = arith.constant 0 : i32
          %dma_start3A_87 = tpu.memref_slice %arg2[%dma_start3A_85, %dma_start3A_86] : memref<10240x64xi32, #tpu.memory_space<hbm>> -> memref<10240x64xi32, #tpu.memory_space<hbm>>
          tpu.enqueue_indirect_dma source(%dma_start3A_87 : memref<10240x64xi32, #tpu.memory_space<hbm>>) target(%arg10 : memref<128x64xi32, #tpu.memory_space<vmem>>) offsets(%dma_start3A_84 : memref<128xi32, #tpu.memory_space<vmem>>) semaphore(%arg13 : memref<!tpu.dma_semaphore, #tpu.memory_space<semaphore_mem>>)
        } else {
        }
        "tpu.region"() ({
          %run_scoped3A = tpu.sem_alloc : memref<!tpu.dma_semaphore, #tpu.memory_space<semaphore_mem>>
          %dma_start3A_82 = arith.constant 0 : i32
          %dma_start3A_83 = tpu.memref_slice %arg8[%add3A_62, %dma_start3A_82] : memref<40x128xi32, #tpu.memory_space<vmem>> -> memref<1x128xi32, #tpu.memory_space<vmem>>
          %dma_start3A_84 = tpu.memref_squeeze %dma_start3A_83 : memref<1x128xi32, #tpu.memory_space<vmem>> -> memref<128xi32, #tpu.memory_space<vmem>>
          %dma_start3A_85 = arith.constant 0 : i32
          %dma_start3A_86 = arith.constant 0 : i32
          %dma_start3A_87 = tpu.memref_slice %arg14[%dma_start3A_85, %dma_start3A_86] : memref<10240x128xf32, #tpu.memory_space<vmem_shared>> -> memref<10240x128xf32, #tpu.memory_space<vmem_shared>>
          tpu.enqueue_indirect_dma source(%arg11 : memref<128x128xf32, #tpu.memory_space<vmem>>) target(%dma_start3A_87 : memref<10240x128xf32, #tpu.memory_space<vmem_shared>>) offsets(%dma_start3A_84 : memref<128xi32, #tpu.memory_space<vmem>>) semaphore(%run_scoped3A : memref<!tpu.dma_semaphore, #tpu.memory_space<semaphore_mem>>) {add = true}
          %dma_wait3A_88 = arith.constant 0 : i32
          %dma_wait3A_89 = tpu.memref_slice %arg8[%add3A_62, %dma_wait3A_88] : memref<40x128xi32, #tpu.memory_space<vmem>> -> memref<1x128xi32, #tpu.memory_space<vmem>>
          %dma_wait3A_90 = tpu.memref_squeeze %dma_wait3A_89 : memref<1x128xi32, #tpu.memory_space<vmem>> -> memref<128xi32, #tpu.memory_space<vmem>>
          %dma_wait3A_91 = arith.constant 0 : i32
          %dma_wait3A_92 = arith.constant 0 : i32
          %dma_wait3A_93 = tpu.memref_slice %arg14[%dma_wait3A_91, %dma_wait3A_92] : memref<10240x128xf32, #tpu.memory_space<vmem_shared>> -> memref<10240x128xf32, #tpu.memory_space<vmem_shared>>
          tpu.wait_indirect_dma semaphore(%run_scoped3A : memref<!tpu.dma_semaphore, #tpu.memory_space<semaphore_mem>>) src(%arg11 : memref<128x128xf32, #tpu.memory_space<vmem>>) dst(%dma_wait3A_93 : memref<10240x128xf32, #tpu.memory_space<vmem_shared>>)
          tpu.yield
        }) : () -> ()
      }
      %scan3A_38 = arith.constant 20 : i32
    }
    %scan3A_9 = arith.constant 2 : i32
    %barrier3A_10 = arith.constant 0 : index
    tpu.barrier barrier_id(%barrier3A_10)
    %mul3A_11 = arith.constant 640 : i32
    %mul3A_12 = arith.muli %arg1, %mul3A_11 : i32
    %mul3A_13 = arith.constant 640 : i32
    %mul3A_14 = arith.muli %arg1, %mul3A_13 : i32
    "tpu.region"() ({
      %run_scoped3A = tpu.sem_alloc : memref<!tpu.dma_semaphore, #tpu.memory_space<semaphore_mem>>
      %dma_start3A = arith.constant 0 : i32
      %dma_start3A_15 = tpu.memref_slice %arg6[%arg0, %mul3A_14, %dma_start3A] : memref<2x10240x128xf32, #tpu.memory_space<hbm>> -> memref<1x640x128xf32, #tpu.memory_space<hbm>>
      %dma_start3A_16 = tpu.memref_squeeze %dma_start3A_15 : memref<1x640x128xf32, #tpu.memory_space<hbm>> -> memref<640x128xf32, #tpu.memory_space<hbm>>
      %dma_start3A_17 = arith.constant 0 : i32
      %dma_start3A_18 = tpu.memref_slice %arg14[%mul3A_12, %dma_start3A_17] : memref<10240x128xf32, #tpu.memory_space<vmem_shared>> -> memref<640x128xf32, #tpu.memory_space<vmem_shared>>
      tpu.enqueue_dma source(%dma_start3A_18 : memref<640x128xf32, #tpu.memory_space<vmem_shared>>) target(%dma_start3A_16 : memref<640x128xf32, #tpu.memory_space<hbm>>) target_semaphore(%run_scoped3A : memref<!tpu.dma_semaphore, #tpu.memory_space<semaphore_mem>>)
      %dma_wait3A = arith.constant 0 : i32
      %dma_wait3A_19 = tpu.memref_slice %arg6[%arg0, %mul3A_14, %dma_wait3A] : memref<2x10240x128xf32, #tpu.memory_space<hbm>> -> memref<1x640x128xf32, #tpu.memory_space<hbm>>
      %dma_wait3A_20 = tpu.memref_squeeze %dma_wait3A_19 : memref<1x640x128xf32, #tpu.memory_space<hbm>> -> memref<640x128xf32, #tpu.memory_space<hbm>>
      %dma_wait3A_21 = arith.constant 0 : i32
      %dma_wait3A_22 = tpu.memref_slice %arg14[%mul3A_12, %dma_wait3A_21] : memref<10240x128xf32, #tpu.memory_space<vmem_shared>> -> memref<640x128xf32, #tpu.memory_space<vmem_shared>>
      tpu.wait_dma2 semaphore(%run_scoped3A : memref<!tpu.dma_semaphore, #tpu.memory_space<semaphore_mem>>) src(%dma_wait3A_22 : memref<640x128xf32, #tpu.memory_space<vmem_shared>>) dst(%dma_wait3A_20 : memref<640x128xf32, #tpu.memory_space<hbm>>)
      tpu.yield
    }) : () -> ()
    return
  }
}

#map = affine_map<(d0, d1) -> (0, 0)>
#map1 = affine_map<(d0, d1) -> (0, 0, 0)>
module attributes {stable_mosaic.version = 14 : i64} {
  func.func @k(%arg0: i32, %arg1: i32, %arg2: memref<10240x64xi32, #tpu.memory_space<hbm>>, %arg3: memref<32x80x128xi32, #tpu.memory_space<hbm>>, %arg4: memref<32x80x128xi32, #tpu.memory_space<hbm>>, %arg5: memref<10240x128xf32, #tpu.memory_space<hbm>>, %arg6: memref<2x10240x128xf32, #tpu.memory_space<hbm>>, %arg7: memref<40x128xi32, #tpu.memory_space<vmem>>, %arg8: memref<40x128xi32, #tpu.memory_space<vmem>>, %arg9: memref<128x64xi32, #tpu.memory_space<vmem>>, %arg10: memref<128x64xi32, #tpu.memory_space<vmem>>, %arg11: memref<128x128xf32, #tpu.memory_space<vmem>>, %arg12: memref<!tpu.dma_semaphore, #tpu.memory_space<semaphore_mem>>, %arg13: memref<!tpu.dma_semaphore, #tpu.memory_space<semaphore_mem>>, %arg14: memref<10240x128xf32, #tpu.memory_space<vmem_shared>>) attributes {dimension_semantics = [#tpu.dimension_semantics<core_parallel>, #tpu.dimension_semantics<subcore_parallel>], iteration_bounds = array<i64: 2, 16>, scalar_prefetch = 0 : i64, scratch_operands = 8 : i64, tpu.core_type = #tpu.core_type<sc_vector_subcore>, window_params = [{transform_indices = #map}, {transform_indices = #map1}, {transform_indices = #map1}, {transform_indices = #map}, {transform_indices = #map1}]} {
    %mul3A = arith.constant 2 : i32
    %mul3A_0 = arith.muli %arg1, %mul3A : i32
    %add3A = arith.addi %mul3A_0, %arg0 : i32
    %mul3A_1 = arith.constant 640 : i32
    %mul3A_2 = arith.muli %arg1, %mul3A_1 : i32
    %mul3A_3 = arith.constant 640 : i32
    %mul3A_4 = arith.muli %arg1, %mul3A_3 : i32
    "tpu.region"() ({
      %run_scoped3A = tpu.sem_alloc : memref<!tpu.dma_semaphore, #tpu.memory_space<semaphore_mem>>
      %dma_start3A = arith.constant 0 : i32
      %dma_start3A_15 = tpu.memref_slice %arg14[%mul3A_4, %dma_start3A] : memref<10240x128xf32, #tpu.memory_space<vmem_shared>> -> memref<640x128xf32, #tpu.memory_space<vmem_shared>>
      %dma_start3A_16 = arith.constant 0 : i32
      %dma_start3A_17 = tpu.memref_slice %arg5[%mul3A_2, %dma_start3A_16] : memref<10240x128xf32, #tpu.memory_space<hbm>> -> memref<640x128xf32, #tpu.memory_space<hbm>>
      tpu.enqueue_dma source(%dma_start3A_17 : memref<640x128xf32, #tpu.memory_space<hbm>>) target(%dma_start3A_15 : memref<640x128xf32, #tpu.memory_space<vmem_shared>>) target_semaphore(%run_scoped3A : memref<!tpu.dma_semaphore, #tpu.memory_space<semaphore_mem>>)
      %dma_wait3A = arith.constant 0 : i32
      %dma_wait3A_18 = tpu.memref_slice %arg14[%mul3A_4, %dma_wait3A] : memref<10240x128xf32, #tpu.memory_space<vmem_shared>> -> memref<640x128xf32, #tpu.memory_space<vmem_shared>>
      %dma_wait3A_19 = arith.constant 0 : i32
      %dma_wait3A_20 = tpu.memref_slice %arg5[%mul3A_2, %dma_wait3A_19] : memref<10240x128xf32, #tpu.memory_space<hbm>> -> memref<640x128xf32, #tpu.memory_space<hbm>>
      tpu.wait_dma2 semaphore(%run_scoped3A : memref<!tpu.dma_semaphore, #tpu.memory_space<semaphore_mem>>) src(%dma_wait3A_20 : memref<640x128xf32, #tpu.memory_space<hbm>>) dst(%dma_wait3A_18 : memref<640x128xf32, #tpu.memory_space<vmem_shared>>)
      tpu.yield
    }) : () -> ()
    %barrier3A = arith.constant 0 : index
    tpu.barrier barrier_id(%barrier3A)
    %scan3A = arith.constant 0 : i32
    %scan3A_5 = arith.constant 0 : i32
    %scan3A_6 = arith.constant 2 : i32
    %scan3A_7 = arith.addi %scan3A_5, %scan3A_6 : i32
    %scan3A_8 = arith.constant 1 : i32
    scf.for %scan3A_15 = %scan3A_5 to %scan3A_7 step %scan3A_8  : i32 {
      %mul3A_16 = arith.constant 40 : i32
      %mul3A_17 = arith.muli %scan3A_15, %mul3A_16 : i32
      "tpu.region"() ({
        %run_scoped3A = tpu.sem_alloc : memref<!tpu.dma_semaphore, #tpu.memory_space<semaphore_mem>>
        %dma_start3A_39 = arith.constant 0 : i32
        %dma_start3A_40 = tpu.memref_slice %arg3[%add3A, %mul3A_17, %dma_start3A_39] : memref<32x80x128xi32, #tpu.memory_space<hbm>> -> memref<1x40x128xi32, #tpu.memory_space<hbm>>
        %dma_start3A_41 = tpu.memref_squeeze %dma_start3A_40 : memref<1x40x128xi32, #tpu.memory_space<hbm>> -> memref<40x128xi32, #tpu.memory_space<hbm>>
        %dma_start3A_42 = arith.constant 0 : i32
        %dma_start3A_43 = tpu.memref_slice %arg3[%add3A, %mul3A_17, %dma_start3A_42] : memref<32x80x128xi32, #tpu.memory_space<hbm>> -> memref<1x40x128xi32, #tpu.memory_space<hbm>>
        %dma_start3A_44 = tpu.memref_squeeze %dma_start3A_43 : memref<1x40x128xi32, #tpu.memory_space<hbm>> -> memref<40x128xi32, #tpu.memory_space<hbm>>
        tpu.enqueue_dma source(%dma_start3A_44 : memref<40x128xi32, #tpu.memory_space<hbm>>) target(%arg7 : memref<40x128xi32, #tpu.memory_space<vmem>>) target_semaphore(%run_scoped3A : memref<!tpu.dma_semaphore, #tpu.memory_space<semaphore_mem>>)
        %dma_wait3A = arith.constant 0 : i32
        %dma_wait3A_45 = tpu.memref_slice %arg3[%add3A, %mul3A_17, %dma_wait3A] : memref<32x80x128xi32, #tpu.memory_space<hbm>> -> memref<1x40x128xi32, #tpu.memory_space<hbm>>
        %dma_wait3A_46 = tpu.memref_squeeze %dma_wait3A_45 : memref<1x40x128xi32, #tpu.memory_space<hbm>> -> memref<40x128xi32, #tpu.memory_space<hbm>>
        %dma_wait3A_47 = arith.constant 0 : i32
        %dma_wait3A_48 = tpu.memref_slice %arg3[%add3A, %mul3A_17, %dma_wait3A_47] : memref<32x80x128xi32, #tpu.memory_space<hbm>> -> memref<1x40x128xi32, #tpu.memory_space<hbm>>
        %dma_wait3A_49 = tpu.memref_squeeze %dma_wait3A_48 : memref<1x40x128xi32, #tpu.memory_space<hbm>> -> memref<40x128xi32, #tpu.memory_space<hbm>>
        tpu.wait_dma2 semaphore(%run_scoped3A : memref<!tpu.dma_semaphore, #tpu.memory_space<semaphore_mem>>) src(%dma_wait3A_49 : memref<40x128xi32, #tpu.memory_space<hbm>>) dst(%arg7 : memref<40x128xi32, #tpu.memory_space<vmem>>)
        tpu.yield
      }) : () -> ()
      %mul3A_18 = arith.constant 40 : i32
      %mul3A_19 = arith.muli %scan3A_15, %mul3A_18 : i32
      "tpu.region"() ({
        %run_scoped3A = tpu.sem_alloc : memref<!tpu.dma_semaphore, #tpu.memory_space<semaphore_mem>>
        %dma_start3A_39 = arith.constant 0 : i32
        %dma_start3A_40 = tpu.memref_slice %arg4[%add3A, %mul3A_19, %dma_start3A_39] : memref<32x80x128xi32, #tpu.memory_space<hbm>> -> memref<1x40x128xi32, #tpu.memory_space<hbm>>
        %dma_start3A_41 = tpu.memref_squeeze %dma_start3A_40 : memref<1x40x128xi32, #tpu.memory_space<hbm>> -> memref<40x128xi32, #tpu.memory_space<hbm>>
        %dma_start3A_42 = arith.constant 0 : i32
        %dma_start3A_43 = tpu.memref_slice %arg4[%add3A, %mul3A_19, %dma_start3A_42] : memref<32x80x128xi32, #tpu.memory_space<hbm>> -> memref<1x40x128xi32, #tpu.memory_space<hbm>>
        %dma_start3A_44 = tpu.memref_squeeze %dma_start3A_43 : memref<1x40x128xi32, #tpu.memory_space<hbm>> -> memref<40x128xi32, #tpu.memory_space<hbm>>
        tpu.enqueue_dma source(%dma_start3A_44 : memref<40x128xi32, #tpu.memory_space<hbm>>) target(%arg8 : memref<40x128xi32, #tpu.memory_space<vmem>>) target_semaphore(%run_scoped3A : memref<!tpu.dma_semaphore, #tpu.memory_space<semaphore_mem>>)
        %dma_wait3A = arith.constant 0 : i32
        %dma_wait3A_45 = tpu.memref_slice %arg4[%add3A, %mul3A_19, %dma_wait3A] : memref<32x80x128xi32, #tpu.memory_space<hbm>> -> memref<1x40x128xi32, #tpu.memory_space<hbm>>
        %dma_wait3A_46 = tpu.memref_squeeze %dma_wait3A_45 : memref<1x40x128xi32, #tpu.memory_space<hbm>> -> memref<40x128xi32, #tpu.memory_space<hbm>>
        %dma_wait3A_47 = arith.constant 0 : i32
        %dma_wait3A_48 = tpu.memref_slice %arg4[%add3A, %mul3A_19, %dma_wait3A_47] : memref<32x80x128xi32, #tpu.memory_space<hbm>> -> memref<1x40x128xi32, #tpu.memory_space<hbm>>
        %dma_wait3A_49 = tpu.memref_squeeze %dma_wait3A_48 : memref<1x40x128xi32, #tpu.memory_space<hbm>> -> memref<40x128xi32, #tpu.memory_space<hbm>>
        tpu.wait_dma2 semaphore(%run_scoped3A : memref<!tpu.dma_semaphore, #tpu.memory_space<semaphore_mem>>) src(%dma_wait3A_49 : memref<40x128xi32, #tpu.memory_space<hbm>>) dst(%arg8 : memref<40x128xi32, #tpu.memory_space<vmem>>)
        tpu.yield
      }) : () -> ()
      %dma_start3A = arith.constant 0 : i32
      %dma_start3A_20 = arith.constant 0 : i32
      %dma_start3A_21 = tpu.memref_slice %arg7[%dma_start3A, %dma_start3A_20] : memref<40x128xi32, #tpu.memory_space<vmem>> -> memref<1x128xi32, #tpu.memory_space<vmem>>
      %dma_start3A_22 = tpu.memref_squeeze %dma_start3A_21 : memref<1x128xi32, #tpu.memory_space<vmem>> -> memref<128xi32, #tpu.memory_space<vmem>>
      %dma_start3A_23 = arith.constant 0 : i32
      %dma_start3A_24 = arith.constant 0 : i32
      %dma_start3A_25 = tpu.memref_slice %arg2[%dma_start3A_23, %dma_start3A_24] : memref<10240x64xi32, #tpu.memory_space<hbm>> -> memref<10240x64xi32, #tpu.memory_space<hbm>>
      tpu.enqueue_indirect_dma source(%dma_start3A_25 : memref<10240x64xi32, #tpu.memory_space<hbm>>) target(%arg9 : memref<128x64xi32, #tpu.memory_space<vmem>>) offsets(%dma_start3A_22 : memref<128xi32, #tpu.memory_space<vmem>>) semaphore(%arg12 : memref<!tpu.dma_semaphore, #tpu.memory_space<semaphore_mem>>)
      %dma_start3A_26 = arith.constant 1 : i32
      %dma_start3A_27 = arith.constant 0 : i32
      %dma_start3A_28 = tpu.memref_slice %arg7[%dma_start3A_26, %dma_start3A_27] : memref<40x128xi32, #tpu.memory_space<vmem>> -> memref<1x128xi32, #tpu.memory_space<vmem>>
      %dma_start3A_29 = tpu.memref_squeeze %dma_start3A_28 : memref<1x128xi32, #tpu.memory_space<vmem>> -> memref<128xi32, #tpu.memory_space<vmem>>
      %dma_start3A_30 = arith.constant 0 : i32
      %dma_start3A_31 = arith.constant 0 : i32
      %dma_start3A_32 = tpu.memref_slice %arg2[%dma_start3A_30, %dma_start3A_31] : memref<10240x64xi32, #tpu.memory_space<hbm>> -> memref<10240x64xi32, #tpu.memory_space<hbm>>
      tpu.enqueue_indirect_dma source(%dma_start3A_32 : memref<10240x64xi32, #tpu.memory_space<hbm>>) target(%arg10 : memref<128x64xi32, #tpu.memory_space<vmem>>) offsets(%dma_start3A_29 : memref<128xi32, #tpu.memory_space<vmem>>) semaphore(%arg13 : memref<!tpu.dma_semaphore, #tpu.memory_space<semaphore_mem>>)
      %scan3A_33 = arith.constant 0 : i32
      %scan3A_34 = arith.constant 0 : i32
      %scan3A_35 = arith.constant 20 : i32
      %scan3A_36 = arith.addi %scan3A_34, %scan3A_35 : i32
      %scan3A_37 = arith.constant 1 : i32
      scf.for %scan3A_39 = %scan3A_34 to %scan3A_36 step %scan3A_37  : i32 {
        %mul3A_40 = arith.constant 2 : i32
        %mul3A_41 = arith.muli %scan3A_39, %mul3A_40 : i32
        %add3A_42 = arith.constant 0 : i32
        %add3A_43 = arith.addi %mul3A_41, %add3A_42 : i32
        %dma_wait3A = arith.constant 0 : i32
        %dma_wait3A_44 = tpu.memref_slice %arg7[%add3A_43, %dma_wait3A] : memref<40x128xi32, #tpu.memory_space<vmem>> -> memref<1x128xi32, #tpu.memory_space<vmem>>
        %dma_wait3A_45 = tpu.memref_squeeze %dma_wait3A_44 : memref<1x128xi32, #tpu.memory_space<vmem>> -> memref<128xi32, #tpu.memory_space<vmem>>
        %dma_wait3A_46 = arith.constant 0 : i32
        %dma_wait3A_47 = arith.constant 0 : i32
        %dma_wait3A_48 = tpu.memref_slice %arg2[%dma_wait3A_46, %dma_wait3A_47] : memref<10240x64xi32, #tpu.memory_space<hbm>> -> memref<10240x64xi32, #tpu.memory_space<hbm>>
        tpu.wait_indirect_dma semaphore(%arg12 : memref<!tpu.dma_semaphore, #tpu.memory_space<semaphore_mem>>) src(%dma_wait3A_48 : memref<10240x64xi32, #tpu.memory_space<hbm>>) dst(%arg9 : memref<128x64xi32, #tpu.memory_space<vmem>>)
        %scan3A_49 = arith.constant 0 : i32
        %scan3A_50 = arith.constant 0 : i32
        %scan3A_51 = arith.constant 128 : i32
        %scan3A_52 = arith.addi %scan3A_50, %scan3A_51 : i32
        %scan3A_53 = arith.constant 1 : i32
        scf.for %scan3A_82 = %scan3A_50 to %scan3A_52 step %scan3A_53  : i32 {
          %get3A = arith.index_cast %scan3A_82 : i32 to index
          %get3A_83 = arith.constant 0 : index
          %get3A_84 = tpu.vector_load %arg9[%get3A, %get3A_83] {strides = array<i32>} : memref<128x64xi32, #tpu.memory_space<vmem>>, vector<1x16xi32>,
          %get3A_85 = vector.shape_cast %get3A_84 : vector<1x16xi32> to vector<16xi32>
          %broadcast_in_dim3A = arith.constant 16 : i32
          %broadcast_in_dim3A_86 = vector.broadcast %broadcast_in_dim3A : i32 to vector<16xi32>
          %broadcast_in_dim3A_87 = arith.constant -65536 : i32
          %broadcast_in_dim3A_88 = vector.broadcast %broadcast_in_dim3A_87 : i32 to vector<16xi32>
          %shift_left3A = arith.shli %get3A_85, %broadcast_in_dim3A_86 : vector<16xi32>
          %bitcast_convert_type3A = tpu.bitcast %shift_left3A : vector<16xi32> -> vector<16xf32>
          %and3A = arith.andi %get3A_85, %broadcast_in_dim3A_88 : vector<16xi32>
          %bitcast_convert_type3A_89 = tpu.bitcast %and3A : vector<16xi32> -> vector<16xf32>
          %swap3A = arith.index_cast %scan3A_82 : i32 to index
          %swap3A_90 = arith.constant 0 : index
          %swap3A_91 = tpu.vector_load %arg11[%swap3A, %swap3A_90] {strides = array<i32>} : memref<128x128xf32, #tpu.memory_space<vmem>>, vector<1x16xf32>,
          %swap3A_92 = vector.shape_cast %swap3A_91 : vector<1x16xf32> to vector<16xf32>
          %swap3A_93 = vector.shape_cast %bitcast_convert_type3A : vector<16xf32> to vector<1x16xf32>
          tpu.vector_store %arg11[%swap3A, %swap3A_90], %swap3A_93 {strides = array<i32>} : memref<128x128xf32, #tpu.memory_space<vmem>>, vector<1x16xf32>,
          %swap3A_94 = arith.index_cast %scan3A_82 : i32 to index
          %swap3A_95 = arith.constant 16 : index
          %swap3A_96 = tpu.vector_load %arg11[%swap3A_94, %swap3A_95] {strides = array<i32>} : memref<128x128xf32, #tpu.memory_space<vmem>>, vector<1x16xf32>,
          %swap3A_97 = vector.shape_cast %swap3A_96 : vector<1x16xf32> to vector<16xf32>
          %swap3A_98 = vector.shape_cast %bitcast_convert_type3A_89 : vector<16xf32> to vector<1x16xf32>
          tpu.vector_store %arg11[%swap3A_94, %swap3A_95], %swap3A_98 {strides = array<i32>} : memref<128x128xf32, #tpu.memory_space<vmem>>, vector<1x16xf32>,
          %get3A_99 = arith.index_cast %scan3A_82 : i32 to index
          %get3A_100 = arith.constant 16 : index
          %get3A_101 = tpu.vector_load %arg9[%get3A_99, %get3A_100] {strides = array<i32>} : memref<128x64xi32, #tpu.memory_space<vmem>>, vector<1x16xi32>,
          %get3A_102 = vector.shape_cast %get3A_101 : vector<1x16xi32> to vector<16xi32>
          %broadcast_in_dim3A_103 = arith.constant 16 : i32
          %broadcast_in_dim3A_104 = vector.broadcast %broadcast_in_dim3A_103 : i32 to vector<16xi32>
          %broadcast_in_dim3A_105 = arith.constant -65536 : i32
          %broadcast_in_dim3A_106 = vector.broadcast %broadcast_in_dim3A_105 : i32 to vector<16xi32>
          %shift_left3A_107 = arith.shli %get3A_102, %broadcast_in_dim3A_104 : vector<16xi32>
          %bitcast_convert_type3A_108 = tpu.bitcast %shift_left3A_107 : vector<16xi32> -> vector<16xf32>
          %and3A_109 = arith.andi %get3A_102, %broadcast_in_dim3A_106 : vector<16xi32>
          %bitcast_convert_type3A_110 = tpu.bitcast %and3A_109 : vector<16xi32> -> vector<16xf32>
          %swap3A_111 = arith.index_cast %scan3A_82 : i32 to index
          %swap3A_112 = arith.constant 32 : index
          %swap3A_113 = tpu.vector_load %arg11[%swap3A_111, %swap3A_112] {strides = array<i32>} : memref<128x128xf32, #tpu.memory_space<vmem>>, vector<1x16xf32>,
          %swap3A_114 = vector.shape_cast %swap3A_113 : vector<1x16xf32> to vector<16xf32>
          %swap3A_115 = vector.shape_cast %bitcast_convert_type3A_108 : vector<16xf32> to vector<1x16xf32>
          tpu.vector_store %arg11[%swap3A_111, %swap3A_112], %swap3A_115 {strides = array<i32>} : memref<128x128xf32, #tpu.memory_space<vmem>>, vector<1x16xf32>,
          %swap3A_116 = arith.index_cast %scan3A_82 : i32 to index
          %swap3A_117 = arith.constant 48 : index
          %swap3A_118 = tpu.vector_load %arg11[%swap3A_116, %swap3A_117] {strides = array<i32>} : memref<128x128xf32, #tpu.memory_space<vmem>>, vector<1x16xf32>,
          %swap3A_119 = vector.shape_cast %swap3A_118 : vector<1x16xf32> to vector<16xf32>
          %swap3A_120 = vector.shape_cast %bitcast_convert_type3A_110 : vector<16xf32> to vector<1x16xf32>
          tpu.vector_store %arg11[%swap3A_116, %swap3A_117], %swap3A_120 {strides = array<i32>} : memref<128x128xf32, #tpu.memory_space<vmem>>, vector<1x16xf32>,
          %get3A_121 = arith.index_cast %scan3A_82 : i32 to index
          %get3A_122 = arith.constant 32 : index
          %get3A_123 = tpu.vector_load %arg9[%get3A_121, %get3A_122] {strides = array<i32>} : memref<128x64xi32, #tpu.memory_space<vmem>>, vector<1x16xi32>,
          %get3A_124 = vector.shape_cast %get3A_123 : vector<1x16xi32> to vector<16xi32>
          %broadcast_in_dim3A_125 = arith.constant 16 : i32
          %broadcast_in_dim3A_126 = vector.broadcast %broadcast_in_dim3A_125 : i32 to vector<16xi32>
          %broadcast_in_dim3A_127 = arith.constant -65536 : i32
          %broadcast_in_dim3A_128 = vector.broadcast %broadcast_in_dim3A_127 : i32 to vector<16xi32>
          %shift_left3A_129 = arith.shli %get3A_124, %broadcast_in_dim3A_126 : vector<16xi32>
          %bitcast_convert_type3A_130 = tpu.bitcast %shift_left3A_129 : vector<16xi32> -> vector<16xf32>
          %and3A_131 = arith.andi %get3A_124, %broadcast_in_dim3A_128 : vector<16xi32>
          %bitcast_convert_type3A_132 = tpu.bitcast %and3A_131 : vector<16xi32> -> vector<16xf32>
          %swap3A_133 = arith.index_cast %scan3A_82 : i32 to index
          %swap3A_134 = arith.constant 64 : index
          %swap3A_135 = tpu.vector_load %arg11[%swap3A_133, %swap3A_134] {strides = array<i32>} : memref<128x128xf32, #tpu.memory_space<vmem>>, vector<1x16xf32>,
          %swap3A_136 = vector.shape_cast %swap3A_135 : vector<1x16xf32> to vector<16xf32>
          %swap3A_137 = vector.shape_cast %bitcast_convert_type3A_130 : vector<16xf32> to vector<1x16xf32>
          tpu.vector_store %arg11[%swap3A_133, %swap3A_134], %swap3A_137 {strides = array<i32>} : memref<128x128xf32, #tpu.memory_space<vmem>>, vector<1x16xf32>,
          %swap3A_138 = arith.index_cast %scan3A_82 : i32 to index
          %swap3A_139 = arith.constant 80 : index
          %swap3A_140 = tpu.vector_load %arg11[%swap3A_138, %swap3A_139] {strides = array<i32>} : memref<128x128xf32, #tpu.memory_space<vmem>>, vector<1x16xf32>,
          %swap3A_141 = vector.shape_cast %swap3A_140 : vector<1x16xf32> to vector<16xf32>
          %swap3A_142 = vector.shape_cast %bitcast_convert_type3A_132 : vector<16xf32> to vector<1x16xf32>
          tpu.vector_store %arg11[%swap3A_138, %swap3A_139], %swap3A_142 {strides = array<i32>} : memref<128x128xf32, #tpu.memory_space<vmem>>, vector<1x16xf32>,
          %get3A_143 = arith.index_cast %scan3A_82 : i32 to index
          %get3A_144 = arith.constant 48 : index
          %get3A_145 = tpu.vector_load %arg9[%get3A_143, %get3A_144] {strides = array<i32>} : memref<128x64xi32, #tpu.memory_space<vmem>>, vector<1x16xi32>,
          %get3A_146 = vector.shape_cast %get3A_145 : vector<1x16xi32> to vector<16xi32>
          %broadcast_in_dim3A_147 = arith.constant 16 : i32
          %broadcast_in_dim3A_148 = vector.broadcast %broadcast_in_dim3A_147 : i32 to vector<16xi32>
          %broadcast_in_dim3A_149 = arith.constant -65536 : i32
          %broadcast_in_dim3A_150 = vector.broadcast %broadcast_in_dim3A_149 : i32 to vector<16xi32>
          %shift_left3A_151 = arith.shli %get3A_146, %broadcast_in_dim3A_148 : vector<16xi32>
          %bitcast_convert_type3A_152 = tpu.bitcast %shift_left3A_151 : vector<16xi32> -> vector<16xf32>
          %and3A_153 = arith.andi %get3A_146, %broadcast_in_dim3A_150 : vector<16xi32>
          %bitcast_convert_type3A_154 = tpu.bitcast %and3A_153 : vector<16xi32> -> vector<16xf32>
          %swap3A_155 = arith.index_cast %scan3A_82 : i32 to index
          %swap3A_156 = arith.constant 96 : index
          %swap3A_157 = tpu.vector_load %arg11[%swap3A_155, %swap3A_156] {strides = array<i32>} : memref<128x128xf32, #tpu.memory_space<vmem>>, vector<1x16xf32>,
          %swap3A_158 = vector.shape_cast %swap3A_157 : vector<1x16xf32> to vector<16xf32>
          %swap3A_159 = vector.shape_cast %bitcast_convert_type3A_152 : vector<16xf32> to vector<1x16xf32>
          tpu.vector_store %arg11[%swap3A_155, %swap3A_156], %swap3A_159 {strides = array<i32>} : memref<128x128xf32, #tpu.memory_space<vmem>>, vector<1x16xf32>,
          %swap3A_160 = arith.index_cast %scan3A_82 : i32 to index
          %swap3A_161 = arith.constant 112 : index
          %swap3A_162 = tpu.vector_load %arg11[%swap3A_160, %swap3A_161] {strides = array<i32>} : memref<128x128xf32, #tpu.memory_space<vmem>>, vector<1x16xf32>,
          %swap3A_163 = vector.shape_cast %swap3A_162 : vector<1x16xf32> to vector<16xf32>
          %swap3A_164 = vector.shape_cast %bitcast_convert_type3A_154 : vector<16xf32> to vector<1x16xf32>
          tpu.vector_store %arg11[%swap3A_160, %swap3A_161], %swap3A_164 {strides = array<i32>} : memref<128x128xf32, #tpu.memory_space<vmem>>, vector<1x16xf32>,
        }
        %scan3A_54 = arith.constant 128 : i32
        %add3A_55 = arith.constant 2 : i32
        %add3A_56 = arith.addi %add3A_43, %add3A_55 : i32
        %lt3A = arith.constant 40 : i32
        %lt3A_57 = arith.cmpi slt, %add3A_56, %lt3A : i32
        %convert_element_type3A = arith.extui %lt3A_57 : i1 to i32
        %cond3A = arith.constant 0 : i32
        %cond3A_58 = arith.cmpi ne, %convert_element_type3A, %cond3A : i32
        scf.if %cond3A_58 {
          %dma_start3A_82 = arith.constant 0 : i32
          %dma_start3A_83 = tpu.memref_slice %arg7[%add3A_56, %dma_start3A_82] : memref<40x128xi32, #tpu.memory_space<vmem>> -> memref<1x128xi32, #tpu.memory_space<vmem>>
          %dma_start3A_84 = tpu.memref_squeeze %dma_start3A_83 : memref<1x128xi32, #tpu.memory_space<vmem>> -> memref<128xi32, #tpu.memory_space<vmem>>
          %dma_start3A_85 = arith.constant 0 : i32
          %dma_start3A_86 = arith.constant 0 : i32
          %dma_start3A_87 = tpu.memref_slice %arg2[%dma_start3A_85, %dma_start3A_86] : memref<10240x64xi32, #tpu.memory_space<hbm>> -> memref<10240x64xi32, #tpu.memory_space<hbm>>
          tpu.enqueue_indirect_dma source(%dma_start3A_87 : memref<10240x64xi32, #tpu.memory_space<hbm>>) target(%arg9 : memref<128x64xi32, #tpu.memory_space<vmem>>) offsets(%dma_start3A_84 : memref<128xi32, #tpu.memory_space<vmem>>) semaphore(%arg12 : memref<!tpu.dma_semaphore, #tpu.memory_space<semaphore_mem>>)
        } else {
        }
        "tpu.region"() ({
          %run_scoped3A = tpu.sem_alloc : memref<!tpu.dma_semaphore, #tpu.memory_space<semaphore_mem>>
          %dma_start3A_82 = arith.constant 0 : i32
          %dma_start3A_83 = tpu.memref_slice %arg8[%add3A_43, %dma_start3A_82] : memref<40x128xi32, #tpu.memory_space<vmem>> -> memref<1x128xi32, #tpu.memory_space<vmem>>
          %dma_start3A_84 = tpu.memref_squeeze %dma_start3A_83 : memref<1x128xi32, #tpu.memory_space<vmem>> -> memref<128xi32, #tpu.memory_space<vmem>>
          %dma_start3A_85 = arith.constant 0 : i32
          %dma_start3A_86 = arith.constant 0 : i32
          %dma_start3A_87 = tpu.memref_slice %arg14[%dma_start3A_85, %dma_start3A_86] : memref<10240x128xf32, #tpu.memory_space<vmem_shared>> -> memref<10240x128xf32, #tpu.memory_space<vmem_shared>>
          tpu.enqueue_indirect_dma source(%arg11 : memref<128x128xf32, #tpu.memory_space<vmem>>) target(%dma_start3A_87 : memref<10240x128xf32, #tpu.memory_space<vmem_shared>>) offsets(%dma_start3A_84 : memref<128xi32, #tpu.memory_space<vmem>>) semaphore(%run_scoped3A : memref<!tpu.dma_semaphore, #tpu.memory_space<semaphore_mem>>) {add = true}
          %dma_wait3A_88 = arith.constant 0 : i32
          %dma_wait3A_89 = tpu.memref_slice %arg8[%add3A_43, %dma_wait3A_88] : memref<40x128xi32, #tpu.memory_space<vmem>> -> memref<1x128xi32, #tpu.memory_space<vmem>>
          %dma_wait3A_90 = tpu.memref_squeeze %dma_wait3A_89 : memref<1x128xi32, #tpu.memory_space<vmem>> -> memref<128xi32, #tpu.memory_space<vmem>>
          %dma_wait3A_91 = arith.constant 0 : i32
          %dma_wait3A_92 = arith.constant 0 : i32
          %dma_wait3A_93 = tpu.memref_slice %arg14[%dma_wait3A_91, %dma_wait3A_92] : memref<10240x128xf32, #tpu.memory_space<vmem_shared>> -> memref<10240x128xf32, #tpu.memory_space<vmem_shared>>
          tpu.wait_indirect_dma semaphore(%run_scoped3A : memref<!tpu.dma_semaphore, #tpu.memory_space<semaphore_mem>>) src(%arg11 : memref<128x128xf32, #tpu.memory_space<vmem>>) dst(%dma_wait3A_93 : memref<10240x128xf32, #tpu.memory_space<vmem_shared>>)
          tpu.yield
        }) : () -> ()
        %mul3A_59 = arith.constant 2 : i32
        %mul3A_60 = arith.muli %scan3A_39, %mul3A_59 : i32
        %add3A_61 = arith.constant 1 : i32
        %add3A_62 = arith.addi %mul3A_60, %add3A_61 : i32
        %dma_wait3A_63 = arith.constant 0 : i32
        %dma_wait3A_64 = tpu.memref_slice %arg7[%add3A_62, %dma_wait3A_63] : memref<40x128xi32, #tpu.memory_space<vmem>> -> memref<1x128xi32, #tpu.memory_space<vmem>>
        %dma_wait3A_65 = tpu.memref_squeeze %dma_wait3A_64 : memref<1x128xi32, #tpu.memory_space<vmem>> -> memref<128xi32, #tpu.memory_space<vmem>>
        %dma_wait3A_66 = arith.constant 0 : i32
        %dma_wait3A_67 = arith.constant 0 : i32
        %dma_wait3A_68 = tpu.memref_slice %arg2[%dma_wait3A_66, %dma_wait3A_67] : memref<10240x64xi32, #tpu.memory_space<hbm>> -> memref<10240x64xi32, #tpu.memory_space<hbm>>
        tpu.wait_indirect_dma semaphore(%arg13 : memref<!tpu.dma_semaphore, #tpu.memory_space<semaphore_mem>>) src(%dma_wait3A_68 : memref<10240x64xi32, #tpu.memory_space<hbm>>) dst(%arg10 : memref<128x64xi32, #tpu.memory_space<vmem>>)
        %scan3A_69 = arith.constant 0 : i32
        %scan3A_70 = arith.constant 0 : i32
        %scan3A_71 = arith.constant 128 : i32
        %scan3A_72 = arith.addi %scan3A_70, %scan3A_71 : i32
        %scan3A_73 = arith.constant 1 : i32
        scf.for %scan3A_82 = %scan3A_70 to %scan3A_72 step %scan3A_73  : i32 {
          %get3A = arith.index_cast %scan3A_82 : i32 to index
          %get3A_83 = arith.constant 0 : index
          %get3A_84 = tpu.vector_load %arg10[%get3A, %get3A_83] {strides = array<i32>} : memref<128x64xi32, #tpu.memory_space<vmem>>, vector<1x16xi32>,
          %get3A_85 = vector.shape_cast %get3A_84 : vector<1x16xi32> to vector<16xi32>
          %broadcast_in_dim3A = arith.constant 16 : i32
          %broadcast_in_dim3A_86 = vector.broadcast %broadcast_in_dim3A : i32 to vector<16xi32>
          %broadcast_in_dim3A_87 = arith.constant -65536 : i32
          %broadcast_in_dim3A_88 = vector.broadcast %broadcast_in_dim3A_87 : i32 to vector<16xi32>
          %shift_left3A = arith.shli %get3A_85, %broadcast_in_dim3A_86 : vector<16xi32>
          %bitcast_convert_type3A = tpu.bitcast %shift_left3A : vector<16xi32> -> vector<16xf32>
          %and3A = arith.andi %get3A_85, %broadcast_in_dim3A_88 : vector<16xi32>
          %bitcast_convert_type3A_89 = tpu.bitcast %and3A : vector<16xi32> -> vector<16xf32>
          %swap3A = arith.index_cast %scan3A_82 : i32 to index
          %swap3A_90 = arith.constant 0 : index
          %swap3A_91 = tpu.vector_load %arg11[%swap3A, %swap3A_90] {strides = array<i32>} : memref<128x128xf32, #tpu.memory_space<vmem>>, vector<1x16xf32>,
          %swap3A_92 = vector.shape_cast %swap3A_91 : vector<1x16xf32> to vector<16xf32>
          %swap3A_93 = vector.shape_cast %bitcast_convert_type3A : vector<16xf32> to vector<1x16xf32>
          tpu.vector_store %arg11[%swap3A, %swap3A_90], %swap3A_93 {strides = array<i32>} : memref<128x128xf32, #tpu.memory_space<vmem>>, vector<1x16xf32>,
          %swap3A_94 = arith.index_cast %scan3A_82 : i32 to index
          %swap3A_95 = arith.constant 16 : index
          %swap3A_96 = tpu.vector_load %arg11[%swap3A_94, %swap3A_95] {strides = array<i32>} : memref<128x128xf32, #tpu.memory_space<vmem>>, vector<1x16xf32>,
          %swap3A_97 = vector.shape_cast %swap3A_96 : vector<1x16xf32> to vector<16xf32>
          %swap3A_98 = vector.shape_cast %bitcast_convert_type3A_89 : vector<16xf32> to vector<1x16xf32>
          tpu.vector_store %arg11[%swap3A_94, %swap3A_95], %swap3A_98 {strides = array<i32>} : memref<128x128xf32, #tpu.memory_space<vmem>>, vector<1x16xf32>,
          %get3A_99 = arith.index_cast %scan3A_82 : i32 to index
          %get3A_100 = arith.constant 16 : index
          %get3A_101 = tpu.vector_load %arg10[%get3A_99, %get3A_100] {strides = array<i32>} : memref<128x64xi32, #tpu.memory_space<vmem>>, vector<1x16xi32>,
          %get3A_102 = vector.shape_cast %get3A_101 : vector<1x16xi32> to vector<16xi32>
          %broadcast_in_dim3A_103 = arith.constant 16 : i32
          %broadcast_in_dim3A_104 = vector.broadcast %broadcast_in_dim3A_103 : i32 to vector<16xi32>
          %broadcast_in_dim3A_105 = arith.constant -65536 : i32
          %broadcast_in_dim3A_106 = vector.broadcast %broadcast_in_dim3A_105 : i32 to vector<16xi32>
          %shift_left3A_107 = arith.shli %get3A_102, %broadcast_in_dim3A_104 : vector<16xi32>
          %bitcast_convert_type3A_108 = tpu.bitcast %shift_left3A_107 : vector<16xi32> -> vector<16xf32>
          %and3A_109 = arith.andi %get3A_102, %broadcast_in_dim3A_106 : vector<16xi32>
          %bitcast_convert_type3A_110 = tpu.bitcast %and3A_109 : vector<16xi32> -> vector<16xf32>
          %swap3A_111 = arith.index_cast %scan3A_82 : i32 to index
          %swap3A_112 = arith.constant 32 : index
          %swap3A_113 = tpu.vector_load %arg11[%swap3A_111, %swap3A_112] {strides = array<i32>} : memref<128x128xf32, #tpu.memory_space<vmem>>, vector<1x16xf32>,
          %swap3A_114 = vector.shape_cast %swap3A_113 : vector<1x16xf32> to vector<16xf32>
          %swap3A_115 = vector.shape_cast %bitcast_convert_type3A_108 : vector<16xf32> to vector<1x16xf32>
          tpu.vector_store %arg11[%swap3A_111, %swap3A_112], %swap3A_115 {strides = array<i32>} : memref<128x128xf32, #tpu.memory_space<vmem>>, vector<1x16xf32>,
          %swap3A_116 = arith.index_cast %scan3A_82 : i32 to index
          %swap3A_117 = arith.constant 48 : index
          %swap3A_118 = tpu.vector_load %arg11[%swap3A_116, %swap3A_117] {strides = array<i32>} : memref<128x128xf32, #tpu.memory_space<vmem>>, vector<1x16xf32>,
          %swap3A_119 = vector.shape_cast %swap3A_118 : vector<1x16xf32> to vector<16xf32>
          %swap3A_120 = vector.shape_cast %bitcast_convert_type3A_110 : vector<16xf32> to vector<1x16xf32>
          tpu.vector_store %arg11[%swap3A_116, %swap3A_117], %swap3A_120 {strides = array<i32>} : memref<128x128xf32, #tpu.memory_space<vmem>>, vector<1x16xf32>,
          %get3A_121 = arith.index_cast %scan3A_82 : i32 to index
          %get3A_122 = arith.constant 32 : index
          %get3A_123 = tpu.vector_load %arg10[%get3A_121, %get3A_122] {strides = array<i32>} : memref<128x64xi32, #tpu.memory_space<vmem>>, vector<1x16xi32>,
          %get3A_124 = vector.shape_cast %get3A_123 : vector<1x16xi32> to vector<16xi32>
          %broadcast_in_dim3A_125 = arith.constant 16 : i32
          %broadcast_in_dim3A_126 = vector.broadcast %broadcast_in_dim3A_125 : i32 to vector<16xi32>
          %broadcast_in_dim3A_127 = arith.constant -65536 : i32
          %broadcast_in_dim3A_128 = vector.broadcast %broadcast_in_dim3A_127 : i32 to vector<16xi32>
          %shift_left3A_129 = arith.shli %get3A_124, %broadcast_in_dim3A_126 : vector<16xi32>
          %bitcast_convert_type3A_130 = tpu.bitcast %shift_left3A_129 : vector<16xi32> -> vector<16xf32>
          %and3A_131 = arith.andi %get3A_124, %broadcast_in_dim3A_128 : vector<16xi32>
          %bitcast_convert_type3A_132 = tpu.bitcast %and3A_131 : vector<16xi32> -> vector<16xf32>
          %swap3A_133 = arith.index_cast %scan3A_82 : i32 to index
          %swap3A_134 = arith.constant 64 : index
          %swap3A_135 = tpu.vector_load %arg11[%swap3A_133, %swap3A_134] {strides = array<i32>} : memref<128x128xf32, #tpu.memory_space<vmem>>, vector<1x16xf32>,
          %swap3A_136 = vector.shape_cast %swap3A_135 : vector<1x16xf32> to vector<16xf32>
          %swap3A_137 = vector.shape_cast %bitcast_convert_type3A_130 : vector<16xf32> to vector<1x16xf32>
          tpu.vector_store %arg11[%swap3A_133, %swap3A_134], %swap3A_137 {strides = array<i32>} : memref<128x128xf32, #tpu.memory_space<vmem>>, vector<1x16xf32>,
          %swap3A_138 = arith.index_cast %scan3A_82 : i32 to index
          %swap3A_139 = arith.constant 80 : index
          %swap3A_140 = tpu.vector_load %arg11[%swap3A_138, %swap3A_139] {strides = array<i32>} : memref<128x128xf32, #tpu.memory_space<vmem>>, vector<1x16xf32>,
          %swap3A_141 = vector.shape_cast %swap3A_140 : vector<1x16xf32> to vector<16xf32>
          %swap3A_142 = vector.shape_cast %bitcast_convert_type3A_132 : vector<16xf32> to vector<1x16xf32>
          tpu.vector_store %arg11[%swap3A_138, %swap3A_139], %swap3A_142 {strides = array<i32>} : memref<128x128xf32, #tpu.memory_space<vmem>>, vector<1x16xf32>,
          %get3A_143 = arith.index_cast %scan3A_82 : i32 to index
          %get3A_144 = arith.constant 48 : index
          %get3A_145 = tpu.vector_load %arg10[%get3A_143, %get3A_144] {strides = array<i32>} : memref<128x64xi32, #tpu.memory_space<vmem>>, vector<1x16xi32>,
          %get3A_146 = vector.shape_cast %get3A_145 : vector<1x16xi32> to vector<16xi32>
          %broadcast_in_dim3A_147 = arith.constant 16 : i32
          %broadcast_in_dim3A_148 = vector.broadcast %broadcast_in_dim3A_147 : i32 to vector<16xi32>
          %broadcast_in_dim3A_149 = arith.constant -65536 : i32
          %broadcast_in_dim3A_150 = vector.broadcast %broadcast_in_dim3A_149 : i32 to vector<16xi32>
          %shift_left3A_151 = arith.shli %get3A_146, %broadcast_in_dim3A_148 : vector<16xi32>
          %bitcast_convert_type3A_152 = tpu.bitcast %shift_left3A_151 : vector<16xi32> -> vector<16xf32>
          %and3A_153 = arith.andi %get3A_146, %broadcast_in_dim3A_150 : vector<16xi32>
          %bitcast_convert_type3A_154 = tpu.bitcast %and3A_153 : vector<16xi32> -> vector<16xf32>
          %swap3A_155 = arith.index_cast %scan3A_82 : i32 to index
          %swap3A_156 = arith.constant 96 : index
          %swap3A_157 = tpu.vector_load %arg11[%swap3A_155, %swap3A_156] {strides = array<i32>} : memref<128x128xf32, #tpu.memory_space<vmem>>, vector<1x16xf32>,
          %swap3A_158 = vector.shape_cast %swap3A_157 : vector<1x16xf32> to vector<16xf32>
          %swap3A_159 = vector.shape_cast %bitcast_convert_type3A_152 : vector<16xf32> to vector<1x16xf32>
          tpu.vector_store %arg11[%swap3A_155, %swap3A_156], %swap3A_159 {strides = array<i32>} : memref<128x128xf32, #tpu.memory_space<vmem>>, vector<1x16xf32>,
          %swap3A_160 = arith.index_cast %scan3A_82 : i32 to index
          %swap3A_161 = arith.constant 112 : index
          %swap3A_162 = tpu.vector_load %arg11[%swap3A_160, %swap3A_161] {strides = array<i32>} : memref<128x128xf32, #tpu.memory_space<vmem>>, vector<1x16xf32>,
          %swap3A_163 = vector.shape_cast %swap3A_162 : vector<1x16xf32> to vector<16xf32>
          %swap3A_164 = vector.shape_cast %bitcast_convert_type3A_154 : vector<16xf32> to vector<1x16xf32>
          tpu.vector_store %arg11[%swap3A_160, %swap3A_161], %swap3A_164 {strides = array<i32>} : memref<128x128xf32, #tpu.memory_space<vmem>>, vector<1x16xf32>,
        }
        %scan3A_74 = arith.constant 128 : i32
        %add3A_75 = arith.constant 2 : i32
        %add3A_76 = arith.addi %add3A_62, %add3A_75 : i32
        %lt3A_77 = arith.constant 40 : i32
        %lt3A_78 = arith.cmpi slt, %add3A_76, %lt3A_77 : i32
        %convert_element_type3A_79 = arith.extui %lt3A_78 : i1 to i32
        %cond3A_80 = arith.constant 0 : i32
        %cond3A_81 = arith.cmpi ne, %convert_element_type3A_79, %cond3A_80 : i32
        scf.if %cond3A_81 {
          %dma_start3A_82 = arith.constant 0 : i32
          %dma_start3A_83 = tpu.memref_slice %arg7[%add3A_76, %dma_start3A_82] : memref<40x128xi32, #tpu.memory_space<vmem>> -> memref<1x128xi32, #tpu.memory_space<vmem>>
          %dma_start3A_84 = tpu.memref_squeeze %dma_start3A_83 : memref<1x128xi32, #tpu.memory_space<vmem>> -> memref<128xi32, #tpu.memory_space<vmem>>
          %dma_start3A_85 = arith.constant 0 : i32
          %dma_start3A_86 = arith.constant 0 : i32
          %dma_start3A_87 = tpu.memref_slice %arg2[%dma_start3A_85, %dma_start3A_86] : memref<10240x64xi32, #tpu.memory_space<hbm>> -> memref<10240x64xi32, #tpu.memory_space<hbm>>
          tpu.enqueue_indirect_dma source(%dma_start3A_87 : memref<10240x64xi32, #tpu.memory_space<hbm>>) target(%arg10 : memref<128x64xi32, #tpu.memory_space<vmem>>) offsets(%dma_start3A_84 : memref<128xi32, #tpu.memory_space<vmem>>) semaphore(%arg13 : memref<!tpu.dma_semaphore, #tpu.memory_space<semaphore_mem>>)
        } else {
        }
        "tpu.region"() ({
          %run_scoped3A = tpu.sem_alloc : memref<!tpu.dma_semaphore, #tpu.memory_space<semaphore_mem>>
          %dma_start3A_82 = arith.constant 0 : i32
          %dma_start3A_83 = tpu.memref_slice %arg8[%add3A_62, %dma_start3A_82] : memref<40x128xi32, #tpu.memory_space<vmem>> -> memref<1x128xi32, #tpu.memory_space<vmem>>
          %dma_start3A_84 = tpu.memref_squeeze %dma_start3A_83 : memref<1x128xi32, #tpu.memory_space<vmem>> -> memref<128xi32, #tpu.memory_space<vmem>>
          %dma_start3A_85 = arith.constant 0 : i32
          %dma_start3A_86 = arith.constant 0 : i32
          %dma_start3A_87 = tpu.memref_slice %arg14[%dma_start3A_85, %dma_start3A_86] : memref<10240x128xf32, #tpu.memory_space<vmem_shared>> -> memref<10240x128xf32, #tpu.memory_space<vmem_shared>>
          tpu.enqueue_indirect_dma source(%arg11 : memref<128x128xf32, #tpu.memory_space<vmem>>) target(%dma_start3A_87 : memref<10240x128xf32, #tpu.memory_space<vmem_shared>>) offsets(%dma_start3A_84 : memref<128xi32, #tpu.memory_space<vmem>>) semaphore(%run_scoped3A : memref<!tpu.dma_semaphore, #tpu.memory_space<semaphore_mem>>) {add = true}
          %dma_wait3A_88 = arith.constant 0 : i32
          %dma_wait3A_89 = tpu.memref_slice %arg8[%add3A_62, %dma_wait3A_88] : memref<40x128xi32, #tpu.memory_space<vmem>> -> memref<1x128xi32, #tpu.memory_space<vmem>>
          %dma_wait3A_90 = tpu.memref_squeeze %dma_wait3A_89 : memref<1x128xi32, #tpu.memory_space<vmem>> -> memref<128xi32, #tpu.memory_space<vmem>>
          %dma_wait3A_91 = arith.constant 0 : i32
          %dma_wait3A_92 = arith.constant 0 : i32
          %dma_wait3A_93 = tpu.memref_slice %arg14[%dma_wait3A_91, %dma_wait3A_92] : memref<10240x128xf32, #tpu.memory_space<vmem_shared>> -> memref<10240x128xf32, #tpu.memory_space<vmem_shared>>
          tpu.wait_indirect_dma semaphore(%run_scoped3A : memref<!tpu.dma_semaphore, #tpu.memory_space<semaphore_mem>>) src(%arg11 : memref<128x128xf32, #tpu.memory_space<vmem>>) dst(%dma_wait3A_93 : memref<10240x128xf32, #tpu.memory_space<vmem_shared>>)
          tpu.yield
        }) : () -> ()
      }
      %scan3A_38 = arith.constant 20 : i32
    }
    %scan3A_9 = arith.constant 2 : i32
    %barrier3A_10 = arith.constant 0 : index
    tpu.barrier barrier_id(%barrier3A_10)
    %mul3A_11 = arith.constant 640 : i32
    %mul3A_12 = arith.muli %arg1, %mul3A_11 : i32
    %mul3A_13 = arith.constant 640 : i32
    %mul3A_14 = arith.muli %arg1, %mul3A_13 : i32
    "tpu.region"() ({
      %run_scoped3A = tpu.sem_alloc : memref<!tpu.dma_semaphore, #tpu.memory_space<semaphore_mem>>
      %dma_start3A = arith.constant 0 : i32
      %dma_start3A_15 = tpu.memref_slice %arg6[%arg0, %mul3A_14, %dma_start3A] : memref<2x10240x128xf32, #tpu.memory_space<hbm>> -> memref<1x640x128xf32, #tpu.memory_space<hbm>>
      %dma_start3A_16 = tpu.memref_squeeze %dma_start3A_15 : memref<1x640x128xf32, #tpu.memory_space<hbm>> -> memref<640x128xf32, #tpu.memory_space<hbm>>
      %dma_start3A_17 = arith.constant 0 : i32
      %dma_start3A_18 = tpu.memref_slice %arg14[%mul3A_12, %dma_start3A_17] : memref<10240x128xf32, #tpu.memory_space<vmem_shared>> -> memref<640x128xf32, #tpu.memory_space<vmem_shared>>
      tpu.enqueue_dma source(%dma_start3A_18 : memref<640x128xf32, #tpu.memory_space<vmem_shared>>) target(%dma_start3A_16 : memref<640x128xf32, #tpu.memory_space<hbm>>) target_semaphore(%run_scoped3A : memref<!tpu.dma_semaphore, #tpu.memory_space<semaphore_mem>>)
      %dma_wait3A = arith.constant 0 : i32
      %dma_wait3A_19 = tpu.memref_slice %arg6[%arg0, %mul3A_14, %dma_wait3A] : memref<2x10240x128xf32, #tpu.memory_space<hbm>> -> memref<1x640x128xf32, #tpu.memory_space<hbm>>
      %dma_wait3A_20 = tpu.memref_squeeze %dma_wait3A_19 : memref<1x640x128xf32, #tpu.memory_space<hbm>> -> memref<640x128xf32, #tpu.memory_space<hbm>>
      %dma_wait3A_21 = arith.constant 0 : i32
      %dma_wait3A_22 = tpu.memref_slice %arg14[%mul3A_12, %dma_wait3A_21] : memref<10240x128xf32, #tpu.memory_space<vmem_shared>> -> memref<640x128xf32, #tpu.memory_space<vmem_shared>>
      tpu.wait_dma2 semaphore(%run_scoped3A : memref<!tpu.dma_semaphore, #tpu.memory_space<semaphore_mem>>) src(%dma_wait3A_22 : memref<640x128xf32, #tpu.memory_space<vmem_shared>>) dst(%dma_wait3A_20 : memref<640x128xf32, #tpu.memory_space<hbm>>)
      tpu.yield
    }) : () -> ()
    return
  }
}

module attributes {stable_mosaic.version = 14 : i64} {
  func.func @_mlp_mid_body(%arg0: i32, %arg1: memref<1024x128xf32, #tpu.memory_space<vmem>>, %arg2: memref<1024x128xf32, #tpu.memory_space<vmem>>, %arg3: memref<1024x128xf32, #tpu.memory_space<vmem>>, %arg4: memref<128x128xf32, #tpu.memory_space<vmem>>, %arg5: memref<1x128xf32, #tpu.memory_space<vmem>>, %arg6: memref<128x128xf32, #tpu.memory_space<vmem>>, %arg7: memref<1x128xf32, #tpu.memory_space<vmem>>, %arg8: memref<128x128xf32, #tpu.memory_space<vmem>>, %arg9: memref<1x128xf32, #tpu.memory_space<vmem>>, %arg10: memref<1024x128xbf16, #tpu.memory_space<vmem>>, %arg11: memref<1024x128xf32, #tpu.memory_space<vmem>>) attributes {dimension_semantics = [#tpu.dimension_semantics<arbitrary>], iteration_bounds = array<i64: 10>, scalar_prefetch = 0 : i64, scratch_operands = 0 : i64, tpu.core_type = #tpu.core_type<tc>, window_params = [{transform_indices = @transform_0, window_bounds = array<i64: 1024, 128>}, {transform_indices = @transform_1, window_bounds = array<i64: 1024, 128>}, {transform_indices = @transform_2, window_bounds = array<i64: 1024, 128>}, {pipeline_mode = #tpu.pipeline_mode<synchronous>, transform_indices = @transform_3, window_bounds = array<i64: 128, 128>}, {pipeline_mode = #tpu.pipeline_mode<synchronous>, transform_indices = @transform_4, window_bounds = array<i64: 1, 128>}, {pipeline_mode = #tpu.pipeline_mode<synchronous>, transform_indices = @transform_5, window_bounds = array<i64: 128, 128>}, {pipeline_mode = #tpu.pipeline_mode<synchronous>, transform_indices = @transform_6, window_bounds = array<i64: 1, 128>}, {pipeline_mode = #tpu.pipeline_mode<synchronous>, transform_indices = @transform_7, window_bounds = array<i64: 128, 128>}, {pipeline_mode = #tpu.pipeline_mode<synchronous>, transform_indices = @transform_8, window_bounds = array<i64: 1, 128>}, {transform_indices = @transform_9, window_bounds = array<i64: 1024, 128>}, {transform_indices = @transform_10, window_bounds = array<i64: 1024, 128>}]} {
    %get3A = arith.constant 0 : index
    %get3A_0 = arith.constant 0 : index
    %get3A_1 = vector.load %arg1[%get3A, %get3A_0] : memref<1024x128xf32, #tpu.memory_space<vmem>>, vector<1024x128xf32>
    %get3A_2 = arith.constant 0 : index
    %get3A_3 = arith.constant 0 : index
    %get3A_4 = vector.load %arg2[%get3A_2, %get3A_3] : memref<1024x128xf32, #tpu.memory_space<vmem>>, vector<1024x128xf32>
    %add3A = arith.addf %get3A_1, %get3A_4 : vector<1024x128xf32>
    %get3A_5 = arith.constant 0 : index
    %get3A_6 = arith.constant 0 : index
    %get3A_7 = vector.load %arg3[%get3A_5, %get3A_6] : memref<1024x128xf32, #tpu.memory_space<vmem>>, vector<1024x128xf32>
    %add3A_8 = arith.addf %add3A, %get3A_7 : vector<1024x128xf32>
    %get3A_9 = arith.constant 0 : index
    %get3A_10 = arith.constant 0 : index
    %get3A_11 = vector.load %arg4[%get3A_9, %get3A_10] : memref<128x128xf32, #tpu.memory_space<vmem>>, vector<128x128xf32>
    %dot_general3A = arith.constant dense<0.000000e+00> : vector<1024x128xf32>
    %dot_general3A_12 = tpu.matmul %add3A_8, %get3A_11, %dot_general3A {dimension_numbers = #tpu.dot_dimension_numbers<[1], [0], [0], [1], [0, 0, 1, 1], [], []>, transpose_lhs_hint = false} : vector<1024x128xf32>, vector<128x128xf32>, vector<1024x128xf32> -> vector<1024x128xf32>
    %get3A_13 = arith.constant 0 : index
    %get3A_14 = arith.constant 0 : index
    %get3A_15 = vector.load %arg5[%get3A_13, %get3A_14] : memref<1x128xf32, #tpu.memory_space<vmem>>, vector<1x128xf32>
    %add3A_16 = vector.broadcast %get3A_15 : vector<1x128xf32> to vector<1024x128xf32>
    %add3A_17 = arith.addf %dot_general3A_12, %add3A_16 : vector<1024x128xf32>
    %max3A = arith.constant 0.000000e+00 : f32
    %max3A_18 = vector.broadcast %max3A : f32 to vector<1024x128xf32>
    %max3A_19 = arith.maximumf %add3A_17, %max3A_18 : vector<1024x128xf32>
    %mul3A = arith.constant 1024 : i32
    %mul3A_20 = arith.muli %arg0, %mul3A : i32
    %iota3A = tpu.iota {dimensions = array<i32: 0>} : vector<1024x128xi32>
    %add3A_21 = vector.broadcast %mul3A_20 : i32 to vector<1024x128xi32>
    %add3A_22 = arith.addi %add3A_21, %iota3A : vector<1024x128xi32>
    %lt3A = arith.constant 10000 : i32
    %lt3A_23 = vector.broadcast %lt3A : i32 to vector<1024x128xi32>
    %lt3A_24 = arith.cmpi slt, %add3A_22, %lt3A_23 : vector<1024x128xi32>
    %get3A_25 = arith.constant 0 : index
    %get3A_26 = arith.constant 0 : index
    %get3A_27 = vector.load %arg6[%get3A_25, %get3A_26] : memref<128x128xf32, #tpu.memory_space<vmem>>, vector<128x128xf32>
    %dot_general3A_28 = arith.constant dense<0.000000e+00> : vector<1024x128xf32>
    %dot_general3A_29 = tpu.matmul %max3A_19, %get3A_27, %dot_general3A_28 {dimension_numbers = #tpu.dot_dimension_numbers<[1], [0], [0], [1], [0, 0, 1, 1], [], []>, transpose_lhs_hint = false} : vector<1024x128xf32>, vector<128x128xf32>, vector<1024x128xf32> -> vector<1024x128xf32>
    %get3A_30 = arith.constant 0 : index
    %get3A_31 = arith.constant 0 : index
    %get3A_32 = vector.load %arg7[%get3A_30, %get3A_31] : memref<1x128xf32, #tpu.memory_space<vmem>>, vector<1x128xf32>
    %add3A_33 = vector.broadcast %get3A_32 : vector<1x128xf32> to vector<1024x128xf32>
    %add3A_34 = arith.addf %dot_general3A_29, %add3A_33 : vector<1024x128xf32>
    %max3A_35 = arith.constant 0.000000e+00 : f32
    %max3A_36 = vector.broadcast %max3A_35 : f32 to vector<1024x128xf32>
    %max3A_37 = arith.maximumf %add3A_34, %max3A_36 : vector<1024x128xf32>
    %jit3A = arith.constant 0.000000e+00 : f32
    %broadcast_in_dim3A = vector.broadcast %jit3A : f32 to vector<1024x128xf32>
    %select_n3A = arith.select %lt3A_24, %max3A_37, %broadcast_in_dim3A : vector<1024x128xi1>, vector<1024x128xf32>
    %convert_element_type3A = arith.truncf %select_n3A : vector<1024x128xf32> to vector<1024x128xbf16>
    %swap3A = arith.constant 0 : index
    %swap3A_38 = arith.constant 0 : index
    %swap3A_39 = vector.load %arg10[%swap3A, %swap3A_38] : memref<1024x128xbf16, #tpu.memory_space<vmem>>, vector<1024x128xbf16>
    tpu.vector_store %arg10[%swap3A, %swap3A_38], %convert_element_type3A {strides = array<i32>} : memref<1024x128xbf16, #tpu.memory_space<vmem>>, vector<1024x128xbf16>,
    %get3A_40 = arith.constant 0 : index
    %get3A_41 = arith.constant 0 : index
    %get3A_42 = vector.load %arg8[%get3A_40, %get3A_41] : memref<128x128xf32, #tpu.memory_space<vmem>>, vector<128x128xf32>
    %dot_general3A_43 = arith.constant dense<0.000000e+00> : vector<1024x128xf32>
    %dot_general3A_44 = tpu.matmul %max3A_19, %get3A_42, %dot_general3A_43 {dimension_numbers = #tpu.dot_dimension_numbers<[1], [0], [0], [1], [0, 0, 1, 1], [], []>, transpose_lhs_hint = false} : vector<1024x128xf32>, vector<128x128xf32>, vector<1024x128xf32> -> vector<1024x128xf32>
    %get3A_45 = arith.constant 0 : index
    %get3A_46 = arith.constant 0 : index
    %get3A_47 = vector.load %arg9[%get3A_45, %get3A_46] : memref<1x128xf32, #tpu.memory_space<vmem>>, vector<1x128xf32>
    %add3A_48 = vector.broadcast %get3A_47 : vector<1x128xf32> to vector<1024x128xf32>
    %add3A_49 = arith.addf %dot_general3A_44, %add3A_48 : vector<1024x128xf32>
    %max3A_50 = arith.constant 0.000000e+00 : f32
    %max3A_51 = vector.broadcast %max3A_50 : f32 to vector<1024x128xf32>
    %max3A_52 = arith.maximumf %add3A_49, %max3A_51 : vector<1024x128xf32>
    %jit3A_53 = arith.constant 0.000000e+00 : f32
    %broadcast_in_dim3A_54 = vector.broadcast %jit3A_53 : f32 to vector<1024x128xf32>
    %select_n3A_55 = arith.select %lt3A_24, %max3A_52, %broadcast_in_dim3A_54 : vector<1024x128xi1>, vector<1024x128xf32>
    %swap3A_56 = arith.constant 0 : index
    %swap3A_57 = arith.constant 0 : index
    %swap3A_58 = vector.load %arg11[%swap3A_56, %swap3A_57] : memref<1024x128xf32, #tpu.memory_space<vmem>>, vector<1024x128xf32>
    tpu.vector_store %arg11[%swap3A_56, %swap3A_57], %select_n3A_55 {strides = array<i32>} : memref<1024x128xf32, #tpu.memory_space<vmem>>, vector<1024x128xf32>,
    return
  }
  func.func @transform_0(%arg0: i32) -> (i32, i32) {
    %c0_i32 = arith.constant 0 : i32
    %c0_i32_0 = arith.constant 0 : i32
    return %arg0, %c0_i32 : i32, i32
  }
  func.func @transform_1(%arg0: i32) -> (i32, i32) {
    %c0_i32 = arith.constant 0 : i32
    %c0_i32_0 = arith.constant 0 : i32
    return %arg0, %c0_i32 : i32, i32
  }
  func.func @transform_2(%arg0: i32) -> (i32, i32) {
    %c0_i32 = arith.constant 0 : i32
    %c0_i32_0 = arith.constant 0 : i32
    return %arg0, %c0_i32 : i32, i32
  }
  func.func @transform_3(%arg0: i32) -> (i32, i32) {
    %c0_i32 = arith.constant 0 : i32
    %c0_i32_0 = arith.constant 0 : i32
    %c0_i32_1 = arith.constant 0 : i32
    return %c0_i32, %c0_i32_0 : i32, i32
  }
  func.func @transform_4(%arg0: i32) -> (i32, i32) {
    %c0_i32 = arith.constant 0 : i32
    %c0_i32_0 = arith.constant 0 : i32
    %c0_i32_1 = arith.constant 0 : i32
    return %c0_i32, %c0_i32_0 : i32, i32
  }
  func.func @transform_5(%arg0: i32) -> (i32, i32) {
    %c0_i32 = arith.constant 0 : i32
    %c0_i32_0 = arith.constant 0 : i32
    %c0_i32_1 = arith.constant 0 : i32
    return %c0_i32, %c0_i32_0 : i32, i32
  }
  func.func @transform_6(%arg0: i32) -> (i32, i32) {
    %c0_i32 = arith.constant 0 : i32
    %c0_i32_0 = arith.constant 0 : i32
    %c0_i32_1 = arith.constant 0 : i32
    return %c0_i32, %c0_i32_0 : i32, i32
  }
  func.func @transform_7(%arg0: i32) -> (i32, i32) {
    %c0_i32 = arith.constant 0 : i32
    %c0_i32_0 = arith.constant 0 : i32
    %c0_i32_1 = arith.constant 0 : i32
    return %c0_i32, %c0_i32_0 : i32, i32
  }
  func.func @transform_8(%arg0: i32) -> (i32, i32) {
    %c0_i32 = arith.constant 0 : i32
    %c0_i32_0 = arith.constant 0 : i32
    %c0_i32_1 = arith.constant 0 : i32
    return %c0_i32, %c0_i32_0 : i32, i32
  }
  func.func @transform_9(%arg0: i32) -> (i32, i32) {
    %c0_i32 = arith.constant 0 : i32
    %c0_i32_0 = arith.constant 0 : i32
    return %arg0, %c0_i32 : i32, i32
  }
  func.func @transform_10(%arg0: i32) -> (i32, i32) {
    %c0_i32 = arith.constant 0 : i32
    %c0_i32_0 = arith.constant 0 : i32
    return %arg0, %c0_i32 : i32, i32
  }
}

module attributes {stable_mosaic.version = 14 : i64} {
  func.func @_mlp_last_body(%arg0: i32, %arg1: memref<1024x128xf32, #tpu.memory_space<vmem>>, %arg2: memref<1024x128xf32, #tpu.memory_space<vmem>>, %arg3: memref<1024x128xf32, #tpu.memory_space<vmem>>, %arg4: memref<128x128xf32, #tpu.memory_space<vmem>>, %arg5: memref<1x128xf32, #tpu.memory_space<vmem>>, %arg6: memref<128x128xf32, #tpu.memory_space<vmem>>, %arg7: memref<1x128xf32, #tpu.memory_space<vmem>>, %arg8: memref<1024x128xf32, #tpu.memory_space<vmem>>) attributes {dimension_semantics = [#tpu.dimension_semantics<arbitrary>], iteration_bounds = array<i64: 10>, scalar_prefetch = 0 : i64, scratch_operands = 0 : i64, tpu.core_type = #tpu.core_type<tc>, window_params = [{transform_indices = @transform_0, window_bounds = array<i64: 1024, 128>}, {transform_indices = @transform_1, window_bounds = array<i64: 1024, 128>}, {transform_indices = @transform_2, window_bounds = array<i64: 1024, 128>}, {pipeline_mode = #tpu.pipeline_mode<synchronous>, transform_indices = @transform_3, window_bounds = array<i64: 128, 128>}, {pipeline_mode = #tpu.pipeline_mode<synchronous>, transform_indices = @transform_4, window_bounds = array<i64: 1, 128>}, {pipeline_mode = #tpu.pipeline_mode<synchronous>, transform_indices = @transform_5, window_bounds = array<i64: 128, 128>}, {pipeline_mode = #tpu.pipeline_mode<synchronous>, transform_indices = @transform_6, window_bounds = array<i64: 1, 128>}, {transform_indices = @transform_7, window_bounds = array<i64: 1024, 128>}]} {
    %get3A = arith.constant 0 : index
    %get3A_0 = arith.constant 0 : index
    %get3A_1 = vector.load %arg1[%get3A, %get3A_0] : memref<1024x128xf32, #tpu.memory_space<vmem>>, vector<1024x128xf32>
    %get3A_2 = arith.constant 0 : index
    %get3A_3 = arith.constant 0 : index
    %get3A_4 = vector.load %arg2[%get3A_2, %get3A_3] : memref<1024x128xf32, #tpu.memory_space<vmem>>, vector<1024x128xf32>
    %add3A = arith.addf %get3A_1, %get3A_4 : vector<1024x128xf32>
    %get3A_5 = arith.constant 0 : index
    %get3A_6 = arith.constant 0 : index
    %get3A_7 = vector.load %arg3[%get3A_5, %get3A_6] : memref<1024x128xf32, #tpu.memory_space<vmem>>, vector<1024x128xf32>
    %add3A_8 = arith.addf %add3A, %get3A_7 : vector<1024x128xf32>
    %get3A_9 = arith.constant 0 : index
    %get3A_10 = arith.constant 0 : index
    %get3A_11 = vector.load %arg4[%get3A_9, %get3A_10] : memref<128x128xf32, #tpu.memory_space<vmem>>, vector<128x128xf32>
    %dot_general3A = arith.constant dense<0.000000e+00> : vector<1024x128xf32>
    %dot_general3A_12 = tpu.matmul %add3A_8, %get3A_11, %dot_general3A {dimension_numbers = #tpu.dot_dimension_numbers<[1], [0], [0], [1], [0, 0, 1, 1], [], []>, transpose_lhs_hint = false} : vector<1024x128xf32>, vector<128x128xf32>, vector<1024x128xf32> -> vector<1024x128xf32>
    %get3A_13 = arith.constant 0 : index
    %get3A_14 = arith.constant 0 : index
    %get3A_15 = vector.load %arg5[%get3A_13, %get3A_14] : memref<1x128xf32, #tpu.memory_space<vmem>>, vector<1x128xf32>
    %add3A_16 = vector.broadcast %get3A_15 : vector<1x128xf32> to vector<1024x128xf32>
    %add3A_17 = arith.addf %dot_general3A_12, %add3A_16 : vector<1024x128xf32>
    %max3A = arith.constant 0.000000e+00 : f32
    %max3A_18 = vector.broadcast %max3A : f32 to vector<1024x128xf32>
    %max3A_19 = arith.maximumf %add3A_17, %max3A_18 : vector<1024x128xf32>
    %get3A_20 = arith.constant 0 : index
    %get3A_21 = arith.constant 0 : index
    %get3A_22 = vector.load %arg6[%get3A_20, %get3A_21] : memref<128x128xf32, #tpu.memory_space<vmem>>, vector<128x128xf32>
    %dot_general3A_23 = arith.constant dense<0.000000e+00> : vector<1024x128xf32>
    %dot_general3A_24 = tpu.matmul %max3A_19, %get3A_22, %dot_general3A_23 {dimension_numbers = #tpu.dot_dimension_numbers<[1], [0], [0], [1], [0, 0, 1, 1], [], []>, transpose_lhs_hint = false} : vector<1024x128xf32>, vector<128x128xf32>, vector<1024x128xf32> -> vector<1024x128xf32>
    %get3A_25 = arith.constant 0 : index
    %get3A_26 = arith.constant 0 : index
    %get3A_27 = vector.load %arg7[%get3A_25, %get3A_26] : memref<1x128xf32, #tpu.memory_space<vmem>>, vector<1x128xf32>
    %add3A_28 = vector.broadcast %get3A_27 : vector<1x128xf32> to vector<1024x128xf32>
    %add3A_29 = arith.addf %dot_general3A_24, %add3A_28 : vector<1024x128xf32>
    %mul3A = arith.constant 1024 : i32
    %mul3A_30 = arith.muli %arg0, %mul3A : i32
    %iota3A = tpu.iota {dimensions = array<i32: 0>} : vector<1024x128xi32>
    %add3A_31 = vector.broadcast %mul3A_30 : i32 to vector<1024x128xi32>
    %add3A_32 = arith.addi %add3A_31, %iota3A : vector<1024x128xi32>
    %lt3A = arith.constant 10000 : i32
    %lt3A_33 = vector.broadcast %lt3A : i32 to vector<1024x128xi32>
    %lt3A_34 = arith.cmpi slt, %add3A_32, %lt3A_33 : vector<1024x128xi32>
    %jit3A = arith.constant 0.000000e+00 : f32
    %broadcast_in_dim3A = vector.broadcast %jit3A : f32 to vector<1024x128xf32>
    %select_n3A = arith.select %lt3A_34, %add3A_29, %broadcast_in_dim3A : vector<1024x128xi1>, vector<1024x128xf32>
    %swap3A = arith.constant 0 : index
    %swap3A_35 = arith.constant 0 : index
    %swap3A_36 = vector.load %arg8[%swap3A, %swap3A_35] : memref<1024x128xf32, #tpu.memory_space<vmem>>, vector<1024x128xf32>
    tpu.vector_store %arg8[%swap3A, %swap3A_35], %select_n3A {strides = array<i32>} : memref<1024x128xf32, #tpu.memory_space<vmem>>, vector<1024x128xf32>,
    return
  }
  func.func @transform_0(%arg0: i32) -> (i32, i32) {
    %c0_i32 = arith.constant 0 : i32
    %c0_i32_0 = arith.constant 0 : i32
    return %arg0, %c0_i32 : i32, i32
  }
  func.func @transform_1(%arg0: i32) -> (i32, i32) {
    %c0_i32 = arith.constant 0 : i32
    %c0_i32_0 = arith.constant 0 : i32
    return %arg0, %c0_i32 : i32, i32
  }
  func.func @transform_2(%arg0: i32) -> (i32, i32) {
    %c0_i32 = arith.constant 0 : i32
    %c0_i32_0 = arith.constant 0 : i32
    return %arg0, %c0_i32 : i32, i32
  }
  func.func @transform_3(%arg0: i32) -> (i32, i32) {
    %c0_i32 = arith.constant 0 : i32
    %c0_i32_0 = arith.constant 0 : i32
    %c0_i32_1 = arith.constant 0 : i32
    return %c0_i32, %c0_i32_0 : i32, i32
  }
  func.func @transform_4(%arg0: i32) -> (i32, i32) {
    %c0_i32 = arith.constant 0 : i32
    %c0_i32_0 = arith.constant 0 : i32
    %c0_i32_1 = arith.constant 0 : i32
    return %c0_i32, %c0_i32_0 : i32, i32
  }
  func.func @transform_5(%arg0: i32) -> (i32, i32) {
    %c0_i32 = arith.constant 0 : i32
    %c0_i32_0 = arith.constant 0 : i32
    %c0_i32_1 = arith.constant 0 : i32
    return %c0_i32, %c0_i32_0 : i32, i32
  }
  func.func @transform_6(%arg0: i32) -> (i32, i32) {
    %c0_i32 = arith.constant 0 : i32
    %c0_i32_0 = arith.constant 0 : i32
    %c0_i32_1 = arith.constant 0 : i32
    return %c0_i32, %c0_i32_0 : i32, i32
  }
  func.func @transform_7(%arg0: i32) -> (i32, i32) {
    %c0_i32 = arith.constant 0 : i32
    %c0_i32_0 = arith.constant 0 : i32
    return %arg0, %c0_i32 : i32, i32
  }
}

</mosaic_0001>

<sc_bundles>
// kernel: kernel.11.cloned.1.call-start
scs
__scs_entry_jumppad:
0x0: {  	(pc) =	sbr.rel $0x88, $3  }
0x1: {  	(tag) =	ssettag $0x0;
	lr =	simm.s32 $0x1  }
0x2: {  	[smem:$0x3F93] =	sst lr;
	_ =	strace $0xD0000000  }
0x3: {  	_ = 	snop  }
0x4: {  	_ = 	snop  }
0x5: {  	_ = 	snop  }
0x6: {  	_ = 	snop  }
0x7: {  	_ = 	snop  }
__scs_overlays_trampoline_lowered:
0x8: {  	[smem:$0x3FA2] =	sst s0  }
0x9: {  	[smem:$0x3FA3] =	sst s1  }
0xa: {  	[smem:$0x3FA4] =	sst s2  }
0xb: {  	[smem:$0x3FA5] =	sst s3  }
0xc: {  	[smem:$0x3FA6] =	sst s4  }
0xd: {  	[smem:$0x3FA7] =	sst s5  }
0xe: {  	[smem:$0x3FA8] =	sst s6  }
0xf: {  	[smem:$0x3FA9] =	sst s7  }
0x10: {  	[smem:$0x3FAA] =	sst s8  }
0x11: {  	[smem:$0x3FAB] =	sst s9;
	s0 =	simm.s32 @!p0 $0x0  }
0x12: {  	s1 =	sld [smem:$0x3F91];
	s0 =	simm.s32 @p0 $0x1  }
0x13: {  	[smem:$0x3FAC] =	sst s0;
	s0 =	simm.s32 @!p1 $0x0  }
0x14: {  	s2 =	sld [smem:$0x3F90];
	s0 =	simm.s32 @p1 $0x1  }
0x15: {  	[smem:$0x3FAD] =	sst s0;
	s0 =	simm.s32 @!p2 $0x0  }
0x16: {  	s3 =	sld [smem:$0x3FDB];
	s0 =	simm.s32 @p2 $0x1  }
0x17: {  	s4 =	simm.s32 $0x1BF5;
	[smem:$0x3FAF] =	sst s0  }
0x18: {  	s0 =	sld [smem:$0x3F92];
	_ =	swait.ge [sflag:s4], $0x0  }
0x19: {  	s7 =	sld [smem:$0x3F93]  }
0x1a: {  	s8 =	sadd.s32 $0xFFFFE003, lr  }
0x1b: {  	s9 =	sadd.s32 $0xFFFFFEF7, lr;
	s5 =	simm.s32 $0xFFFFFFFF;
	p2 =	slt.u32 s8, $0xFFFFF086  }
0x1c: {  	p1 =	slt.u32 s9, $0xF7A;
	s5 =	simm.s32 @!p2 $0x0  }
0x1d: {  	s5 =	simm.s32 @p1 $0x1;
	p0 =	seq.s32 s7, s2  }
0x1e: {  	s7 =	smul.u32 @!p0 $0xF7A, s2;
	p2 =	seq.s32 @!p0 s5, $0x0  }
0x1f: {  	s9 =	smul.u32 $0xF7A, s1;
	s8 =	simm.s32 @!p0 $0x1BF5;
	p2 =	por !p2, p0  }
0x20: {  	[sflag:s8] =	ssyncset.s32 @!p0 $0xFFFFF086;
	s6 =	sadd.s32 @!p0 s3, s7;
	s7 =	simm.s32 @!p0 $0x108  }
0x21: {  	s3 =	sadd.s32 s3, s9;
	s6 =	sadd.s32 @!p0 $0x88, s6;
	s7 =	simm.s32 @p2 $0x1082  }
0x22: {  	[simem:s7], [sflag:s8] =	dma.local @!p0 [hbm:s6], $0xF7A  }
0x23: {  	s9 =	sor.u32 $0xD0000000, s2;
	s6 =	simm.s32 $0x108;
	_ =	swait.ge @!p0 [sflag:s8], $0x0  }
0x24: {  	s3 =	sadd.s32 $0x88, s3;
	s6 =	simm.s32 @!p1 $0x1082;
	[sflag:s4] =	ssyncset.s32 $0xFFFFF086  }
0x25: {  	[simem:s6], [sflag:s4] =	dma.local [hbm:s3], $0xF7A  }
0x26: {  	[smem:$0x3F93] =	sst s1;
	(tag) =	ssettag s2;
	_ =	strace s9  }
0x27: {  	s1 =	sld [smem:$0x3FA3]  }
0x28: {  	s2 =	sld [smem:$0x3FA4]  }
0x29: {  	s4 =	sld [smem:$0x3FA6]  }
0x2a: {  	p0 =	seq.s32 s5, $0x0;
	s5 =	sld [smem:$0x3FA7]  }
0x2b: {  	s6 =	sld [smem:$0x3FA8]  }
0x2c: {  	s7 =	sld [smem:$0x3FA9]  }
0x2d: {  	s3 =	simm.s32 $0x108;
	s8 =	sld [smem:$0x3FAA]  }
0x2e: {  	s3 =	simm.s32 @!p0 $0x1082;
	s9 =	sld [smem:$0x3FAB]  }
0x2f: {  	lr =	sadd.s32 s0, s3;
	s0 =	sld [smem:$0x3FA2]  }
0x30: {  	s3 =	sld [smem:$0x3FA5]  }
0x31: {  	[smem:$0x3FAE] =	sst s10  }
0x32: {  	s10 =	sld [smem:$0x3FAC];
	_ =	sdelay $0x3  }
0x33: {  	p0 =	seq.s32 s10, $0x1;
	s10 =	sld [smem:$0x3FAE];
	_ =	sdelay $0x3  }
0x34: {  	[smem:$0x3FAE] =	sst s10  }
0x35: {  	s10 =	sld [smem:$0x3FAD];
	_ =	sdelay $0x3  }
0x36: {  	p1 =	seq.s32 s10, $0x1;
	s10 =	sld [smem:$0x3FAE];
	_ =	sdelay $0x3  }
0x37: {  	[smem:$0x3FAE] =	sst s10  }
0x38: {  	s10 =	sld [smem:$0x3FAF]  }
0x39: {  	_ = 	snop;
	(pc) =	sbr.ind lr, $3  }
0x3a: {  	_ = 	snop  }
0x3b: {  	_ = 	snop  }
0x3c: {  	p2 =	seq.s32 s10, $0x1;
	s10 =	sld [smem:$0x3FAE]  }
0x3d: {  	_ =	shalt  }
0x3e: {  	_ =	shalt  }
0x3f: {  	_ =	shalt  }
0x40: {  	_ =	shalt  }
0x41: {  	_ =	shalt  }
0x42: {  	_ =	shalt  }
0x43: {  	_ =	shalt  }
0x44: {  	_ =	shalt  }
0x45: {  	_ =	shalt  }
0x46: {  	_ =	shalt  }
0x47: {  	_ =	shalt  }
0x48: {  	_ =	shalt  }
0x49: {  	_ =	shalt  }
0x4a: {  	_ =	shalt  }
0x4b: {  	_ =	shalt  }
0x4c: {  	_ =	shalt  }
0x4d: {  	_ =	shalt  }
0x4e: {  	_ =	shalt  }
0x4f: {  	_ =	shalt  }
0x50: {  	_ =	shalt  }
0x51: {  	_ =	shalt  }
0x52: {  	_ =	shalt  }
0x53: {  	_ =	shalt  }
0x54: {  	_ =	shalt  }
0x55: {  	_ =	shalt  }
0x56: {  	_ =	shalt  }
0x57: {  	_ =	shalt  }
0x58: {  	_ =	shalt  }
0x59: {  	_ =	shalt  }
0x5a: {  	_ =	shalt  }
0x5b: {  	_ =	shalt  }
0x5c: {  	_ =	shalt  }
0x5d: {  	_ =	shalt  }
0x5e: {  	_ =	shalt  }
0x5f: {  	_ =	shalt  }
0x60: {  	_ =	shalt  }
0x61: {  	_ =	shalt  }
0x62: {  	_ =	shalt  }
0x63: {  	_ =	shalt  }
0x64: {  	_ =	shalt  }
0x65: {  	_ =	shalt  }
0x66: {  	_ =	shalt  }
0x67: {  	_ =	shalt  }
0x68: {  	_ =	shalt  }
0x69: {  	_ =	shalt  }
0x6a: {  	_ =	shalt  }
0x6b: {  	_ =	shalt  }
0x6c: {  	_ =	shalt  }
0x6d: {  	_ =	shalt  }
0x6e: {  	_ =	shalt  }
0x6f: {  	_ =	shalt  }
0x70: {  	_ =	shalt  }
0x71: {  	_ =	shalt  }
0x72: {  	_ =	shalt  }
0x73: {  	_ =	shalt  }
0x74: {  	_ =	shalt  }
0x75: {  	_ =	shalt  }
0x76: {  	_ =	shalt  }
0x77: {  	_ =	shalt  }
0x78: {  	_ =	shalt  }
0x79: {  	_ =	shalt  }
0x7a: {  	_ =	shalt  }
0x7b: {  	_ =	shalt  }
0x7c: {  	_ =	shalt  }
0x7d: {  	_ =	shalt  }
0x7e: {  	_ =	shalt  }
0x7f: {  	_ =	shalt  }
0x80: {  	_ =	shalt  }
0x81: {  	_ =	shalt  }
0x82: {  	_ =	shalt  }
0x83: {  	_ =	shalt  }
0x84: {  	_ =	shalt  }
0x85: {  	_ =	shalt  }
0x86: {  	_ =	shalt  }
0x87: {  	_ =	shalt  }
.Lfunc_end0:
.L_simem_size_0:
called_computation.1_lowered:
.L_overlay_start_0:
0x88: {  	s2 =	sld [smem:$0x3FD9]  }
0x89: {  	s3 =	sld [smem:$0x3FFE];
	_ =	sdelay $0x1  }
0x8a: {  	s1 =	srdreg.scid  }
0x8b: {  	s0 =	sand.u32 $0x1, s1  }
0x8c: {  	s17 =	sshll.u32 s0, $0xA;
	s2 =	sadd.s32 s3, s2  }
0x8d: {  	s2 =	sadd.s32 s2, s17  }
0x8e: {  	[smem:$0x3FBA] =	sst s2  }
0x8f: {  	_ = 	snop  }
0x90: {  	s2 =	sld [smem:$0x3FD0];
	(tm) =	ssettm $0x1  }
0x91: {  	s18 =	sld [smem:$0x3FFB];
	_ =	sdelay $0x3  }
0x92: {  	_ =	strace s18  }
0x93: {  	s3 =	sld [smem:$0x3FFC];
	_ =	sdelay $0x3  }
0x94: {  	_ =	strace s3  }
0x95: {  	s3 =	sld [smem:$0x3FFD];
	_ =	sdelay $0x3  }
0x96: {  	_ =	strace s3  }
0x97: {  	_ =	strace $0x8FFFFFFF  }
0x98: {  	s19 =	sld [smem:$0x3FDB];
	_ =	sdelay $0x1  }
0x99: {  	s4 =	simm.s32 $_scs_section_size  }
0x9a: {  	s5 =	simm.s32 $_size__tile_overlayer_lowered;
	s6 =	simm.s32 $_tile_overlayer_lowered  }
0x9b: {  	s22 =	simm.s32 $0x1BFF;
	s21 =	sshll.u32 s6, $0x1;
	s3 =	sadd.s32 s4, s19  }
0x9c: {  	s7 =	simm.s32 $0x0;
	s20 =	sshll.u32 s5, $0x1;
	s5 =	sadd.s32 s21, s3  }
0x9d: {  	[timem:s7], [sflag:s22] =	dma.local [hbm:s5], s20  }
0x9e: {  	_ =	swait.ge [sflag:s22], s20  }
0x9f: {  	s4 =	ssub.s32 $0x0, s20;
	[sflag:s22] =	ssyncset.done $0x0  }
0xa0: {  	[sflag:s22] =	ssyncadd.s32 s4;
	_ =	sdelay $0x1  }
0xa1: {  	s23 =	simm.s32 $0x1B8B  }
0xa2: {  	_ =	swait.ge [sflag:s23], $0x1  }
0xa3: {  	[sflag:s23] =	ssyncset.done $0x0  }
0xa4: {  	s25 =	simm.s32 $0x1B8E;
	s24 =	sld [smem:$0x3FFE];
	[sflag:s23] =	ssyncadd.s32 $0xFFFFFFFF  }
0xa5: {  	s26 =	simm.s32 $execute0_lowered;
	[smem:$0x3FD2] =	sst s25  }
0xa6: {  	s5 =	sshll.u32 s26, $0x1;
	_ =	strace $0x80000049;
	[dreg:$0x1] =	wrdreg $0xFFFFFFFF  }
0xa7: {  	s28 =	simm.s32 $_size_execute0_lowered;
	s3 =	sadd.s32 s3, s5;
	[dreg:$0x0] =	wrdreg $0x0  }
0xa8: {  	s5 =	sshll.u32 s28, $0x1;
	[dreg:$0x2] =	wrdreg s3  }
0xa9: {  	[dreg:$0x3] =	wrdreg s5  }
0xaa: {  	[dreg:$0x4] =	wrdreg $0xC0  }
0xab: {  	_ =	task [dreg:s7], $0x5FFFF  }
0xac: {  	[dreg:$0x1] =	wrdreg $0xFFFFFFFF  }
0xad: {  	[dreg:$0x0] =	wrdreg $0x60  }
0xae: {  	[dreg:$0x2] =	wrdreg s2  }
0xaf: {  	[dreg:$0x3] =	wrdreg s24  }
0xb0: {  	[dreg:$0x4] =	wrdreg $0xA8000  }
0xb1: {  	[dreg:$0x5] =	wrdreg $0x9  }
0xb2: {  	_ =	task.clear_ibuf [dreg:s7], $0x6FFFF;
	_ =	strace $0x90000049  }
0xb3: {  	s29 =	simm.s32 $0x9;
	_ =	strace $0x8000004B  }
0xb4: {  	_ =	swait.ge [sflag:s29], $0x1  }
0xb5: {  	[sflag:s29] =	ssyncadd.s32 $0xFFFFFFFF  }
0xb6: {  	_ =	strace $0x9000004B  }
0xb7: {  	_ =	sfence  }
0xb8: {  	s30 =	sld [smem:$0x0];
	_ =	sdelay $0x2  }
0xb9: {  	s31 =	sshll.u32 s1, $0xD;
	s1 =	sshrl.u32 s1, $0x2  }
0xba: {  	s3 =	sand.u32 $0x4000, s31;
	s1 =	sadd.s32 s1, s30  }
0xbb: {  	s0 =	sor.u32 s3, s0;
	s1 =	sshll.u32 s1, $0x11  }
0xbc: {  	s0 =	sor.u32 s1, s0  }
0xbd: {  	s0 =	sadd.s32 $0x8F2B, s0  }
0xbe: {  	[sflag:s0] =	ssyncadd.remote.s32 $0x1  }
0xbf: {  	_ =	sfence.sel $0xFFFF  }
0xc0: {  	[dreg:$0x0] =	wrdreg $0xFFFFFFFF;
	(pc) =	sbr.abs _section_cstart, $3  }
0xc1: {  	[dreg:$0x1] =	wrdreg $0xFFFFFFFF  }
0xc2: {  	_ =	task.clear_ibuf [dreg:s7], $0x2FFFF;
	_ =	strace $0x9FFFFFFF  }
0xc3: {  	(tm) =	ssettm $0x7FFFFFFF  }
tec
execute0_lowered:
.L_overlay_start_1:
0x0: {  	(tag) =	ssettag $0x1  }
0x1: {  	s2 =	rddreg [dreg:$0x0]  }
0x2: {  	s7 =	rddreg [dreg:$0x1]  }
0x3: {  	s3 =	rddreg [dreg:$0x2]  }
0x4: {  	s0 =	rddreg [dreg:$0x3]  }
0x5: {  	s1 =	stileid.u32;
	s5 =	srdreg.scid;
	s4 =	simm.s32 $0x0  }
0x6: {  	s15 =	simm.s32 $0x80;
	s16 =	simm.s32 $0x2800;
	s17 =	simm.s32 $0x4800  }
0x7: {  	s18 =	simm.s32 $0x1;
	s19 =	simm.s32 $0x6800;
	s20 =	simm.s32 $0x2  }
0x8: {  	s8 =	smul.u32 $0x14000, s1;
	s9 =	sand.u32 $0x1, s5;
	[smem:$0x7FF] =	sst s4  }
0x9: {  	s5 =	sadd.s32 $0x2200, s7;
	s6 =	sadd.s32 $0xC200, s7;
	s13 =	sshll.u32 s1, $0x1  }
0xa: {  	s31 =	sshll.u32 s1, $0x6;
	s10 =	smul.u32 $0x140000, s9;
	_ =	strace $0x8000004A  }
0xb: {  	s12 =	ssub.s32 $0x2, s9;
	s9 =	sor.u32 s9, s13;
	s13 =	simm.s32 $0x3  }
0xc: {  	s11 =	sshrl.u32 s8, $0x3;
	s30 =	sshrl.u32 s12, $0x1;
	s14 =	sadd.s32 s8, s3  }
0xd: {  	s9 =	smul.u32 $0x2800, s9;
	s10 =	sadd.s32 s8, s10;
	s11 =	sadd.s32 s11, s7  }
0xe: {  	s12 =	ssub.s32 s12, s30;
	s8 =	sor.u32 $0x1C03, s31;
	s10 =	sshrl.u32 s10, $0x3  }
0xf: {  	s10 =	sadd.s32 s10, s7;
	s7 =	sadd.s32 $0x16200, s11;
	s11 =	smax.u32 s12, $0x1  }
0x10: {  	s12 =	sshrl.u32 s14, $0x3;
	s14 =	simm.s32 $0x1400;
	s10 =	sadd.s32 $0x3E200, s10  }
.LBB2_1:
0x11: {  	[spmem:s12], [sflag:s8] =	dma.local [hbm:s7], $0x2800  }
0x12: {  	_ =	swait.ge [sflag:s13], $0x2800  }
0x13: {  	[sflag:s13] =	ssyncset.done $0x0  }
0x14: {  	[sflag:s13] =	ssyncadd.s32 $0xFFFFD800  }
0x15: {  	p1 =	por $0x1, $0x1;
	s21 =	simm.s32 $0x0;
	[bflag:$0x0] =	sbarrier.arrive $0xFFFF  }
.LBB2_2:
0x16: {  	s21 =	sadd.s32 s9, s21  }
0x17: {  	s22 =	sshrl.u32 s21, $0x3  }
0x18: {  	s21 =	simm.s32 $0x0;
	s23 =	sadd.s32 s5, s22  }
0x19: {  	[tilespmem:s21], [sflag:$0x3] =	stream.linear.gather [hbm4b:s23+s21], $0x1400, $0x38;
	[tilespmem:$0x1E800] =	vst v63  }
0x1a: {  	_ =	swait.ge [sflag:s13], $0x1400  }
0x1b: {  	[sflag:s13] =	ssyncset.done $0x0  }
0x1c: {  	s22 =	sadd.s32 s6, s22;
	[sflag:s13] =	ssyncadd.s32 $0xFFFFEC00  }
0x1d: {  	[tilespmem:s14], [sflag:$0x3] =	stream.linear.gather [hbm4b:s22+s21], $0x1400, $0x38;
	[tilespmem:$0x1E800] =	vst v63  }
0x1e: {  	_ =	swait.ge [sflag:s13], $0x1400  }
0x1f: {  	[sflag:s13] =	ssyncset.done $0x0  }
0x20: {  	[sflag:s13] =	ssyncadd.s32 $0xFFFFEC00  }
0x21: {  	[tilespmem:s16], [sflag:$0x1] =	stream.indirect.gather [hbm4b:s2+s15], $0x40, s21, s15, $0xb8;
	[tilespmem:$0x1E800] =	vst v63  }
0x22: {  	p0 =	por p1, p1  }
0x23: {  	[tilespmem:s17], [sflag:$0x2] =	stream.indirect.gather [hbm4b:s2+s15], $0x40, s15, s15, $0xb8;
	[tilespmem:$0x1E800] =	vst v63  }
.LBB2_3:
0x24: {  	_ =	swait.ge [sflag:s18], $0x2000  }
0x25: {  	[sflag:s18] =	ssyncset.done $0x0  }
0x26: {  	s23 =	simm.s32 $0x0;
	[sflag:s18] =	ssyncadd.s32 $0xFFFFE000  }
0x27: {  	v0 =	vld [tilespmem:s23+$0x2800];
	_ =	sdelay $0x4  }
0x28: {  	s22 =	simm.s32 $0x6840;
	v1 =	vshll.u32 v0, $0x10  }
0x29: {  	v0 =	vand.u32 $0xFFFF0000, v0;
	[tilespmem:s22+$0xFFFFFFC0] =	vst v1  }
0x2a: {  	[tilespmem:s22+$0xFFFFFFD0] =	vst v0  }
0x2b: {  	v0 =	vld [tilespmem:s23+$0x2810];
	_ =	sdelay $0x4  }
0x2c: {  	v1 =	vshll.u32 v0, $0x10  }
0x2d: {  	v0 =	vand.u32 $0xFFFF0000, v0;
	[tilespmem:s22+$0xFFFFFFE0] =	vst v1  }
0x2e: {  	[tilespmem:s22+$0xFFFFFFF0] =	vst v0  }
0x2f: {  	v0 =	vld [tilespmem:s23+$0x2820];
	_ =	sdelay $0x4  }
0x30: {  	v1 =	vand.u32 $0xFFFF0000, v0  }
0x31: {  	v0 =	vshll.u32 v0, $0x10;
	[tilespmem:s22+$0x10] =	vst v1  }
0x32: {  	[tilespmem:s22+$0x0] =	vst v0  }
0x33: {  	v0 =	vld [tilespmem:s23+$0x2830];
	_ =	sdelay $0x4  }
0x34: {  	v1 =	vshll.u32 v0, $0x10  }
0x35: {  	v0 =	vand.u32 $0xFFFF0000, v0;
	[tilespmem:s22+$0x20] =	vst v1  }
0x36: {  	s23 =	simm.s32 $0x40;
	[tilespmem:s22+$0x30] =	vst v0  }
0x37: {  	v0 =	vld [tilespmem:s23+$0x2800]  }
0x38: {  	s24 =	simm.s32 $0x200  }
.LBB2_4:
0x39: {  	p1 =	sne.s32 s24, $0x7F00;
	_ =	sdelay $0x2  }
0x3a: {  	s22 =	sadd.s32 $0x80, s22;
	v1 =	vshll.u32 v0, $0x10  }
0x3b: {  	v0 =	vand.u32 $0xFFFF0000, v0;
	[tilespmem:s22+$0xFFFFFFC0] =	vst v1  }
0x3c: {  	[tilespmem:s22+$0xFFFFFFD0] =	vst v0  }
0x3d: {  	v0 =	vld [tilespmem:s23+$0x2810];
	_ =	sdelay $0x4  }
0x3e: {  	v1 =	vshll.u32 v0, $0x10  }
0x3f: {  	v0 =	vand.u32 $0xFFFF0000, v0;
	[tilespmem:s22+$0xFFFFFFE0] =	vst v1  }
0x40: {  	[tilespmem:s22+$0xFFFFFFF0] =	vst v0  }
0x41: {  	v0 =	vld [tilespmem:s23+$0x2820];
	_ =	sdelay $0x4  }
0x42: {  	v1 =	vshll.u32 v0, $0x10;
	v0 =	vand.u32 $0xFFFF0000, v0  }
0x43: {  	[tilespmem:s22+$0x10] =	vst v0  }
0x44: {  	[tilespmem:s22+$0x0] =	vst v1  }
0x45: {  	v0 =	vld [tilespmem:s23+$0x2830];
	_ =	sdelay $0x4  }
.Ltmp0:
0x46: {  	v1 =	vshll.u32 v0, $0x10;
	v0 =	vand.u32 $0xFFFF0000, v0;
	(pc) =	sbr.rel @p1 .LBB2_4-.Ltmp0, $4  }
0x47: {  	[tilespmem:s22+$0x20] =	vst v1  }
0x48: {  	s23 =	sshra.s32 s24, $0x2;
	[tilespmem:s22+$0x30] =	vst v0  }
0x49: {  	v0 =	vld [tilespmem:s23+$0x2800]  }
0x4a: {  	s24 =	sadd.s32 $0x100, s24  }
0x4b: {  	_ =	sdelay $0x2  }
0x4c: {  	s24 =	sadd.s32 $0x80, s22;
	v1 =	vshll.u32 v0, $0x10  }
0x4d: {  	v0 =	vand.u32 $0xFFFF0000, v0;
	[tilespmem:s24+$0xFFFFFFC0] =	vst v1  }
0x4e: {  	[tilespmem:s24+$0xFFFFFFD0] =	vst v0  }
0x4f: {  	v0 =	vld [tilespmem:s23+$0x2810];
	_ =	sdelay $0x4  }
0x50: {  	v1 =	vshll.u32 v0, $0x10  }
0x51: {  	v0 =	vand.u32 $0xFFFF0000, v0;
	[tilespmem:s24+$0xFFFFFFE0] =	vst v1  }
0x52: {  	[tilespmem:s24+$0xFFFFFFF0] =	vst v0  }
0x53: {  	v0 =	vld [tilespmem:s23+$0x2820];
	_ =	sdelay $0x4  }
0x54: {  	v1 =	vand.u32 $0xFFFF0000, v0  }
0x55: {  	v0 =	vshll.u32 v0, $0x10;
	[tilespmem:s24+$0x10] =	vst v1  }
0x56: {  	[tilespmem:s24+$0x0] =	vst v0  }
0x57: {  	v0 =	vld [tilespmem:s23+$0x2830];
	_ =	sdelay $0x4  }
0x58: {  	p1 =	seq.s32 s21, $0x13;
	s23 =	sshll.u32 s21, $0xA;
	v1 =	vshll.u32 v0, $0x10  }
0x59: {  	s25 =	simm.s32 @!p1 $0x80;
	s22 =	sshrl.u32 @!p1 s23, $0x2;
	v0 =	vand.u32 $0xFFFF0000, v0;
	[tilespmem:s24+$0x20] =	vst v1  }
0x5a: {  	s26 =	simm.s32 @!p1 $0x2800;
	s23 =	sshrl.u32 s23, $0x2;
	[tilespmem:s24+$0x30] =	vst v0;
	s24 =	sadd.s32 @!p1 $0x100, s22  }
0x5b: {  	[tilespmem:s26], [sflag:$0x1] =	stream.indirect.gather @!p1 [hbm4b:s2+s25], $0x40, s24, s25, $0xb8;
	[tilespmem:$0x1E800] =	vst v63  }
0x5c: {  	s30 =	sadd.s32 $0x1400, s23  }
0x5d: {  	[spmem:s3] =	stream.indirect.scatter.add.f32 [tilespmem:s19], [sflag:$0x3], $0x80, s30, s15, $0xb8;
	[tilespmem:$0x1E800] =	vst v63  }
0x5e: {  	_ =	swait.ge [sflag:s13], $0x4000  }
0x5f: {  	[sflag:s13] =	ssyncset.done $0x0  }
0x60: {  	[sflag:s13] =	ssyncadd.s32 $0xFFFFC000  }
0x61: {  	_ =	swait.ge [sflag:s20], $0x2000  }
0x62: {  	[sflag:s20] =	ssyncset.done $0x0  }
0x63: {  	s31 =	simm.s32 $0x0;
	[sflag:s20] =	ssyncadd.s32 $0xFFFFE000  }
0x64: {  	v0 =	vld [tilespmem:s31+$0x4800];
	_ =	sdelay $0x4  }
0x65: {  	s24 =	simm.s32 $0x6840;
	v1 =	vshll.u32 v0, $0x10  }
0x66: {  	v0 =	vand.u32 $0xFFFF0000, v0;
	[tilespmem:s24+$0xFFFFFFC0] =	vst v1  }
0x67: {  	[tilespmem:s24+$0xFFFFFFD0] =	vst v0  }
0x68: {  	v0 =	vld [tilespmem:s31+$0x4810];
	_ =	sdelay $0x4  }
0x69: {  	v1 =	vshll.u32 v0, $0x10  }
0x6a: {  	v0 =	vand.u32 $0xFFFF0000, v0;
	[tilespmem:s24+$0xFFFFFFE0] =	vst v1  }
0x6b: {  	[tilespmem:s24+$0xFFFFFFF0] =	vst v0  }
0x6c: {  	v0 =	vld [tilespmem:s31+$0x4820];
	_ =	sdelay $0x4  }
0x6d: {  	v1 =	vand.u32 $0xFFFF0000, v0  }
0x6e: {  	v0 =	vshll.u32 v0, $0x10;
	[tilespmem:s24+$0x10] =	vst v1  }
0x6f: {  	[tilespmem:s24+$0x0] =	vst v0  }
0x70: {  	v0 =	vld [tilespmem:s31+$0x4830];
	_ =	sdelay $0x4  }
0x71: {  	v1 =	vshll.u32 v0, $0x10  }
0x72: {  	v0 =	vand.u32 $0xFFFF0000, v0;
	[tilespmem:s24+$0x20] =	vst v1  }
0x73: {  	s25 =	simm.s32 $0x40;
	[tilespmem:s24+$0x30] =	vst v0  }
0x74: {  	v0 =	vld [tilespmem:s25+$0x4800]  }
0x75: {  	s26 =	simm.s32 $0x200  }
.LBB2_6:
0x76: {  	p2 =	sne.s32 s26, $0x7F00;
	_ =	sdelay $0x2  }
0x77: {  	s24 =	sadd.s32 $0x80, s24;
	v1 =	vshll.u32 v0, $0x10  }
0x78: {  	v0 =	vand.u32 $0xFFFF0000, v0;
	[tilespmem:s24+$0xFFFFFFC0] =	vst v1  }
0x79: {  	[tilespmem:s24+$0xFFFFFFD0] =	vst v0  }
0x7a: {  	v0 =	vld [tilespmem:s25+$0x4810];
	_ =	sdelay $0x4  }
0x7b: {  	v1 =	vshll.u32 v0, $0x10  }
0x7c: {  	v0 =	vand.u32 $0xFFFF0000, v0;
	[tilespmem:s24+$0xFFFFFFE0] =	vst v1  }
0x7d: {  	[tilespmem:s24+$0xFFFFFFF0] =	vst v0  }
0x7e: {  	v0 =	vld [tilespmem:s25+$0x4820];
	_ =	sdelay $0x4  }
0x7f: {  	v1 =	vshll.u32 v0, $0x10;
	v0 =	vand.u32 $0xFFFF0000, v0  }
0x80: {  	[tilespmem:s24+$0x10] =	vst v0  }
0x81: {  	[tilespmem:s24+$0x0] =	vst v1  }
0x82: {  	v0 =	vld [tilespmem:s25+$0x4830];
	_ =	sdelay $0x4  }
.Ltmp1:
0x83: {  	v1 =	vshll.u32 v0, $0x10;
	v0 =	vand.u32 $0xFFFF0000, v0;
	(pc) =	sbr.rel @p2 .LBB2_6-.Ltmp1, $4  }
0x84: {  	[tilespmem:s24+$0x20] =	vst v1  }
0x85: {  	s25 =	sshra.s32 s26, $0x2;
	[tilespmem:s24+$0x30] =	vst v0  }
0x86: {  	v0 =	vld [tilespmem:s25+$0x4800]  }
0x87: {  	s26 =	sadd.s32 $0x100, s26  }
0x88: {  	_ =	sdelay $0x2  }
0x89: {  	s24 =	sadd.s32 $0x80, s24;
	v1 =	vshll.u32 v0, $0x10  }
0x8a: {  	v60 =	vand.u32 $0xFFFF0000, v0;
	[tilespmem:s24+$0xFFFFFFC0] =	vst v1  }
0x8b: {  	[tilespmem:s24+$0xFFFFFFD0] =	vst v60  }
0x8c: {  	v0 =	vld [tilespmem:s25+$0x4810];
	_ =	sdelay $0x4  }
0x8d: {  	v61 =	vshll.u32 v0, $0x10  }
0x8e: {  	v0 =	vand.u32 $0xFFFF0000, v0;
	[tilespmem:s24+$0xFFFFFFE0] =	vst v61  }
0x8f: {  	[tilespmem:s24+$0xFFFFFFF0] =	vst v0  }
0x90: {  	v0 =	vld [tilespmem:s25+$0x4820];
	_ =	sdelay $0x4  }
0x91: {  	v62 =	vand.u32 $0xFFFF0000, v0  }
0x92: {  	v0 =	vshll.u32 v0, $0x10;
	[tilespmem:s24+$0x10] =	vst v62  }
0x93: {  	[tilespmem:s24+$0x0] =	vst v0  }
0x94: {  	v0 =	vld [tilespmem:s25+$0x4830];
	_ =	sdelay $0x4  }
0x95: {  	v63 =	vshll.u32 v0, $0x10  }
0x96: {  	s22 =	sadd.s32 @!p1 $0x180, s22;
	v0 =	vand.u32 $0xFFFF0000, v0;
	[tilespmem:s24+$0x20] =	vst v63  }
0x97: {  	s21 =	sadd.s32 $0x1, s21;
	s25 =	simm.s32 @!p1 $0x4800;
	[tilespmem:s24+$0x30] =	vst v0;
	s24 =	simm.s32 @!p1 $0x80  }
0x98: {  	[tilespmem:s25], [sflag:$0x2] =	stream.indirect.gather @!p1 [hbm4b:s2+s24], $0x40, s22, s24, $0xb8;
	[tilespmem:$0x1E800] =	vst v63  }
0x99: {  	p1 =	sne.s32 s21, $0x14  }
.Ltmp2:
0x9a: {  	s31 =	sadd.s32 $0x1480, s23;
	(pc) =	sbr.rel @p1 .LBB2_3-.Ltmp2, $4  }
0x9b: {  	[spmem:s3] =	stream.indirect.scatter.add.f32 [tilespmem:s19], [sflag:$0x3], $0x80, s31, s15, $0xb8;
	[tilespmem:$0x1E800] =	vst v63  }
0x9c: {  	_ =	swait.ge [sflag:s13], $0x4000  }
0x9d: {  	[sflag:s13] =	ssyncset.done $0x0  }
0x9e: {  	[sflag:s13] =	ssyncadd.s32 $0xFFFFC000  }
.Ltmp3:
0x9f: {  	(pc) =	sbr.rel @p0 .LBB2_2-.Ltmp3, $2  }
0xa0: {  	_ =	sdelay $0x2  }
0xa1: {  	s21 =	simm.s32 $0x1400;
	p1 =	por $0x0, $0x0  }
0xa2: {  	s4 =	sadd.s32 $0x1, s4  }
0xa3: {  	p0 =	sne.s32 s4, s11  }
.Ltmp4:
0xa4: {  	[bflag:$0x0] =	sbarrier.arrive $0xFFFF;
	(pc) =	sbr.rel @p0 .LBB2_1-.Ltmp4, $4  }
0xa5: {  	[hbm:s10], [sflag:s8] =	dma.local [spmem:s12], $0x2800  }
0xa6: {  	_ =	swait.ge [sflag:s13], $0x2800  }
0xa7: {  	[sflag:s13] =	ssyncset.done $0x0  }
0xa8: {  	[sflag:s13] =	ssyncadd.s32 $0xFFFFD800  }
0xa9: {  	_ =	sfence.sel $0x180000  }
0xaa: {  	[bflag:$0x0] =	sbarrier.arrive $0xFFFF  }
0xab: {  	p0 =	sne.s32 s1, $0x0;
	_ =	strace $0x9000004A  }
0xac: {  	s0 =	sadd.s32 @!p0 $0x100000, s0;
	[bflag:$0x2] =	sbarrier.arrive $0xFFFF  }
0xad: {  	[sflag:s0] =	ssyncadd.tile.s32 @!p0 $0x1;
	_ =	shalt  }
.Lfunc_end2:
_tile_overlayer_lowered:
.L_overlay_start_2:
0xae: {  	(tag) =	ssettag $0x2  }
0xaf: {  	s0 =	rddreg [dreg:$0x0];
	s2 =	stileid.u32  }
0xb0: {  	s1 =	rddreg [dreg:$0x1];
	p0 =	sne.s32 s2, $0x0  }
0xb1: {  	s3 =	rddreg [dreg:$0x2];
	[bflag:$0x3] =	sbarrier.arrive $0xFFFF;
	s2 =	simm.s32 @!p0 $0x1C03  }
0xb2: {  	[timem:s3], [sflag:s2] =	dma.local @!p0 [hbm:s0], s1  }
0xb3: {  	s0 =	simm.s32 @!p0 $0x3  }
0xb4: {  	_ =	swait.ge @!p0 [sflag:s0], s1  }
0xb5: {  	s1 =	ssub.s32 @!p0 $0x0, s1;
	[sflag:s0] =	ssyncset.done @!p0 $0x0  }
0xb6: {  	[sflag:s0] =	ssyncadd.s32 @!p0 s1  }
0xb7: {  	[bflag:$0x3] =	sbarrier.arrive $0xFFFF  }
0xb8: {  	_ =	shalt  }

// kernel: kernel.14.cloned.1.call-start
scs
__scs_entry_jumppad:
0x0: {  	(pc) =	sbr.rel $0x88, $3  }
0x1: {  	(tag) =	ssettag $0x0;
	lr =	simm.s32 $0x1  }
0x2: {  	[smem:$0x3F93] =	sst lr;
	_ =	strace $0xD0000000  }
0x3: {  	_ = 	snop  }
0x4: {  	_ = 	snop  }
0x5: {  	_ = 	snop  }
0x6: {  	_ = 	snop  }
0x7: {  	_ = 	snop  }
__scs_overlays_trampoline_lowered:
0x8: {  	[smem:$0x3FA2] =	sst s0  }
0x9: {  	[smem:$0x3FA3] =	sst s1  }
0xa: {  	[smem:$0x3FA4] =	sst s2  }
0xb: {  	[smem:$0x3FA5] =	sst s3  }
0xc: {  	[smem:$0x3FA6] =	sst s4  }
0xd: {  	[smem:$0x3FA7] =	sst s5  }
0xe: {  	[smem:$0x3FA8] =	sst s6  }
0xf: {  	[smem:$0x3FA9] =	sst s7  }
0x10: {  	[smem:$0x3FAA] =	sst s8  }
0x11: {  	[smem:$0x3FAB] =	sst s9;
	s0 =	simm.s32 @!p0 $0x0  }
0x12: {  	s1 =	sld [smem:$0x3F91];
	s0 =	simm.s32 @p0 $0x1  }
0x13: {  	[smem:$0x3FAC] =	sst s0;
	s0 =	simm.s32 @!p1 $0x0  }
0x14: {  	s2 =	sld [smem:$0x3F90];
	s0 =	simm.s32 @p1 $0x1  }
0x15: {  	[smem:$0x3FAD] =	sst s0;
	s0 =	simm.s32 @!p2 $0x0  }
0x16: {  	s3 =	sld [smem:$0x3FDB];
	s0 =	simm.s32 @p2 $0x1  }
0x17: {  	s4 =	simm.s32 $0x1BF5;
	[smem:$0x3FAF] =	sst s0  }
0x18: {  	s0 =	sld [smem:$0x3F92];
	_ =	swait.ge [sflag:s4], $0x0  }
0x19: {  	s7 =	sld [smem:$0x3F93]  }
0x1a: {  	s8 =	sadd.s32 $0xFFFFE003, lr  }
0x1b: {  	s9 =	sadd.s32 $0xFFFFFEF7, lr;
	s5 =	simm.s32 $0xFFFFFFFF;
	p2 =	slt.u32 s8, $0xFFFFF086  }
0x1c: {  	p1 =	slt.u32 s9, $0xF7A;
	s5 =	simm.s32 @!p2 $0x0  }
0x1d: {  	s5 =	simm.s32 @p1 $0x1;
	p0 =	seq.s32 s7, s2  }
0x1e: {  	s7 =	smul.u32 @!p0 $0xF7A, s2;
	p2 =	seq.s32 @!p0 s5, $0x0  }
0x1f: {  	s9 =	smul.u32 $0xF7A, s1;
	s8 =	simm.s32 @!p0 $0x1BF5;
	p2 =	por !p2, p0  }
0x20: {  	[sflag:s8] =	ssyncset.s32 @!p0 $0xFFFFF086;
	s6 =	sadd.s32 @!p0 s3, s7;
	s7 =	simm.s32 @!p0 $0x108  }
0x21: {  	s3 =	sadd.s32 s3, s9;
	s6 =	sadd.s32 @!p0 $0x88, s6;
	s7 =	simm.s32 @p2 $0x1082  }
0x22: {  	[simem:s7], [sflag:s8] =	dma.local @!p0 [hbm:s6], $0xF7A  }
0x23: {  	s9 =	sor.u32 $0xD0000000, s2;
	s6 =	simm.s32 $0x108;
	_ =	swait.ge @!p0 [sflag:s8], $0x0  }
0x24: {  	s3 =	sadd.s32 $0x88, s3;
	s6 =	simm.s32 @!p1 $0x1082;
	[sflag:s4] =	ssyncset.s32 $0xFFFFF086  }
0x25: {  	[simem:s6], [sflag:s4] =	dma.local [hbm:s3], $0xF7A  }
0x26: {  	[smem:$0x3F93] =	sst s1;
	(tag) =	ssettag s2;
	_ =	strace s9  }
0x27: {  	s1 =	sld [smem:$0x3FA3]  }
0x28: {  	s2 =	sld [smem:$0x3FA4]  }
0x29: {  	s4 =	sld [smem:$0x3FA6]  }
0x2a: {  	p0 =	seq.s32 s5, $0x0;
	s5 =	sld [smem:$0x3FA7]  }
0x2b: {  	s6 =	sld [smem:$0x3FA8]  }
0x2c: {  	s7 =	sld [smem:$0x3FA9]  }
0x2d: {  	s3 =	simm.s32 $0x108;
	s8 =	sld [smem:$0x3FAA]  }
0x2e: {  	s3 =	simm.s32 @!p0 $0x1082;
	s9 =	sld [smem:$0x3FAB]  }
0x2f: {  	lr =	sadd.s32 s0, s3;
	s0 =	sld [smem:$0x3FA2]  }
0x30: {  	s3 =	sld [smem:$0x3FA5]  }
0x31: {  	[smem:$0x3FAE] =	sst s10  }
0x32: {  	s10 =	sld [smem:$0x3FAC];
	_ =	sdelay $0x3  }
0x33: {  	p0 =	seq.s32 s10, $0x1;
	s10 =	sld [smem:$0x3FAE];
	_ =	sdelay $0x3  }
0x34: {  	[smem:$0x3FAE] =	sst s10  }
0x35: {  	s10 =	sld [smem:$0x3FAD];
	_ =	sdelay $0x3  }
0x36: {  	p1 =	seq.s32 s10, $0x1;
	s10 =	sld [smem:$0x3FAE];
	_ =	sdelay $0x3  }
0x37: {  	[smem:$0x3FAE] =	sst s10  }
0x38: {  	s10 =	sld [smem:$0x3FAF]  }
0x39: {  	_ = 	snop;
	(pc) =	sbr.ind lr, $3  }
0x3a: {  	_ = 	snop  }
0x3b: {  	_ = 	snop  }
0x3c: {  	p2 =	seq.s32 s10, $0x1;
	s10 =	sld [smem:$0x3FAE]  }
0x3d: {  	_ =	shalt  }
0x3e: {  	_ =	shalt  }
0x3f: {  	_ =	shalt  }
0x40: {  	_ =	shalt  }
0x41: {  	_ =	shalt  }
0x42: {  	_ =	shalt  }
0x43: {  	_ =	shalt  }
0x44: {  	_ =	shalt  }
0x45: {  	_ =	shalt  }
0x46: {  	_ =	shalt  }
0x47: {  	_ =	shalt  }
0x48: {  	_ =	shalt  }
0x49: {  	_ =	shalt  }
0x4a: {  	_ =	shalt  }
0x4b: {  	_ =	shalt  }
0x4c: {  	_ =	shalt  }
0x4d: {  	_ =	shalt  }
0x4e: {  	_ =	shalt  }
0x4f: {  	_ =	shalt  }
0x50: {  	_ =	shalt  }
0x51: {  	_ =	shalt  }
0x52: {  	_ =	shalt  }
0x53: {  	_ =	shalt  }
0x54: {  	_ =	shalt  }
0x55: {  	_ =	shalt  }
0x56: {  	_ =	shalt  }
0x57: {  	_ =	shalt  }
0x58: {  	_ =	shalt  }
0x59: {  	_ =	shalt  }
0x5a: {  	_ =	shalt  }
0x5b: {  	_ =	shalt  }
0x5c: {  	_ =	shalt  }
0x5d: {  	_ =	shalt  }
0x5e: {  	_ =	shalt  }
0x5f: {  	_ =	shalt  }
0x60: {  	_ =	shalt  }
0x61: {  	_ =	shalt  }
0x62: {  	_ =	shalt  }
0x63: {  	_ =	shalt  }
0x64: {  	_ =	shalt  }
0x65: {  	_ =	shalt  }
0x66: {  	_ =	shalt  }
0x67: {  	_ =	shalt  }
0x68: {  	_ =	shalt  }
0x69: {  	_ =	shalt  }
0x6a: {  	_ =	shalt  }
0x6b: {  	_ =	shalt  }
0x6c: {  	_ =	shalt  }
0x6d: {  	_ =	shalt  }
0x6e: {  	_ =	shalt  }
0x6f: {  	_ =	shalt  }
0x70: {  	_ =	shalt  }
0x71: {  	_ =	shalt  }
0x72: {  	_ =	shalt  }
0x73: {  	_ =	shalt  }
0x74: {  	_ =	shalt  }
0x75: {  	_ =	shalt  }
0x76: {  	_ =	shalt  }
0x77: {  	_ =	shalt  }
0x78: {  	_ =	shalt  }
0x79: {  	_ =	shalt  }
0x7a: {  	_ =	shalt  }
0x7b: {  	_ =	shalt  }
0x7c: {  	_ =	shalt  }
0x7d: {  	_ =	shalt  }
0x7e: {  	_ =	shalt  }
0x7f: {  	_ =	shalt  }
0x80: {  	_ =	shalt  }
0x81: {  	_ =	shalt  }
0x82: {  	_ =	shalt  }
0x83: {  	_ =	shalt  }
0x84: {  	_ =	shalt  }
0x85: {  	_ =	shalt  }
0x86: {  	_ =	shalt  }
0x87: {  	_ =	shalt  }
.Lfunc_end0:
.L_simem_size_0:
called_computation.2_lowered:
.L_overlay_start_0:
0x88: {  	s2 =	sld [smem:$0x3FD9]  }
0x89: {  	s3 =	sld [smem:$0x3FFE];
	_ =	sdelay $0x1  }
0x8a: {  	s1 =	srdreg.scid  }
0x8b: {  	s0 =	sand.u32 $0x1, s1  }
0x8c: {  	s17 =	sshll.u32 s0, $0xA;
	s2 =	sadd.s32 s3, s2  }
0x8d: {  	s2 =	sadd.s32 s2, s17  }
0x8e: {  	[smem:$0x3FBA] =	sst s2  }
0x8f: {  	_ = 	snop  }
0x90: {  	s2 =	sld [smem:$0x3FD0];
	(tm) =	ssettm $0x1  }
0x91: {  	s18 =	sld [smem:$0x3FFB];
	_ =	sdelay $0x3  }
0x92: {  	_ =	strace s18  }
0x93: {  	s3 =	sld [smem:$0x3FFC];
	_ =	sdelay $0x3  }
0x94: {  	_ =	strace s3  }
0x95: {  	s3 =	sld [smem:$0x3FFD];
	_ =	sdelay $0x3  }
0x96: {  	_ =	strace s3  }
0x97: {  	_ =	strace $0x8FFFFFFF  }
0x98: {  	s19 =	sld [smem:$0x3FDB];
	_ =	sdelay $0x1  }
0x99: {  	s4 =	simm.s32 $_scs_section_size  }
0x9a: {  	s5 =	simm.s32 $_size__tile_overlayer_lowered;
	s6 =	simm.s32 $_tile_overlayer_lowered  }
0x9b: {  	s22 =	simm.s32 $0x1BFF;
	s21 =	sshll.u32 s6, $0x1;
	s3 =	sadd.s32 s4, s19  }
0x9c: {  	s7 =	simm.s32 $0x0;
	s20 =	sshll.u32 s5, $0x1;
	s5 =	sadd.s32 s21, s3  }
0x9d: {  	[timem:s7], [sflag:s22] =	dma.local [hbm:s5], s20  }
0x9e: {  	_ =	swait.ge [sflag:s22], s20  }
0x9f: {  	s4 =	ssub.s32 $0x0, s20;
	[sflag:s22] =	ssyncset.done $0x0  }
0xa0: {  	[sflag:s22] =	ssyncadd.s32 s4;
	_ =	sdelay $0x1  }
0xa1: {  	s23 =	simm.s32 $0x1B8B  }
0xa2: {  	_ =	swait.ge [sflag:s23], $0x1  }
0xa3: {  	[sflag:s23] =	ssyncset.done $0x0  }
0xa4: {  	s25 =	simm.s32 $0x1B8E;
	s24 =	sld [smem:$0x3FFE];
	[sflag:s23] =	ssyncadd.s32 $0xFFFFFFFF  }
0xa5: {  	s26 =	simm.s32 $execute0_lowered;
	[smem:$0x3FD2] =	sst s25  }
0xa6: {  	s5 =	sshll.u32 s26, $0x1;
	_ =	strace $0x8000004C;
	[dreg:$0x1] =	wrdreg $0xFFFFFFFF  }
0xa7: {  	s28 =	simm.s32 $_size_execute0_lowered;
	s3 =	sadd.s32 s3, s5;
	[dreg:$0x0] =	wrdreg $0x0  }
0xa8: {  	s5 =	sshll.u32 s28, $0x1;
	[dreg:$0x2] =	wrdreg s3  }
0xa9: {  	[dreg:$0x3] =	wrdreg s5  }
0xaa: {  	[dreg:$0x4] =	wrdreg $0xC0  }
0xab: {  	_ =	task [dreg:s7], $0x5FFFF  }
0xac: {  	[dreg:$0x1] =	wrdreg $0xFFFFFFFF  }
0xad: {  	[dreg:$0x0] =	wrdreg $0x60  }
0xae: {  	[dreg:$0x2] =	wrdreg s2  }
0xaf: {  	[dreg:$0x3] =	wrdreg s24  }
0xb0: {  	[dreg:$0x4] =	wrdreg $0xA8000  }
0xb1: {  	[dreg:$0x5] =	wrdreg $0x9  }
0xb2: {  	_ =	task.clear_ibuf [dreg:s7], $0x6FFFF;
	_ =	strace $0x9000004C  }
0xb3: {  	s29 =	simm.s32 $0x9;
	_ =	strace $0x8000004E  }
0xb4: {  	_ =	swait.ge [sflag:s29], $0x1  }
0xb5: {  	[sflag:s29] =	ssyncadd.s32 $0xFFFFFFFF  }
0xb6: {  	_ =	strace $0x9000004E  }
0xb7: {  	_ =	sfence  }
0xb8: {  	s30 =	sld [smem:$0x0];
	_ =	sdelay $0x2  }
0xb9: {  	s31 =	sshll.u32 s1, $0xD;
	s1 =	sshrl.u32 s1, $0x2  }
0xba: {  	s3 =	sand.u32 $0x4000, s31;
	s1 =	sadd.s32 s1, s30  }
0xbb: {  	s0 =	sor.u32 s3, s0;
	s1 =	sshll.u32 s1, $0x11  }
0xbc: {  	s0 =	sor.u32 s1, s0  }
0xbd: {  	s0 =	sadd.s32 $0x8F2B, s0  }
0xbe: {  	[sflag:s0] =	ssyncadd.remote.s32 $0x1  }
0xbf: {  	_ =	sfence.sel $0xFFFF  }
0xc0: {  	[dreg:$0x0] =	wrdreg $0xFFFFFFFF;
	(pc) =	sbr.abs _section_cstart, $3  }
0xc1: {  	[dreg:$0x1] =	wrdreg $0xFFFFFFFF  }
0xc2: {  	_ =	task.clear_ibuf [dreg:s7], $0x2FFFF;
	_ =	strace $0x9FFFFFFF  }
0xc3: {  	(tm) =	ssettm $0x7FFFFFFF  }
tec
execute0_lowered:
.L_overlay_start_1:
0x0: {  	(tag) =	ssettag $0x1  }
0x1: {  	s2 =	rddreg [dreg:$0x0]  }
0x2: {  	s7 =	rddreg [dreg:$0x1]  }
0x3: {  	s3 =	rddreg [dreg:$0x2]  }
0x4: {  	s0 =	rddreg [dreg:$0x3]  }
0x5: {  	s1 =	stileid.u32;
	s5 =	srdreg.scid;
	s4 =	simm.s32 $0x0  }
0x6: {  	s15 =	simm.s32 $0x80;
	s16 =	simm.s32 $0x2800;
	s17 =	simm.s32 $0x4800  }
0x7: {  	s18 =	simm.s32 $0x1;
	s19 =	simm.s32 $0x6800;
	s20 =	simm.s32 $0x2  }
0x8: {  	s8 =	smul.u32 $0x14000, s1;
	s9 =	sand.u32 $0x1, s5;
	[smem:$0x7FF] =	sst s4  }
0x9: {  	s5 =	sadd.s32 $0x2200, s7;
	s6 =	sadd.s32 $0xC200, s7;
	s13 =	sshll.u32 s1, $0x1  }
0xa: {  	s31 =	sshll.u32 s1, $0x6;
	s10 =	smul.u32 $0x140000, s9;
	_ =	strace $0x8000004D  }
0xb: {  	s12 =	ssub.s32 $0x2, s9;
	s9 =	sor.u32 s9, s13;
	s13 =	simm.s32 $0x3  }
0xc: {  	s11 =	sshrl.u32 s8, $0x3;
	s30 =	sshrl.u32 s12, $0x1;
	s14 =	sadd.s32 s8, s3  }
0xd: {  	s9 =	smul.u32 $0x2800, s9;
	s10 =	sadd.s32 s8, s10;
	s11 =	sadd.s32 s11, s7  }
0xe: {  	s12 =	ssub.s32 s12, s30;
	s8 =	sor.u32 $0x1C03, s31;
	s10 =	sshrl.u32 s10, $0x3  }
0xf: {  	s10 =	sadd.s32 s10, s7;
	s7 =	sadd.s32 $0x16200, s11;
	s11 =	smax.u32 s12, $0x1  }
0x10: {  	s12 =	sshrl.u32 s14, $0x3;
	s14 =	simm.s32 $0x1400;
	s10 =	sadd.s32 $0x3E200, s10  }
.LBB2_1:
0x11: {  	[spmem:s12], [sflag:s8] =	dma.local [hbm:s7], $0x2800  }
0x12: {  	_ =	swait.ge [sflag:s13], $0x2800  }
0x13: {  	[sflag:s13] =	ssyncset.done $0x0  }
0x14: {  	[sflag:s13] =	ssyncadd.s32 $0xFFFFD800  }
0x15: {  	p1 =	por $0x1, $0x1;
	s21 =	simm.s32 $0x0;
	[bflag:$0x0] =	sbarrier.arrive $0xFFFF  }
.LBB2_2:
0x16: {  	s21 =	sadd.s32 s9, s21  }
0x17: {  	s22 =	sshrl.u32 s21, $0x3  }
0x18: {  	s21 =	simm.s32 $0x0;
	s23 =	sadd.s32 s5, s22  }
0x19: {  	[tilespmem:s21], [sflag:$0x3] =	stream.linear.gather [hbm4b:s23+s21], $0x1400, $0x38;
	[tilespmem:$0x1E800] =	vst v63  }
0x1a: {  	_ =	swait.ge [sflag:s13], $0x1400  }
0x1b: {  	[sflag:s13] =	ssyncset.done $0x0  }
0x1c: {  	s22 =	sadd.s32 s6, s22;
	[sflag:s13] =	ssyncadd.s32 $0xFFFFEC00  }
0x1d: {  	[tilespmem:s14], [sflag:$0x3] =	stream.linear.gather [hbm4b:s22+s21], $0x1400, $0x38;
	[tilespmem:$0x1E800] =	vst v63  }
0x1e: {  	_ =	swait.ge [sflag:s13], $0x1400  }
0x1f: {  	[sflag:s13] =	ssyncset.done $0x0  }
0x20: {  	[sflag:s13] =	ssyncadd.s32 $0xFFFFEC00  }
0x21: {  	[tilespmem:s16], [sflag:$0x1] =	stream.indirect.gather [hbm4b:s2+s15], $0x40, s21, s15, $0xb8;
	[tilespmem:$0x1E800] =	vst v63  }
0x22: {  	p0 =	por p1, p1  }
0x23: {  	[tilespmem:s17], [sflag:$0x2] =	stream.indirect.gather [hbm4b:s2+s15], $0x40, s15, s15, $0xb8;
	[tilespmem:$0x1E800] =	vst v63  }
.LBB2_3:
0x24: {  	_ =	swait.ge [sflag:s18], $0x2000  }
0x25: {  	[sflag:s18] =	ssyncset.done $0x0  }
0x26: {  	s23 =	simm.s32 $0x0;
	[sflag:s18] =	ssyncadd.s32 $0xFFFFE000  }
0x27: {  	v0 =	vld [tilespmem:s23+$0x2800];
	_ =	sdelay $0x4  }
0x28: {  	s22 =	simm.s32 $0x6840;
	v1 =	vshll.u32 v0, $0x10  }
0x29: {  	v0 =	vand.u32 $0xFFFF0000, v0;
	[tilespmem:s22+$0xFFFFFFC0] =	vst v1  }
0x2a: {  	[tilespmem:s22+$0xFFFFFFD0] =	vst v0  }
0x2b: {  	v0 =	vld [tilespmem:s23+$0x2810];
	_ =	sdelay $0x4  }
0x2c: {  	v1 =	vshll.u32 v0, $0x10  }
0x2d: {  	v0 =	vand.u32 $0xFFFF0000, v0;
	[tilespmem:s22+$0xFFFFFFE0] =	vst v1  }
0x2e: {  	[tilespmem:s22+$0xFFFFFFF0] =	vst v0  }
0x2f: {  	v0 =	vld [tilespmem:s23+$0x2820];
	_ =	sdelay $0x4  }
0x30: {  	v1 =	vand.u32 $0xFFFF0000, v0  }
0x31: {  	v0 =	vshll.u32 v0, $0x10;
	[tilespmem:s22+$0x10] =	vst v1  }
0x32: {  	[tilespmem:s22+$0x0] =	vst v0  }
0x33: {  	v0 =	vld [tilespmem:s23+$0x2830];
	_ =	sdelay $0x4  }
0x34: {  	v1 =	vshll.u32 v0, $0x10  }
0x35: {  	v0 =	vand.u32 $0xFFFF0000, v0;
	[tilespmem:s22+$0x20] =	vst v1  }
0x36: {  	s23 =	simm.s32 $0x40;
	[tilespmem:s22+$0x30] =	vst v0  }
0x37: {  	v0 =	vld [tilespmem:s23+$0x2800]  }
0x38: {  	s24 =	simm.s32 $0x200  }
.LBB2_4:
0x39: {  	p1 =	sne.s32 s24, $0x7F00;
	_ =	sdelay $0x2  }
0x3a: {  	s22 =	sadd.s32 $0x80, s22;
	v1 =	vshll.u32 v0, $0x10  }
0x3b: {  	v0 =	vand.u32 $0xFFFF0000, v0;
	[tilespmem:s22+$0xFFFFFFC0] =	vst v1  }
0x3c: {  	[tilespmem:s22+$0xFFFFFFD0] =	vst v0  }
0x3d: {  	v0 =	vld [tilespmem:s23+$0x2810];
	_ =	sdelay $0x4  }
0x3e: {  	v1 =	vshll.u32 v0, $0x10  }
0x3f: {  	v0 =	vand.u32 $0xFFFF0000, v0;
	[tilespmem:s22+$0xFFFFFFE0] =	vst v1  }
0x40: {  	[tilespmem:s22+$0xFFFFFFF0] =	vst v0  }
0x41: {  	v0 =	vld [tilespmem:s23+$0x2820];
	_ =	sdelay $0x4  }
0x42: {  	v1 =	vshll.u32 v0, $0x10;
	v0 =	vand.u32 $0xFFFF0000, v0  }
0x43: {  	[tilespmem:s22+$0x10] =	vst v0  }
0x44: {  	[tilespmem:s22+$0x0] =	vst v1  }
0x45: {  	v0 =	vld [tilespmem:s23+$0x2830];
	_ =	sdelay $0x4  }
.Ltmp0:
0x46: {  	v1 =	vshll.u32 v0, $0x10;
	v0 =	vand.u32 $0xFFFF0000, v0;
	(pc) =	sbr.rel @p1 .LBB2_4-.Ltmp0, $4  }
0x47: {  	[tilespmem:s22+$0x20] =	vst v1  }
0x48: {  	s23 =	sshra.s32 s24, $0x2;
	[tilespmem:s22+$0x30] =	vst v0  }
0x49: {  	v0 =	vld [tilespmem:s23+$0x2800]  }
0x4a: {  	s24 =	sadd.s32 $0x100, s24  }
0x4b: {  	_ =	sdelay $0x2  }
0x4c: {  	s24 =	sadd.s32 $0x80, s22;
	v1 =	vshll.u32 v0, $0x10  }
0x4d: {  	v0 =	vand.u32 $0xFFFF0000, v0;
	[tilespmem:s24+$0xFFFFFFC0] =	vst v1  }
0x4e: {  	[tilespmem:s24+$0xFFFFFFD0] =	vst v0  }
0x4f: {  	v0 =	vld [tilespmem:s23+$0x2810];
	_ =	sdelay $0x4  }
0x50: {  	v1 =	vshll.u32 v0, $0x10  }
0x51: {  	v0 =	vand.u32 $0xFFFF0000, v0;
	[tilespmem:s24+$0xFFFFFFE0] =	vst v1  }
0x52: {  	[tilespmem:s24+$0xFFFFFFF0] =	vst v0  }
0x53: {  	v0 =	vld [tilespmem:s23+$0x2820];
	_ =	sdelay $0x4  }
0x54: {  	v1 =	vand.u32 $0xFFFF0000, v0  }
0x55: {  	v0 =	vshll.u32 v0, $0x10;
	[tilespmem:s24+$0x10] =	vst v1  }
0x56: {  	[tilespmem:s24+$0x0] =	vst v0  }
0x57: {  	v0 =	vld [tilespmem:s23+$0x2830];
	_ =	sdelay $0x4  }
0x58: {  	p1 =	seq.s32 s21, $0x13;
	s23 =	sshll.u32 s21, $0xA;
	v1 =	vshll.u32 v0, $0x10  }
0x59: {  	s25 =	simm.s32 @!p1 $0x80;
	s22 =	sshrl.u32 @!p1 s23, $0x2;
	v0 =	vand.u32 $0xFFFF0000, v0;
	[tilespmem:s24+$0x20] =	vst v1  }
0x5a: {  	s26 =	simm.s32 @!p1 $0x2800;
	s23 =	sshrl.u32 s23, $0x2;
	[tilespmem:s24+$0x30] =	vst v0;
	s24 =	sadd.s32 @!p1 $0x100, s22  }
0x5b: {  	[tilespmem:s26], [sflag:$0x1] =	stream.indirect.gather @!p1 [hbm4b:s2+s25], $0x40, s24, s25, $0xb8;
	[tilespmem:$0x1E800] =	vst v63  }
0x5c: {  	s30 =	sadd.s32 $0x1400, s23  }
0x5d: {  	[spmem:s3] =	stream.indirect.scatter.add.f32 [tilespmem:s19], [sflag:$0x3], $0x80, s30, s15, $0xb8;
	[tilespmem:$0x1E800] =	vst v63  }
0x5e: {  	_ =	swait.ge [sflag:s13], $0x4000  }
0x5f: {  	[sflag:s13] =	ssyncset.done $0x0  }
0x60: {  	[sflag:s13] =	ssyncadd.s32 $0xFFFFC000  }
0x61: {  	_ =	swait.ge [sflag:s20], $0x2000  }
0x62: {  	[sflag:s20] =	ssyncset.done $0x0  }
0x63: {  	s31 =	simm.s32 $0x0;
	[sflag:s20] =	ssyncadd.s32 $0xFFFFE000  }
0x64: {  	v0 =	vld [tilespmem:s31+$0x4800];
	_ =	sdelay $0x4  }
0x65: {  	s24 =	simm.s32 $0x6840;
	v1 =	vshll.u32 v0, $0x10  }
0x66: {  	v0 =	vand.u32 $0xFFFF0000, v0;
	[tilespmem:s24+$0xFFFFFFC0] =	vst v1  }
0x67: {  	[tilespmem:s24+$0xFFFFFFD0] =	vst v0  }
0x68: {  	v0 =	vld [tilespmem:s31+$0x4810];
	_ =	sdelay $0x4  }
0x69: {  	v1 =	vshll.u32 v0, $0x10  }
0x6a: {  	v0 =	vand.u32 $0xFFFF0000, v0;
	[tilespmem:s24+$0xFFFFFFE0] =	vst v1  }
0x6b: {  	[tilespmem:s24+$0xFFFFFFF0] =	vst v0  }
0x6c: {  	v0 =	vld [tilespmem:s31+$0x4820];
	_ =	sdelay $0x4  }
0x6d: {  	v1 =	vand.u32 $0xFFFF0000, v0  }
0x6e: {  	v0 =	vshll.u32 v0, $0x10;
	[tilespmem:s24+$0x10] =	vst v1  }
0x6f: {  	[tilespmem:s24+$0x0] =	vst v0  }
0x70: {  	v0 =	vld [tilespmem:s31+$0x4830];
	_ =	sdelay $0x4  }
0x71: {  	v1 =	vshll.u32 v0, $0x10  }
0x72: {  	v0 =	vand.u32 $0xFFFF0000, v0;
	[tilespmem:s24+$0x20] =	vst v1  }
0x73: {  	s25 =	simm.s32 $0x40;
	[tilespmem:s24+$0x30] =	vst v0  }
0x74: {  	v0 =	vld [tilespmem:s25+$0x4800]  }
0x75: {  	s26 =	simm.s32 $0x200  }
.LBB2_6:
0x76: {  	p2 =	sne.s32 s26, $0x7F00;
	_ =	sdelay $0x2  }
0x77: {  	s24 =	sadd.s32 $0x80, s24;
	v1 =	vshll.u32 v0, $0x10  }
0x78: {  	v0 =	vand.u32 $0xFFFF0000, v0;
	[tilespmem:s24+$0xFFFFFFC0] =	vst v1  }
0x79: {  	[tilespmem:s24+$0xFFFFFFD0] =	vst v0  }
0x7a: {  	v0 =	vld [tilespmem:s25+$0x4810];
	_ =	sdelay $0x4  }
0x7b: {  	v1 =	vshll.u32 v0, $0x10  }
0x7c: {  	v0 =	vand.u32 $0xFFFF0000, v0;
	[tilespmem:s24+$0xFFFFFFE0] =	vst v1  }
0x7d: {  	[tilespmem:s24+$0xFFFFFFF0] =	vst v0  }
0x7e: {  	v0 =	vld [tilespmem:s25+$0x4820];
	_ =	sdelay $0x4  }
0x7f: {  	v1 =	vshll.u32 v0, $0x10;
	v0 =	vand.u32 $0xFFFF0000, v0  }
0x80: {  	[tilespmem:s24+$0x10] =	vst v0  }
0x81: {  	[tilespmem:s24+$0x0] =	vst v1  }
0x82: {  	v0 =	vld [tilespmem:s25+$0x4830];
	_ =	sdelay $0x4  }
.Ltmp1:
0x83: {  	v1 =	vshll.u32 v0, $0x10;
	v0 =	vand.u32 $0xFFFF0000, v0;
	(pc) =	sbr.rel @p2 .LBB2_6-.Ltmp1, $4  }
0x84: {  	[tilespmem:s24+$0x20] =	vst v1  }
0x85: {  	s25 =	sshra.s32 s26, $0x2;
	[tilespmem:s24+$0x30] =	vst v0  }
0x86: {  	v0 =	vld [tilespmem:s25+$0x4800]  }
0x87: {  	s26 =	sadd.s32 $0x100, s26  }
0x88: {  	_ =	sdelay $0x2  }
0x89: {  	s24 =	sadd.s32 $0x80, s24;
	v1 =	vshll.u32 v0, $0x10  }
0x8a: {  	v60 =	vand.u32 $0xFFFF0000, v0;
	[tilespmem:s24+$0xFFFFFFC0] =	vst v1  }
0x8b: {  	[tilespmem:s24+$0xFFFFFFD0] =	vst v60  }
0x8c: {  	v0 =	vld [tilespmem:s25+$0x4810];
	_ =	sdelay $0x4  }
0x8d: {  	v61 =	vshll.u32 v0, $0x10  }
0x8e: {  	v0 =	vand.u32 $0xFFFF0000, v0;
	[tilespmem:s24+$0xFFFFFFE0] =	vst v61  }
0x8f: {  	[tilespmem:s24+$0xFFFFFFF0] =	vst v0  }
0x90: {  	v0 =	vld [tilespmem:s25+$0x4820];
	_ =	sdelay $0x4  }
0x91: {  	v62 =	vand.u32 $0xFFFF0000, v0  }
0x92: {  	v0 =	vshll.u32 v0, $0x10;
	[tilespmem:s24+$0x10] =	vst v62  }
0x93: {  	[tilespmem:s24+$0x0] =	vst v0  }
0x94: {  	v0 =	vld [tilespmem:s25+$0x4830];
	_ =	sdelay $0x4  }
0x95: {  	v63 =	vshll.u32 v0, $0x10  }
0x96: {  	s22 =	sadd.s32 @!p1 $0x180, s22;
	v0 =	vand.u32 $0xFFFF0000, v0;
	[tilespmem:s24+$0x20] =	vst v63  }
0x97: {  	s21 =	sadd.s32 $0x1, s21;
	s25 =	simm.s32 @!p1 $0x4800;
	[tilespmem:s24+$0x30] =	vst v0;
	s24 =	simm.s32 @!p1 $0x80  }
0x98: {  	[tilespmem:s25], [sflag:$0x2] =	stream.indirect.gather @!p1 [hbm4b:s2+s24], $0x40, s22, s24, $0xb8;
	[tilespmem:$0x1E800] =	vst v63  }
0x99: {  	p1 =	sne.s32 s21, $0x14  }
.Ltmp2:
0x9a: {  	s31 =	sadd.s32 $0x1480, s23;
	(pc) =	sbr.rel @p1 .LBB2_3-.Ltmp2, $4  }
0x9b: {  	[spmem:s3] =	stream.indirect.scatter.add.f32 [tilespmem:s19], [sflag:$0x3], $0x80, s31, s15, $0xb8;
	[tilespmem:$0x1E800] =	vst v63  }
0x9c: {  	_ =	swait.ge [sflag:s13], $0x4000  }
0x9d: {  	[sflag:s13] =	ssyncset.done $0x0  }
0x9e: {  	[sflag:s13] =	ssyncadd.s32 $0xFFFFC000  }
.Ltmp3:
0x9f: {  	(pc) =	sbr.rel @p0 .LBB2_2-.Ltmp3, $2  }
0xa0: {  	_ =	sdelay $0x2  }
0xa1: {  	s21 =	simm.s32 $0x1400;
	p1 =	por $0x0, $0x0  }
0xa2: {  	s4 =	sadd.s32 $0x1, s4  }
0xa3: {  	p0 =	sne.s32 s4, s11  }
.Ltmp4:
0xa4: {  	[bflag:$0x0] =	sbarrier.arrive $0xFFFF;
	(pc) =	sbr.rel @p0 .LBB2_1-.Ltmp4, $4  }
0xa5: {  	[hbm:s10], [sflag:s8] =	dma.local [spmem:s12], $0x2800  }
0xa6: {  	_ =	swait.ge [sflag:s13], $0x2800  }
0xa7: {  	[sflag:s13] =	ssyncset.done $0x0  }
0xa8: {  	[sflag:s13] =	ssyncadd.s32 $0xFFFFD800  }
0xa9: {  	_ =	sfence.sel $0x180000  }
0xaa: {  	[bflag:$0x0] =	sbarrier.arrive $0xFFFF  }
0xab: {  	p0 =	sne.s32 s1, $0x0;
	_ =	strace $0x9000004D  }
0xac: {  	s0 =	sadd.s32 @!p0 $0x100000, s0;
	[bflag:$0x2] =	sbarrier.arrive $0xFFFF  }
0xad: {  	[sflag:s0] =	ssyncadd.tile.s32 @!p0 $0x1;
	_ =	shalt  }
.Lfunc_end2:
_tile_overlayer_lowered:
.L_overlay_start_2:
0xae: {  	(tag) =	ssettag $0x2  }
0xaf: {  	s0 =	rddreg [dreg:$0x0];
	s2 =	stileid.u32  }
0xb0: {  	s1 =	rddreg [dreg:$0x1];
	p0 =	sne.s32 s2, $0x0  }
0xb1: {  	s3 =	rddreg [dreg:$0x2];
	[bflag:$0x3] =	sbarrier.arrive $0xFFFF;
	s2 =	simm.s32 @!p0 $0x1C03  }
0xb2: {  	[timem:s3], [sflag:s2] =	dma.local @!p0 [hbm:s0], s1  }
0xb3: {  	s0 =	simm.s32 @!p0 $0x3  }
0xb4: {  	_ =	swait.ge @!p0 [sflag:s0], s1  }
0xb5: {  	s1 =	ssub.s32 @!p0 $0x0, s1;
	[sflag:s0] =	ssyncset.done @!p0 $0x0  }
0xb6: {  	[sflag:s0] =	ssyncadd.s32 @!p0 s1  }
0xb7: {  	[bflag:$0x3] =	sbarrier.arrive $0xFFFF  }
0xb8: {  	_ =	shalt  }

// kernel: kernel.8.cloned.1.call-start
scs
__scs_entry_jumppad:
0x0: {  	(pc) =	sbr.rel $0x88, $3  }
0x1: {  	(tag) =	ssettag $0x0;
	lr =	simm.s32 $0x1  }
0x2: {  	[smem:$0x3F93] =	sst lr;
	_ =	strace $0xD0000000  }
0x3: {  	_ = 	snop  }
0x4: {  	_ = 	snop  }
0x5: {  	_ = 	snop  }
0x6: {  	_ = 	snop  }
0x7: {  	_ = 	snop  }
__scs_overlays_trampoline_lowered:
0x8: {  	[smem:$0x3FA2] =	sst s0  }
0x9: {  	[smem:$0x3FA3] =	sst s1  }
0xa: {  	[smem:$0x3FA4] =	sst s2  }
0xb: {  	[smem:$0x3FA5] =	sst s3  }
0xc: {  	[smem:$0x3FA6] =	sst s4  }
0xd: {  	[smem:$0x3FA7] =	sst s5  }
0xe: {  	[smem:$0x3FA8] =	sst s6  }
0xf: {  	[smem:$0x3FA9] =	sst s7  }
0x10: {  	[smem:$0x3FAA] =	sst s8  }
0x11: {  	[smem:$0x3FAB] =	sst s9;
	s0 =	simm.s32 @!p0 $0x0  }
0x12: {  	s1 =	sld [smem:$0x3F91];
	s0 =	simm.s32 @p0 $0x1  }
0x13: {  	[smem:$0x3FAC] =	sst s0;
	s0 =	simm.s32 @!p1 $0x0  }
0x14: {  	s2 =	sld [smem:$0x3F90];
	s0 =	simm.s32 @p1 $0x1  }
0x15: {  	[smem:$0x3FAD] =	sst s0;
	s0 =	simm.s32 @!p2 $0x0  }
0x16: {  	s3 =	sld [smem:$0x3FDB];
	s0 =	simm.s32 @p2 $0x1  }
0x17: {  	s4 =	simm.s32 $0x1BF5;
	[smem:$0x3FAF] =	sst s0  }
0x18: {  	s0 =	sld [smem:$0x3F92];
	_ =	swait.ge [sflag:s4], $0x0  }
0x19: {  	s7 =	sld [smem:$0x3F93]  }
0x1a: {  	s8 =	sadd.s32 $0xFFFFE003, lr  }
0x1b: {  	s9 =	sadd.s32 $0xFFFFFEF7, lr;
	s5 =	simm.s32 $0xFFFFFFFF;
	p2 =	slt.u32 s8, $0xFFFFF086  }
0x1c: {  	p1 =	slt.u32 s9, $0xF7A;
	s5 =	simm.s32 @!p2 $0x0  }
0x1d: {  	s5 =	simm.s32 @p1 $0x1;
	p0 =	seq.s32 s7, s2  }
0x1e: {  	s7 =	smul.u32 @!p0 $0xF7A, s2;
	p2 =	seq.s32 @!p0 s5, $0x0  }
0x1f: {  	s9 =	smul.u32 $0xF7A, s1;
	s8 =	simm.s32 @!p0 $0x1BF5;
	p2 =	por !p2, p0  }
0x20: {  	[sflag:s8] =	ssyncset.s32 @!p0 $0xFFFFF086;
	s6 =	sadd.s32 @!p0 s3, s7;
	s7 =	simm.s32 @!p0 $0x108  }
0x21: {  	s3 =	sadd.s32 s3, s9;
	s6 =	sadd.s32 @!p0 $0x88, s6;
	s7 =	simm.s32 @p2 $0x1082  }
0x22: {  	[simem:s7], [sflag:s8] =	dma.local @!p0 [hbm:s6], $0xF7A  }
0x23: {  	s9 =	sor.u32 $0xD0000000, s2;
	s6 =	simm.s32 $0x108;
	_ =	swait.ge @!p0 [sflag:s8], $0x0  }
0x24: {  	s3 =	sadd.s32 $0x88, s3;
	s6 =	simm.s32 @!p1 $0x1082;
	[sflag:s4] =	ssyncset.s32 $0xFFFFF086  }
0x25: {  	[simem:s6], [sflag:s4] =	dma.local [hbm:s3], $0xF7A  }
0x26: {  	[smem:$0x3F93] =	sst s1;
	(tag) =	ssettag s2;
	_ =	strace s9  }
0x27: {  	s1 =	sld [smem:$0x3FA3]  }
0x28: {  	s2 =	sld [smem:$0x3FA4]  }
0x29: {  	s4 =	sld [smem:$0x3FA6]  }
0x2a: {  	p0 =	seq.s32 s5, $0x0;
	s5 =	sld [smem:$0x3FA7]  }
0x2b: {  	s6 =	sld [smem:$0x3FA8]  }
0x2c: {  	s7 =	sld [smem:$0x3FA9]  }
0x2d: {  	s3 =	simm.s32 $0x108;
	s8 =	sld [smem:$0x3FAA]  }
0x2e: {  	s3 =	simm.s32 @!p0 $0x1082;
	s9 =	sld [smem:$0x3FAB]  }
0x2f: {  	lr =	sadd.s32 s0, s3;
	s0 =	sld [smem:$0x3FA2]  }
0x30: {  	s3 =	sld [smem:$0x3FA5]  }
0x31: {  	[smem:$0x3FAE] =	sst s10  }
0x32: {  	s10 =	sld [smem:$0x3FAC];
	_ =	sdelay $0x3  }
0x33: {  	p0 =	seq.s32 s10, $0x1;
	s10 =	sld [smem:$0x3FAE];
	_ =	sdelay $0x3  }
0x34: {  	[smem:$0x3FAE] =	sst s10  }
0x35: {  	s10 =	sld [smem:$0x3FAD];
	_ =	sdelay $0x3  }
0x36: {  	p1 =	seq.s32 s10, $0x1;
	s10 =	sld [smem:$0x3FAE];
	_ =	sdelay $0x3  }
0x37: {  	[smem:$0x3FAE] =	sst s10  }
0x38: {  	s10 =	sld [smem:$0x3FAF]  }
0x39: {  	_ = 	snop;
	(pc) =	sbr.ind lr, $3  }
0x3a: {  	_ = 	snop  }
0x3b: {  	_ = 	snop  }
0x3c: {  	p2 =	seq.s32 s10, $0x1;
	s10 =	sld [smem:$0x3FAE]  }
0x3d: {  	_ =	shalt  }
0x3e: {  	_ =	shalt  }
0x3f: {  	_ =	shalt  }
0x40: {  	_ =	shalt  }
0x41: {  	_ =	shalt  }
0x42: {  	_ =	shalt  }
0x43: {  	_ =	shalt  }
0x44: {  	_ =	shalt  }
0x45: {  	_ =	shalt  }
0x46: {  	_ =	shalt  }
0x47: {  	_ =	shalt  }
0x48: {  	_ =	shalt  }
0x49: {  	_ =	shalt  }
0x4a: {  	_ =	shalt  }
0x4b: {  	_ =	shalt  }
0x4c: {  	_ =	shalt  }
0x4d: {  	_ =	shalt  }
0x4e: {  	_ =	shalt  }
0x4f: {  	_ =	shalt  }
0x50: {  	_ =	shalt  }
0x51: {  	_ =	shalt  }
0x52: {  	_ =	shalt  }
0x53: {  	_ =	shalt  }
0x54: {  	_ =	shalt  }
0x55: {  	_ =	shalt  }
0x56: {  	_ =	shalt  }
0x57: {  	_ =	shalt  }
0x58: {  	_ =	shalt  }
0x59: {  	_ =	shalt  }
0x5a: {  	_ =	shalt  }
0x5b: {  	_ =	shalt  }
0x5c: {  	_ =	shalt  }
0x5d: {  	_ =	shalt  }
0x5e: {  	_ =	shalt  }
0x5f: {  	_ =	shalt  }
0x60: {  	_ =	shalt  }
0x61: {  	_ =	shalt  }
0x62: {  	_ =	shalt  }
0x63: {  	_ =	shalt  }
0x64: {  	_ =	shalt  }
0x65: {  	_ =	shalt  }
0x66: {  	_ =	shalt  }
0x67: {  	_ =	shalt  }
0x68: {  	_ =	shalt  }
0x69: {  	_ =	shalt  }
0x6a: {  	_ =	shalt  }
0x6b: {  	_ =	shalt  }
0x6c: {  	_ =	shalt  }
0x6d: {  	_ =	shalt  }
0x6e: {  	_ =	shalt  }
0x6f: {  	_ =	shalt  }
0x70: {  	_ =	shalt  }
0x71: {  	_ =	shalt  }
0x72: {  	_ =	shalt  }
0x73: {  	_ =	shalt  }
0x74: {  	_ =	shalt  }
0x75: {  	_ =	shalt  }
0x76: {  	_ =	shalt  }
0x77: {  	_ =	shalt  }
0x78: {  	_ =	shalt  }
0x79: {  	_ =	shalt  }
0x7a: {  	_ =	shalt  }
0x7b: {  	_ =	shalt  }
0x7c: {  	_ =	shalt  }
0x7d: {  	_ =	shalt  }
0x7e: {  	_ =	shalt  }
0x7f: {  	_ =	shalt  }
0x80: {  	_ =	shalt  }
0x81: {  	_ =	shalt  }
0x82: {  	_ =	shalt  }
0x83: {  	_ =	shalt  }
0x84: {  	_ =	shalt  }
0x85: {  	_ =	shalt  }
0x86: {  	_ =	shalt  }
0x87: {  	_ =	shalt  }
.Lfunc_end0:
.L_simem_size_0:
called_computation_lowered:
.L_overlay_start_0:
0x88: {  	s2 =	sld [smem:$0x3FD9]  }
0x89: {  	s3 =	sld [smem:$0x3FFE];
	_ =	sdelay $0x1  }
0x8a: {  	s1 =	srdreg.scid  }
0x8b: {  	s0 =	sand.u32 $0x1, s1  }
0x8c: {  	s17 =	sshll.u32 s0, $0xA;
	s2 =	sadd.s32 s3, s2  }
0x8d: {  	s2 =	sadd.s32 s2, s17  }
0x8e: {  	[smem:$0x3FBA] =	sst s2  }
0x8f: {  	_ = 	snop  }
0x90: {  	s2 =	sld [smem:$0x3FD0];
	(tm) =	ssettm $0x1  }
0x91: {  	s18 =	sld [smem:$0x3FFB];
	_ =	sdelay $0x3  }
0x92: {  	_ =	strace s18  }
0x93: {  	s3 =	sld [smem:$0x3FFC];
	_ =	sdelay $0x3  }
0x94: {  	_ =	strace s3  }
0x95: {  	s3 =	sld [smem:$0x3FFD];
	_ =	sdelay $0x3  }
0x96: {  	_ =	strace s3  }
0x97: {  	_ =	strace $0x8FFFFFFF  }
0x98: {  	s19 =	sld [smem:$0x3FDB];
	_ =	sdelay $0x1  }
0x99: {  	s4 =	simm.s32 $_scs_section_size  }
0x9a: {  	s5 =	simm.s32 $_size__tile_overlayer_lowered;
	s6 =	simm.s32 $_tile_overlayer_lowered  }
0x9b: {  	s22 =	simm.s32 $0x1BFF;
	s21 =	sshll.u32 s6, $0x1;
	s3 =	sadd.s32 s4, s19  }
0x9c: {  	s7 =	simm.s32 $0x0;
	s20 =	sshll.u32 s5, $0x1;
	s5 =	sadd.s32 s21, s3  }
0x9d: {  	[timem:s7], [sflag:s22] =	dma.local [hbm:s5], s20  }
0x9e: {  	_ =	swait.ge [sflag:s22], s20  }
0x9f: {  	s4 =	ssub.s32 $0x0, s20;
	[sflag:s22] =	ssyncset.done $0x0  }
0xa0: {  	[sflag:s22] =	ssyncadd.s32 s4;
	_ =	sdelay $0x1  }
0xa1: {  	s23 =	simm.s32 $0x1B8B  }
0xa2: {  	_ =	swait.ge [sflag:s23], $0x1  }
0xa3: {  	[sflag:s23] =	ssyncset.done $0x0  }
0xa4: {  	s25 =	simm.s32 $0x1B8E;
	s24 =	sld [smem:$0x3FFE];
	[sflag:s23] =	ssyncadd.s32 $0xFFFFFFFF  }
0xa5: {  	s26 =	simm.s32 $execute0_lowered;
	[smem:$0x3FD2] =	sst s25  }
0xa6: {  	s5 =	sshll.u32 s26, $0x1;
	_ =	strace $0x80000046;
	[dreg:$0x1] =	wrdreg $0xFFFFFFFF  }
0xa7: {  	s28 =	simm.s32 $_size_execute0_lowered;
	s3 =	sadd.s32 s3, s5;
	[dreg:$0x0] =	wrdreg $0x0  }
0xa8: {  	s5 =	sshll.u32 s28, $0x1;
	[dreg:$0x2] =	wrdreg s3  }
0xa9: {  	[dreg:$0x3] =	wrdreg s5  }
0xaa: {  	[dreg:$0x4] =	wrdreg $0xC0  }
0xab: {  	_ =	task [dreg:s7], $0x5FFFF  }
0xac: {  	[dreg:$0x1] =	wrdreg $0xFFFFFFFF  }
0xad: {  	[dreg:$0x0] =	wrdreg $0x60  }
0xae: {  	[dreg:$0x2] =	wrdreg s2  }
0xaf: {  	[dreg:$0x3] =	wrdreg s24  }
0xb0: {  	[dreg:$0x4] =	wrdreg $0xA8000  }
0xb1: {  	[dreg:$0x5] =	wrdreg $0x9  }
0xb2: {  	_ =	task.clear_ibuf [dreg:s7], $0x6FFFF;
	_ =	strace $0x90000046  }
0xb3: {  	s29 =	simm.s32 $0x9;
	_ =	strace $0x80000048  }
0xb4: {  	_ =	swait.ge [sflag:s29], $0x1  }
0xb5: {  	[sflag:s29] =	ssyncadd.s32 $0xFFFFFFFF  }
0xb6: {  	_ =	strace $0x90000048  }
0xb7: {  	_ =	sfence  }
0xb8: {  	s30 =	sld [smem:$0x0];
	_ =	sdelay $0x2  }
0xb9: {  	s31 =	sshll.u32 s1, $0xD;
	s1 =	sshrl.u32 s1, $0x2  }
0xba: {  	s3 =	sand.u32 $0x4000, s31;
	s1 =	sadd.s32 s1, s30  }
0xbb: {  	s0 =	sor.u32 s3, s0;
	s1 =	sshll.u32 s1, $0x11  }
0xbc: {  	s0 =	sor.u32 s1, s0  }
0xbd: {  	s0 =	sadd.s32 $0x8F2B, s0  }
0xbe: {  	[sflag:s0] =	ssyncadd.remote.s32 $0x1  }
0xbf: {  	_ =	sfence.sel $0xFFFF  }
0xc0: {  	[dreg:$0x0] =	wrdreg $0xFFFFFFFF;
	(pc) =	sbr.abs _section_cstart, $3  }
0xc1: {  	[dreg:$0x1] =	wrdreg $0xFFFFFFFF  }
0xc2: {  	_ =	task.clear_ibuf [dreg:s7], $0x2FFFF;
	_ =	strace $0x9FFFFFFF  }
0xc3: {  	(tm) =	ssettm $0x7FFFFFFF  }
tec
execute0_lowered:
.L_overlay_start_1:
0x0: {  	(tag) =	ssettag $0x1  }
0x1: {  	s2 =	rddreg [dreg:$0x0]  }
0x2: {  	s7 =	rddreg [dreg:$0x1]  }
0x3: {  	s3 =	rddreg [dreg:$0x2]  }
0x4: {  	s0 =	rddreg [dreg:$0x3]  }
0x5: {  	s1 =	stileid.u32;
	s5 =	srdreg.scid;
	s4 =	simm.s32 $0x0  }
0x6: {  	s15 =	simm.s32 $0x80;
	s16 =	simm.s32 $0x2800;
	s17 =	simm.s32 $0x4800  }
0x7: {  	s18 =	simm.s32 $0x1;
	s19 =	simm.s32 $0x6800;
	s20 =	simm.s32 $0x2  }
0x8: {  	s8 =	smul.u32 $0x14000, s1;
	s9 =	sand.u32 $0x1, s5;
	[smem:$0x7FF] =	sst s4  }
0x9: {  	s5 =	sadd.s32 $0x2200, s7;
	s6 =	sadd.s32 $0xC200, s7;
	s13 =	sshll.u32 s1, $0x1  }
0xa: {  	s31 =	sshll.u32 s1, $0x6;
	s10 =	smul.u32 $0x140000, s9;
	_ =	strace $0x80000047  }
0xb: {  	s12 =	ssub.s32 $0x2, s9;
	s9 =	sor.u32 s9, s13;
	s13 =	simm.s32 $0x3  }
0xc: {  	s11 =	sshrl.u32 s8, $0x3;
	s30 =	sshrl.u32 s12, $0x1;
	s14 =	sadd.s32 s8, s3  }
0xd: {  	s9 =	smul.u32 $0x2800, s9;
	s10 =	sadd.s32 s8, s10;
	s11 =	sadd.s32 s11, s7  }
0xe: {  	s12 =	ssub.s32 s12, s30;
	s8 =	sor.u32 $0x1C03, s31;
	s10 =	sshrl.u32 s10, $0x3  }
0xf: {  	s10 =	sadd.s32 s10, s7;
	s7 =	sadd.s32 $0x16200, s11;
	s11 =	smax.u32 s12, $0x1  }
0x10: {  	s12 =	sshrl.u32 s14, $0x3;
	s14 =	simm.s32 $0x1400;
	s10 =	sadd.s32 $0x3E200, s10  }
.LBB2_1:
0x11: {  	[spmem:s12], [sflag:s8] =	dma.local [hbm:s7], $0x2800  }
0x12: {  	_ =	swait.ge [sflag:s13], $0x2800  }
0x13: {  	[sflag:s13] =	ssyncset.done $0x0  }
0x14: {  	[sflag:s13] =	ssyncadd.s32 $0xFFFFD800  }
0x15: {  	p1 =	por $0x1, $0x1;
	s21 =	simm.s32 $0x0;
	[bflag:$0x0] =	sbarrier.arrive $0xFFFF  }
.LBB2_2:
0x16: {  	s21 =	sadd.s32 s9, s21  }
0x17: {  	s22 =	sshrl.u32 s21, $0x3  }
0x18: {  	s21 =	simm.s32 $0x0;
	s23 =	sadd.s32 s5, s22  }
0x19: {  	[tilespmem:s21], [sflag:$0x3] =	stream.linear.gather [hbm4b:s23+s21], $0x1400, $0x38;
	[tilespmem:$0x1E800] =	vst v63  }
0x1a: {  	_ =	swait.ge [sflag:s13], $0x1400  }
0x1b: {  	[sflag:s13] =	ssyncset.done $0x0  }
0x1c: {  	s22 =	sadd.s32 s6, s22;
	[sflag:s13] =	ssyncadd.s32 $0xFFFFEC00  }
0x1d: {  	[tilespmem:s14], [sflag:$0x3] =	stream.linear.gather [hbm4b:s22+s21], $0x1400, $0x38;
	[tilespmem:$0x1E800] =	vst v63  }
0x1e: {  	_ =	swait.ge [sflag:s13], $0x1400  }
0x1f: {  	[sflag:s13] =	ssyncset.done $0x0  }
0x20: {  	[sflag:s13] =	ssyncadd.s32 $0xFFFFEC00  }
0x21: {  	[tilespmem:s16], [sflag:$0x1] =	stream.indirect.gather [hbm4b:s2+s15], $0x40, s21, s15, $0xb8;
	[tilespmem:$0x1E800] =	vst v63  }
0x22: {  	p0 =	por p1, p1  }
0x23: {  	[tilespmem:s17], [sflag:$0x2] =	stream.indirect.gather [hbm4b:s2+s15], $0x40, s15, s15, $0xb8;
	[tilespmem:$0x1E800] =	vst v63  }
.LBB2_3:
0x24: {  	_ =	swait.ge [sflag:s18], $0x2000  }
0x25: {  	[sflag:s18] =	ssyncset.done $0x0  }
0x26: {  	s23 =	simm.s32 $0x0;
	[sflag:s18] =	ssyncadd.s32 $0xFFFFE000  }
0x27: {  	v0 =	vld [tilespmem:s23+$0x2800];
	_ =	sdelay $0x4  }
0x28: {  	s22 =	simm.s32 $0x6840;
	v1 =	vshll.u32 v0, $0x10  }
0x29: {  	v0 =	vand.u32 $0xFFFF0000, v0;
	[tilespmem:s22+$0xFFFFFFC0] =	vst v1  }
0x2a: {  	[tilespmem:s22+$0xFFFFFFD0] =	vst v0  }
0x2b: {  	v0 =	vld [tilespmem:s23+$0x2810];
	_ =	sdelay $0x4  }
0x2c: {  	v1 =	vshll.u32 v0, $0x10  }
0x2d: {  	v0 =	vand.u32 $0xFFFF0000, v0;
	[tilespmem:s22+$0xFFFFFFE0] =	vst v1  }
0x2e: {  	[tilespmem:s22+$0xFFFFFFF0] =	vst v0  }
0x2f: {  	v0 =	vld [tilespmem:s23+$0x2820];
	_ =	sdelay $0x4  }
0x30: {  	v1 =	vand.u32 $0xFFFF0000, v0  }
0x31: {  	v0 =	vshll.u32 v0, $0x10;
	[tilespmem:s22+$0x10] =	vst v1  }
0x32: {  	[tilespmem:s22+$0x0] =	vst v0  }
0x33: {  	v0 =	vld [tilespmem:s23+$0x2830];
	_ =	sdelay $0x4  }
0x34: {  	v1 =	vshll.u32 v0, $0x10  }
0x35: {  	v0 =	vand.u32 $0xFFFF0000, v0;
	[tilespmem:s22+$0x20] =	vst v1  }
0x36: {  	s23 =	simm.s32 $0x40;
	[tilespmem:s22+$0x30] =	vst v0  }
0x37: {  	v0 =	vld [tilespmem:s23+$0x2800]  }
0x38: {  	s24 =	simm.s32 $0x200  }
.LBB2_4:
0x39: {  	p1 =	sne.s32 s24, $0x7F00;
	_ =	sdelay $0x2  }
0x3a: {  	s22 =	sadd.s32 $0x80, s22;
	v1 =	vshll.u32 v0, $0x10  }
0x3b: {  	v0 =	vand.u32 $0xFFFF0000, v0;
	[tilespmem:s22+$0xFFFFFFC0] =	vst v1  }
0x3c: {  	[tilespmem:s22+$0xFFFFFFD0] =	vst v0  }
0x3d: {  	v0 =	vld [tilespmem:s23+$0x2810];
	_ =	sdelay $0x4  }
0x3e: {  	v1 =	vshll.u32 v0, $0x10  }
0x3f: {  	v0 =	vand.u32 $0xFFFF0000, v0;
	[tilespmem:s22+$0xFFFFFFE0] =	vst v1  }
0x40: {  	[tilespmem:s22+$0xFFFFFFF0] =	vst v0  }
0x41: {  	v0 =	vld [tilespmem:s23+$0x2820];
	_ =	sdelay $0x4  }
0x42: {  	v1 =	vshll.u32 v0, $0x10;
	v0 =	vand.u32 $0xFFFF0000, v0  }
0x43: {  	[tilespmem:s22+$0x10] =	vst v0  }
0x44: {  	[tilespmem:s22+$0x0] =	vst v1  }
0x45: {  	v0 =	vld [tilespmem:s23+$0x2830];
	_ =	sdelay $0x4  }
.Ltmp0:
0x46: {  	v1 =	vshll.u32 v0, $0x10;
	v0 =	vand.u32 $0xFFFF0000, v0;
	(pc) =	sbr.rel @p1 .LBB2_4-.Ltmp0, $4  }
0x47: {  	[tilespmem:s22+$0x20] =	vst v1  }
0x48: {  	s23 =	sshra.s32 s24, $0x2;
	[tilespmem:s22+$0x30] =	vst v0  }
0x49: {  	v0 =	vld [tilespmem:s23+$0x2800]  }
0x4a: {  	s24 =	sadd.s32 $0x100, s24  }
0x4b: {  	_ =	sdelay $0x2  }
0x4c: {  	s24 =	sadd.s32 $0x80, s22;
	v1 =	vshll.u32 v0, $0x10  }
0x4d: {  	v0 =	vand.u32 $0xFFFF0000, v0;
	[tilespmem:s24+$0xFFFFFFC0] =	vst v1  }
0x4e: {  	[tilespmem:s24+$0xFFFFFFD0] =	vst v0  }
0x4f: {  	v0 =	vld [tilespmem:s23+$0x2810];
	_ =	sdelay $0x4  }
0x50: {  	v1 =	vshll.u32 v0, $0x10  }
0x51: {  	v0 =	vand.u32 $0xFFFF0000, v0;
	[tilespmem:s24+$0xFFFFFFE0] =	vst v1  }
0x52: {  	[tilespmem:s24+$0xFFFFFFF0] =	vst v0  }
0x53: {  	v0 =	vld [tilespmem:s23+$0x2820];
	_ =	sdelay $0x4  }
0x54: {  	v1 =	vand.u32 $0xFFFF0000, v0  }
0x55: {  	v0 =	vshll.u32 v0, $0x10;
	[tilespmem:s24+$0x10] =	vst v1  }
0x56: {  	[tilespmem:s24+$0x0] =	vst v0  }
0x57: {  	v0 =	vld [tilespmem:s23+$0x2830];
	_ =	sdelay $0x4  }
0x58: {  	p1 =	seq.s32 s21, $0x13;
	s23 =	sshll.u32 s21, $0xA;
	v1 =	vshll.u32 v0, $0x10  }
0x59: {  	s25 =	simm.s32 @!p1 $0x80;
	s22 =	sshrl.u32 @!p1 s23, $0x2;
	v0 =	vand.u32 $0xFFFF0000, v0;
	[tilespmem:s24+$0x20] =	vst v1  }
0x5a: {  	s26 =	simm.s32 @!p1 $0x2800;
	s23 =	sshrl.u32 s23, $0x2;
	[tilespmem:s24+$0x30] =	vst v0;
	s24 =	sadd.s32 @!p1 $0x100, s22  }
0x5b: {  	[tilespmem:s26], [sflag:$0x1] =	stream.indirect.gather @!p1 [hbm4b:s2+s25], $0x40, s24, s25, $0xb8;
	[tilespmem:$0x1E800] =	vst v63  }
0x5c: {  	s30 =	sadd.s32 $0x1400, s23  }
0x5d: {  	[spmem:s3] =	stream.indirect.scatter.add.f32 [tilespmem:s19], [sflag:$0x3], $0x80, s30, s15, $0xb8;
	[tilespmem:$0x1E800] =	vst v63  }
0x5e: {  	_ =	swait.ge [sflag:s13], $0x4000  }
0x5f: {  	[sflag:s13] =	ssyncset.done $0x0  }
0x60: {  	[sflag:s13] =	ssyncadd.s32 $0xFFFFC000  }
0x61: {  	_ =	swait.ge [sflag:s20], $0x2000  }
0x62: {  	[sflag:s20] =	ssyncset.done $0x0  }
0x63: {  	s31 =	simm.s32 $0x0;
	[sflag:s20] =	ssyncadd.s32 $0xFFFFE000  }
0x64: {  	v0 =	vld [tilespmem:s31+$0x4800];
	_ =	sdelay $0x4  }
0x65: {  	s24 =	simm.s32 $0x6840;
	v1 =	vshll.u32 v0, $0x10  }
0x66: {  	v0 =	vand.u32 $0xFFFF0000, v0;
	[tilespmem:s24+$0xFFFFFFC0] =	vst v1  }
0x67: {  	[tilespmem:s24+$0xFFFFFFD0] =	vst v0  }
0x68: {  	v0 =	vld [tilespmem:s31+$0x4810];
	_ =	sdelay $0x4  }
0x69: {  	v1 =	vshll.u32 v0, $0x10  }
0x6a: {  	v0 =	vand.u32 $0xFFFF0000, v0;
	[tilespmem:s24+$0xFFFFFFE0] =	vst v1  }
0x6b: {  	[tilespmem:s24+$0xFFFFFFF0] =	vst v0  }
0x6c: {  	v0 =	vld [tilespmem:s31+$0x4820];
	_ =	sdelay $0x4  }
0x6d: {  	v1 =	vand.u32 $0xFFFF0000, v0  }
0x6e: {  	v0 =	vshll.u32 v0, $0x10;
	[tilespmem:s24+$0x10] =	vst v1  }
0x6f: {  	[tilespmem:s24+$0x0] =	vst v0  }
0x70: {  	v0 =	vld [tilespmem:s31+$0x4830];
	_ =	sdelay $0x4  }
0x71: {  	v1 =	vshll.u32 v0, $0x10  }
0x72: {  	v0 =	vand.u32 $0xFFFF0000, v0;
	[tilespmem:s24+$0x20] =	vst v1  }
0x73: {  	s25 =	simm.s32 $0x40;
	[tilespmem:s24+$0x30] =	vst v0  }
0x74: {  	v0 =	vld [tilespmem:s25+$0x4800]  }
0x75: {  	s26 =	simm.s32 $0x200  }
.LBB2_6:
0x76: {  	p2 =	sne.s32 s26, $0x7F00;
	_ =	sdelay $0x2  }
0x77: {  	s24 =	sadd.s32 $0x80, s24;
	v1 =	vshll.u32 v0, $0x10  }
0x78: {  	v0 =	vand.u32 $0xFFFF0000, v0;
	[tilespmem:s24+$0xFFFFFFC0] =	vst v1  }
0x79: {  	[tilespmem:s24+$0xFFFFFFD0] =	vst v0  }
0x7a: {  	v0 =	vld [tilespmem:s25+$0x4810];
	_ =	sdelay $0x4  }
0x7b: {  	v1 =	vshll.u32 v0, $0x10  }
0x7c: {  	v0 =	vand.u32 $0xFFFF0000, v0;
	[tilespmem:s24+$0xFFFFFFE0] =	vst v1  }
0x7d: {  	[tilespmem:s24+$0xFFFFFFF0] =	vst v0  }
0x7e: {  	v0 =	vld [tilespmem:s25+$0x4820];
	_ =	sdelay $0x4  }
0x7f: {  	v1 =	vshll.u32 v0, $0x10;
	v0 =	vand.u32 $0xFFFF0000, v0  }
0x80: {  	[tilespmem:s24+$0x10] =	vst v0  }
0x81: {  	[tilespmem:s24+$0x0] =	vst v1  }
0x82: {  	v0 =	vld [tilespmem:s25+$0x4830];
	_ =	sdelay $0x4  }
.Ltmp1:
0x83: {  	v1 =	vshll.u32 v0, $0x10;
	v0 =	vand.u32 $0xFFFF0000, v0;
	(pc) =	sbr.rel @p2 .LBB2_6-.Ltmp1, $4  }
0x84: {  	[tilespmem:s24+$0x20] =	vst v1  }
0x85: {  	s25 =	sshra.s32 s26, $0x2;
	[tilespmem:s24+$0x30] =	vst v0  }
0x86: {  	v0 =	vld [tilespmem:s25+$0x4800]  }
0x87: {  	s26 =	sadd.s32 $0x100, s26  }
0x88: {  	_ =	sdelay $0x2  }
0x89: {  	s24 =	sadd.s32 $0x80, s24;
	v1 =	vshll.u32 v0, $0x10  }
0x8a: {  	v60 =	vand.u32 $0xFFFF0000, v0;
	[tilespmem:s24+$0xFFFFFFC0] =	vst v1  }
0x8b: {  	[tilespmem:s24+$0xFFFFFFD0] =	vst v60  }
0x8c: {  	v0 =	vld [tilespmem:s25+$0x4810];
	_ =	sdelay $0x4  }
0x8d: {  	v61 =	vshll.u32 v0, $0x10  }
0x8e: {  	v0 =	vand.u32 $0xFFFF0000, v0;
	[tilespmem:s24+$0xFFFFFFE0] =	vst v61  }
0x8f: {  	[tilespmem:s24+$0xFFFFFFF0] =	vst v0  }
0x90: {  	v0 =	vld [tilespmem:s25+$0x4820];
	_ =	sdelay $0x4  }
0x91: {  	v62 =	vand.u32 $0xFFFF0000, v0  }
0x92: {  	v0 =	vshll.u32 v0, $0x10;
	[tilespmem:s24+$0x10] =	vst v62  }
0x93: {  	[tilespmem:s24+$0x0] =	vst v0  }
0x94: {  	v0 =	vld [tilespmem:s25+$0x4830];
	_ =	sdelay $0x4  }
0x95: {  	v63 =	vshll.u32 v0, $0x10  }
0x96: {  	s22 =	sadd.s32 @!p1 $0x180, s22;
	v0 =	vand.u32 $0xFFFF0000, v0;
	[tilespmem:s24+$0x20] =	vst v63  }
0x97: {  	s21 =	sadd.s32 $0x1, s21;
	s25 =	simm.s32 @!p1 $0x4800;
	[tilespmem:s24+$0x30] =	vst v0;
	s24 =	simm.s32 @!p1 $0x80  }
0x98: {  	[tilespmem:s25], [sflag:$0x2] =	stream.indirect.gather @!p1 [hbm4b:s2+s24], $0x40, s22, s24, $0xb8;
	[tilespmem:$0x1E800] =	vst v63  }
0x99: {  	p1 =	sne.s32 s21, $0x14  }
.Ltmp2:
0x9a: {  	s31 =	sadd.s32 $0x1480, s23;
	(pc) =	sbr.rel @p1 .LBB2_3-.Ltmp2, $4  }
0x9b: {  	[spmem:s3] =	stream.indirect.scatter.add.f32 [tilespmem:s19], [sflag:$0x3], $0x80, s31, s15, $0xb8;
	[tilespmem:$0x1E800] =	vst v63  }
0x9c: {  	_ =	swait.ge [sflag:s13], $0x4000  }
0x9d: {  	[sflag:s13] =	ssyncset.done $0x0  }
0x9e: {  	[sflag:s13] =	ssyncadd.s32 $0xFFFFC000  }
.Ltmp3:
0x9f: {  	(pc) =	sbr.rel @p0 .LBB2_2-.Ltmp3, $2  }
0xa0: {  	_ =	sdelay $0x2  }
0xa1: {  	s21 =	simm.s32 $0x1400;
	p1 =	por $0x0, $0x0  }
0xa2: {  	s4 =	sadd.s32 $0x1, s4  }
0xa3: {  	p0 =	sne.s32 s4, s11  }
.Ltmp4:
0xa4: {  	[bflag:$0x0] =	sbarrier.arrive $0xFFFF;
	(pc) =	sbr.rel @p0 .LBB2_1-.Ltmp4, $4  }
0xa5: {  	[hbm:s10], [sflag:s8] =	dma.local [spmem:s12], $0x2800  }
0xa6: {  	_ =	swait.ge [sflag:s13], $0x2800  }
0xa7: {  	[sflag:s13] =	ssyncset.done $0x0  }
0xa8: {  	[sflag:s13] =	ssyncadd.s32 $0xFFFFD800  }
0xa9: {  	_ =	sfence.sel $0x180000  }
0xaa: {  	[bflag:$0x0] =	sbarrier.arrive $0xFFFF  }
0xab: {  	p0 =	sne.s32 s1, $0x0;
	_ =	strace $0x90000047  }
0xac: {  	s0 =	sadd.s32 @!p0 $0x100000, s0;
	[bflag:$0x2] =	sbarrier.arrive $0xFFFF  }
0xad: {  	[sflag:s0] =	ssyncadd.tile.s32 @!p0 $0x1;
	_ =	shalt  }
.Lfunc_end2:
_tile_overlayer_lowered:
.L_overlay_start_2:
0xae: {  	(tag) =	ssettag $0x2  }
0xaf: {  	s0 =	rddreg [dreg:$0x0];
	s2 =	stileid.u32  }
0xb0: {  	s1 =	rddreg [dreg:$0x1];
	p0 =	sne.s32 s2, $0x0  }
0xb1: {  	s3 =	rddreg [dreg:$0x2];
	[bflag:$0x3] =	sbarrier.arrive $0xFFFF;
	s2 =	simm.s32 @!p0 $0x1C03  }
0xb2: {  	[timem:s3], [sflag:s2] =	dma.local @!p0 [hbm:s0], s1  }
0xb3: {  	s0 =	simm.s32 @!p0 $0x3  }
0xb4: {  	_ =	swait.ge @!p0 [sflag:s0], s1  }
0xb5: {  	s1 =	ssub.s32 @!p0 $0x0, s1;
	[sflag:s0] =	ssyncset.done @!p0 $0x0  }
0xb6: {  	[sflag:s0] =	ssyncadd.s32 @!p0 s1  }
0xb7: {  	[bflag:$0x3] =	sbarrier.arrive $0xFFFF  }
0xb8: {  	_ =	shalt  }

</sc_bundles>
